<compile_context>
chip_gen: v7x
topology: tpu7x:2x2x1
jax: 0.10.2.dev20260603
libtpu: 0.0.44.dev20260713+nightly
codegen_flags: <defaults>
</compile_context>

<pallas_src>
import functools

import jax
import jax.numpy as jnp
from jax import lax
from jax.experimental import pallas as pl
from jax.experimental.pallas import tpu as pltpu, tpu_sc as plsc

N = 10000
NP = 10112
E = 320000
D = 128
D_EDGE = 16
K = 128
NCHUNK = E // K
NW = 32
ROWS_PER_SUB = NP // 16
EPT = E // NW
CPT = 79
E2 = 324000
MAX_CHUNKS = (NCHUNK + NW - 1) // NW


def _prep_body(x_ref, g_ref, b_ref, w_ref, xn_ref, m0_ref):
    xb = x_ref[...]
    mean = jnp.mean(xb, axis=0, keepdims=True)
    xc = xb - mean
    var = jnp.mean(xc * xc, axis=0, keepdims=True)
    xn = xc * lax.rsqrt(var + 1e-5) * g_ref[...] + b_ref[...]
    xn_ref[...] = xn
    m0_ref[...] = jnp.dot(xn, w_ref[...], preferred_element_type=jnp.float32)


def _tc_prep(x, g2, b2, w0):
    return pl.pallas_call(
        _prep_body,
        out_shape=[jax.ShapeDtypeStruct((N, D), jnp.float32)] * 2,
    )(x, g2, b2, w0)


_BE = 4000


def _ea_body(a_ref, w_ref, o_ref):
    o_ref[...] = lax.dot_general(
        a_ref[...], w_ref[...], (((1,), (1,)), ((), ())),
        preferred_element_type=jnp.float32)


def _tc_ea(edge_attr, w_edge):
    return pl.pallas_call(
        _ea_body,
        grid=(E2 // _BE,),
        in_specs=[
            pl.BlockSpec((_BE, D_EDGE), lambda i: (i, 0)),
            pl.BlockSpec((D, D_EDGE), lambda i: (0, 0)),
        ],
        out_specs=pl.BlockSpec((_BE, D), lambda i: (i, 0)),
        out_shape=jax.ShapeDtypeStruct((E2, D), jnp.float32),
    )(edge_attr, w_edge)


def _sc_body(m_hbm, ea_hbm, eip_hbm, zd_hbm, out_p,
             idxa, idxb, rowsa, rowsb, eab, agg_sh,
             sem_i, sem_ga, sem_gb, sem_e, sem_sa, sem_sb):
    c = lax.axis_index("c")
    s = lax.axis_index("s")
    wid = c * 16 + s
    row0 = pl.multiple_of(s * ROWS_PER_SUB, 8)

    pltpu.sync_copy(zd_hbm.at[pl.ds(row0, ROWS_PER_SUB)],
                    agg_sh.at[pl.ds(row0, ROWS_PER_SUB)])
    plsc.subcore_barrier()

    def compute(rows_ref):
        def erow(r, carry2):
            for j in range(D // 16):
                sl = pl.ds(j * 16, 16)
                v = rows_ref[r, sl] + eab[r, sl]
                rows_ref[r, sl] = jnp.maximum(v, 0.0)
            return carry2

        lax.fori_loop(0, K, erow, 0)

    def ea_copy(g):
        base = pl.multiple_of(wid * EPT + g * K, 16)
        return pltpu.async_copy(ea_hbm.at[pl.ds(base, K)], eab, sem_e)

    def pair(t, carry):
        g0 = t * 2
        g1 = g0 + 1
        ha = pltpu.async_copy(eip_hbm.at[wid, g0], idxa, sem_i)
        hb = pltpu.async_copy(eip_hbm.at[wid, g1], idxb, sem_i)
        ha.wait()
        ga = pltpu.async_copy(m_hbm.at[idxa.at[0]], rowsa, sem_ga)
        he = ea_copy(g0)
        hb.wait()
        gb = pltpu.async_copy(m_hbm.at[idxb.at[0]], rowsb, sem_gb)
        ga.wait()
        he.wait()
        compute(rowsa)
        sa = pltpu.async_copy(rowsa, agg_sh.at[idxa.at[1]], sem_sa, add=True)
        he2 = ea_copy(g1)
        gb.wait()
        he2.wait()
        compute(rowsb)
        sa.wait()
        sb = pltpu.async_copy(rowsb, agg_sh.at[idxb.at[1]], sem_sb, add=True)
        sb.wait()
        return carry

    lax.fori_loop(0, CPT // 2, pair, 0)
    hx = pltpu.async_copy(eip_hbm.at[wid, CPT - 1], idxa, sem_i)
    hx.wait()
    gx = pltpu.async_copy(m_hbm.at[idxa.at[0]], rowsa, sem_ga)
    he = ea_copy(CPT - 1)
    gx.wait()
    he.wait()
    compute(rowsa)
    pltpu.sync_copy(rowsa, agg_sh.at[idxa.at[1]], add=True)
    plsc.subcore_barrier()
    pltpu.sync_copy(agg_sh.at[pl.ds(row0, ROWS_PER_SUB)], out_p.at[c, s])


_sc_agg = functools.partial(
    pl.kernel,
    mesh=plsc.VectorSubcoreMesh(core_axis_name="c", subcore_axis_name="s"),
    out_type=jax.ShapeDtypeStruct((2, 16, ROWS_PER_SUB, D), jnp.float32),
    scratch_types=(
        [pltpu.VMEM((2, K), jnp.int32)] * 2
        + [pltpu.VMEM((K, D), jnp.float32)] * 3
        + [pltpu.VMEM_SHARED((NP, D), jnp.float32)]
        + [pltpu.SemaphoreType.DMA] * 6
    ),
)(_sc_body)


def _sc_cnt_body(dst_hbm, zd_hbm, ones_hbm, out_c, idx_d, ones_v, cnt_sh):
    c = lax.axis_index("c")
    s = lax.axis_index("s")
    wid = c * 16 + s
    row0 = pl.multiple_of(s * ROWS_PER_SUB, 8)

    pltpu.sync_copy(zd_hbm.at[pl.ds(row0, ROWS_PER_SUB)],
                    cnt_sh.at[pl.ds(row0, ROWS_PER_SUB)])
    pltpu.sync_copy(ones_hbm, ones_v)
    plsc.subcore_barrier()

    def chunk(g, carry):
        ci = wid + NW * g

        @pl.when(ci < NCHUNK)
        def _():
            base = pl.multiple_of(ci * K, K)
            pltpu.sync_copy(dst_hbm.at[pl.ds(base, K)], idx_d)
            pltpu.sync_copy(ones_v, cnt_sh.at[idx_d], add=True)

        return carry

    lax.fori_loop(0, MAX_CHUNKS, chunk, 0)
    plsc.subcore_barrier()
    pltpu.sync_copy(cnt_sh.at[pl.ds(row0, ROWS_PER_SUB)], out_c.at[c, s])


_sc_cnt = functools.partial(
    pl.kernel,
    mesh=plsc.VectorSubcoreMesh(core_axis_name="c", subcore_axis_name="s"),
    out_type=jax.ShapeDtypeStruct((2, 16, ROWS_PER_SUB, D), jnp.float32),
    scratch_types=[
        pltpu.VMEM((K,), jnp.int32),
        pltpu.VMEM((K, D), jnp.float32),
        pltpu.VMEM_SHARED((NP, D), jnp.float32),
    ],
)(_sc_cnt_body)


_BN = 1000


def _gru_body(final, p_ref, c_ref, h_ref, wih_ref, whh_ref, bih_ref, bhh_ref,
              wg_ref, h_out, *m_out):
    p = p_ref[...]
    agg_sum = p[0] + p[1]
    cp = c_ref[...]
    cnt = cp[0, :, 0:1] + cp[1, :, 0:1]
    denom = jnp.maximum(cnt, 1.0)
    agg = agg_sum / denom
    hb = h_ref[...]
    gi = lax.dot_general(agg, wih_ref[...], (((1,), (1,)), ((), ())),
                         preferred_element_type=jnp.float32) + bih_ref[...]
    gh = lax.dot_general(hb, whh_ref[...], (((1,), (1,)), ((), ())),
                         preferred_element_type=jnp.float32) + bhh_ref[...]
    r = jax.nn.sigmoid(gi[:, :D] + gh[:, :D])
    z = jax.nn.sigmoid(gi[:, D:2 * D] + gh[:, D:2 * D])
    n = jnp.tanh(gi[:, 2 * D:] + r * gh[:, 2 * D:])
    hn = (1.0 - z) * n + z * hb
    if final:
        h_out[...] = jnp.maximum(hn, 0.0)
    else:
        h_out[...] = hn
        m_out[0][...] = jnp.dot(hn, wg_ref[...],
                                preferred_element_type=jnp.float32)


def _make_gru(final):
    out_shape = [jax.ShapeDtypeStruct((N, D), jnp.float32)]
    if not final:
        out_shape.append(jax.ShapeDtypeStruct((N, D), jnp.float32))
    return pl.pallas_call(
        functools.partial(_gru_body, final),
        grid=(N // _BN,),
        in_specs=[
            pl.BlockSpec((2, _BN, D), lambda i: (0, i, 0)),
            pl.BlockSpec((2, _BN, D), lambda i: (0, i, 0)),
            pl.BlockSpec((_BN, D), lambda i: (i, 0)),
            pl.BlockSpec((3 * D, D), lambda i: (0, 0)),
            pl.BlockSpec((3 * D, D), lambda i: (0, 0)),
            pl.BlockSpec((1, 3 * D), lambda i: (0, 0)),
            pl.BlockSpec((1, 3 * D), lambda i: (0, 0)),
            pl.BlockSpec((D, D), lambda i: (0, 0)),
        ],
        out_specs=[pl.BlockSpec((_BN, D), lambda i: (i, 0))] * len(out_shape),
        out_shape=out_shape,
    )


def kernel(x, edge_index, edge_attr, bn_gamma, bn_beta, W_edge, ggc_weight,
           w_ih, w_hh, b_ih, b_hh):
    src = edge_index[0].astype(jnp.int32)
    dst = edge_index[1].astype(jnp.int32)
    srcp = jnp.pad(src.reshape(NW, EPT), ((0, 0), (0, CPT * K - EPT)),
                   constant_values=0).reshape(NW, CPT, K)
    dstp = jnp.pad(dst.reshape(NW, EPT), ((0, 0), (0, CPT * K - EPT)),
                   constant_values=N).reshape(NW, CPT, K)
    eip = jnp.stack([srcp, dstp], axis=2)
    ea_attr = jnp.pad(edge_attr, ((0, E2 - E), (0, 0)))
    g2 = bn_gamma.reshape(1, D)
    b2 = bn_beta.reshape(1, D)
    bih2 = b_ih.reshape(1, 3 * D)
    bhh2 = b_hh.reshape(1, 3 * D)
    zd = jnp.zeros((NP, D), jnp.float32)
    ones = jnp.ones((K, D), jnp.float32)

    x_norm, m0 = _tc_prep(x, g2, b2, ggc_weight[0])
    ea = _tc_ea(ea_attr, W_edge)

    c0 = _sc_cnt(dst, zd, ones)
    p0 = _sc_agg(m0, ea, eip, zd)
    p0 = p0.reshape(2, NP, D)
    c0 = c0.reshape(2, NP, D)
    h1, m1 = _make_gru(False)(p0, c0, x_norm, w_ih, w_hh, bih2, bhh2,
                              ggc_weight[1])

    p1 = _sc_agg(m1, ea, eip, zd)
    p1 = p1.reshape(2, NP, D)
    (out,) = _make_gru(True)(p1, c0, h1, w_ih, w_hh, bih2, bhh2,
                             ggc_weight[1])
    return out

# --- scband reference (transcript-rebuilt; emitter-appended) ---
"""Pipeline reference for scband-res-graph-module-1262720385735 (READ-ONLY COPY).

The authoritative reference and input builder live on the scoring server;
editing this copy changes nothing except your own understanding.
"""

import jax, jax.numpy as jnp
import numpy as np

N_NODES = 10000
N_EDGES = 320000
D = 128
D_EDGE = 16
NUM_LAYERS = 2

def setup_inputs(seed: int = 0) -> dict:
    key = jax.random.key(seed)
    ks = jax.random.split(key, 10)
    x = jax.random.normal(ks[0], (N_NODES, D), dtype=jnp.float32)
    edge_index = jax.random.randint(ks[1], (2, N_EDGES), 0, N_NODES, dtype=jnp.int64)
    edge_attr = jax.random.normal(ks[2], (N_EDGES, D_EDGE), dtype=jnp.float32)
    bn_gamma = jnp.ones((D,), dtype=jnp.float32)
    bn_beta = jnp.zeros((D,), dtype=jnp.float32)
    W_edge = jax.random.normal(ks[3], (D, D_EDGE), dtype=jnp.float32) * (1.0 / np.sqrt(D_EDGE))
    ggc_weight = jax.random.uniform(ks[4], (NUM_LAYERS, D, D), dtype=jnp.float32, minval=-1.0/np.sqrt(D), maxval=1.0/np.sqrt(D))
    std = 1.0 / np.sqrt(D)
    w_ih = jax.random.uniform(ks[5], (3 * D, D), dtype=jnp.float32, minval=-std, maxval=std)
    w_hh = jax.random.uniform(ks[6], (3 * D, D), dtype=jnp.float32, minval=-std, maxval=std)
    b_ih = jax.random.uniform(ks[7], (3 * D,), dtype=jnp.float32, minval=-std, maxval=std)
    b_hh = jax.random.uniform(ks[8], (3 * D,), dtype=jnp.float32, minval=-std, maxval=std)
    return {"x": x, "edge_index": edge_index, "edge_attr": edge_attr, "bn_gamma": bn_gamma, "bn_beta": bn_beta, "W_edge": W_edge, "ggc_weight": ggc_weight, "w_ih": w_ih, "w_hh": w_hh, "b_ih": b_ih, "b_hh": b_hh}

def _gru_cell(m, h, w_ih, w_hh, b_ih, b_hh):
    gi = m @ w_ih.T + b_ih
    gh = h @ w_hh.T + b_hh
    i_r, i_z, i_n = jnp.split(gi, 3, axis=-1)
    h_r, h_z, h_n = jnp.split(gh, 3, axis=-1)
    r = jax.nn.sigmoid(i_r + h_r)
    z = jax.nn.sigmoid(i_z + h_z)
    n = jnp.tanh(i_n + r * h_n)
    return (1.0 - z) * n + z * h

def reference(x, edge_index, edge_attr, bn_gamma, bn_beta, W_edge, ggc_weight, w_ih, w_hh, b_ih, b_hh):
    N = x.shape[0]
    # BatchNorm1d (training mode: batch statistics, biased variance)
    mean = jnp.mean(x, axis=0)
    var = jnp.var(x, axis=0)
    x = (x - mean) / jnp.sqrt(var + 1e-5) * bn_gamma + bn_beta
    # edge linear projection (no bias)
    ea = edge_attr @ W_edge.T
    src = edge_index[0]
    dst = edge_index[1]
    ones = jnp.ones((edge_index.shape[1],), dtype=x.dtype)
    cnt = jax.ops.segment_sum(ones, dst, num_segments=N)
    denom = jnp.clip(cnt, 1.0)[:, None]
    h = x
    for i in range(NUM_LAYERS):
        m = h @ ggc_weight[i]
        msg = jax.nn.relu(m[src] + ea)
        agg = jax.ops.segment_sum(msg, dst, num_segments=N) / denom
        h = _gru_cell(agg, h, w_ih, w_hh, b_ih, b_hh)
    return jax.nn.relu(h)

if __name__ == "__main__":
    import jax
    _d = setup_inputs()
    print(jax.jit(kernel)(*tuple(_d.values())))

</pallas_src>

<mosaic_0001>
#map = affine_map<(d0, d1) -> (0, 0)>
#map1 = affine_map<(d0, d1) -> (0, 0, 0, 0)>
module attributes {stable_mosaic.version = 14 : i64} {
  func.func @_sc_body(%arg0: i32, %arg1: i32, %arg2: memref<10000x128xf32, #tpu.memory_space<hbm>>, %arg3: memref<324000x128xf32, #tpu.memory_space<hbm>>, %arg4: memref<32x79x2x128xi32, #tpu.memory_space<hbm>>, %arg5: memref<10112x128xf32, #tpu.memory_space<hbm>>, %arg6: memref<2x16x632x128xf32, #tpu.memory_space<hbm>>, %arg7: memref<2x128xi32, #tpu.memory_space<vmem>>, %arg8: memref<2x128xi32, #tpu.memory_space<vmem>>, %arg9: memref<128x128xf32, #tpu.memory_space<vmem>>, %arg10: memref<128x128xf32, #tpu.memory_space<vmem>>, %arg11: memref<128x128xf32, #tpu.memory_space<vmem>>, %arg12: memref<10112x128xf32, #tpu.memory_space<vmem_shared>>, %arg13: memref<!tpu.dma_semaphore, #tpu.memory_space<semaphore_mem>>, %arg14: memref<!tpu.dma_semaphore, #tpu.memory_space<semaphore_mem>>, %arg15: memref<!tpu.dma_semaphore, #tpu.memory_space<semaphore_mem>>, %arg16: memref<!tpu.dma_semaphore, #tpu.memory_space<semaphore_mem>>, %arg17: memref<!tpu.dma_semaphore, #tpu.memory_space<semaphore_mem>>, %arg18: memref<!tpu.dma_semaphore, #tpu.memory_space<semaphore_mem>>) attributes {dimension_semantics = [#tpu.dimension_semantics<core_parallel>, #tpu.dimension_semantics<subcore_parallel>], iteration_bounds = array<i64: 2, 16>, scalar_prefetch = 0 : i64, scratch_operands = 12 : i64, tpu.core_type = #tpu.core_type<sc_vector_subcore>, window_params = [{transform_indices = #map}, {transform_indices = #map}, {transform_indices = #map1}, {transform_indices = #map}, {transform_indices = #map1}]} {
    %mul3A = arith.constant 16 : i32
    %mul3A_0 = arith.muli %arg0, %mul3A : i32
    %add3A = arith.addi %mul3A_0, %arg1 : i32
    %mul3A_1 = arith.constant 632 : i32
    %mul3A_2 = arith.muli %arg1, %mul3A_1 : i32
    %multiple_of3A = tpu.assume_multiple %mul3A_2, 8 : i32
    "tpu.region"() ({
      %run_scoped3A_58 = tpu.sem_alloc : memref<!tpu.dma_semaphore, #tpu.memory_space<semaphore_mem>>
      %dma_start3A_59 = arith.constant 0 : i32
      %dma_start3A_60 = tpu.memref_slice %arg12[%multiple_of3A, %dma_start3A_59] : memref<10112x128xf32, #tpu.memory_space<vmem_shared>> -> memref<632x128xf32, #tpu.memory_space<vmem_shared>>
      %dma_start3A_61 = arith.constant 0 : i32
      %dma_start3A_62 = tpu.memref_slice %arg5[%multiple_of3A, %dma_start3A_61] : memref<10112x128xf32, #tpu.memory_space<hbm>> -> memref<632x128xf32, #tpu.memory_space<hbm>>
      tpu.enqueue_dma source(%dma_start3A_62 : memref<632x128xf32, #tpu.memory_space<hbm>>) target(%dma_start3A_60 : memref<632x128xf32, #tpu.memory_space<vmem_shared>>) target_semaphore(%run_scoped3A_58 : memref<!tpu.dma_semaphore, #tpu.memory_space<semaphore_mem>>)
      %dma_wait3A_63 = arith.constant 0 : i32
      %dma_wait3A_64 = tpu.memref_slice %arg12[%multiple_of3A, %dma_wait3A_63] : memref<10112x128xf32, #tpu.memory_space<vmem_shared>> -> memref<632x128xf32, #tpu.memory_space<vmem_shared>>
      %dma_wait3A_65 = arith.constant 0 : i32
      %dma_wait3A_66 = tpu.memref_slice %arg5[%multiple_of3A, %dma_wait3A_65] : memref<10112x128xf32, #tpu.memory_space<hbm>> -> memref<632x128xf32, #tpu.memory_space<hbm>>
      tpu.wait_dma2 semaphore(%run_scoped3A_58 : memref<!tpu.dma_semaphore, #tpu.memory_space<semaphore_mem>>) src(%dma_wait3A_66 : memref<632x128xf32, #tpu.memory_space<hbm>>) dst(%dma_wait3A_64 : memref<632x128xf32, #tpu.memory_space<vmem_shared>>)
      tpu.yield
    }) : () -> ()
    %barrier3A = arith.constant 0 : index
    tpu.barrier barrier_id(%barrier3A)
    %scan3A = arith.constant 0 : i32
    %scan3A_3 = arith.constant 0 : i32
    %scan3A_4 = arith.constant 39 : i32
    %scan3A_5 = arith.addi %scan3A_3, %scan3A_4 : i32
    %scan3A_6 = arith.constant 1 : i32
    scf.for %scan3A_58 = %scan3A_3 to %scan3A_5 step %scan3A_6  : i32 {
      %mul3A_59 = arith.constant 2 : i32
      %mul3A_60 = arith.muli %scan3A_58, %mul3A_59 : i32
      %add3A_61 = arith.constant 1 : i32
      %add3A_62 = arith.addi %mul3A_60, %add3A_61 : i32
      %dma_start3A_63 = arith.constant 0 : i32
      %dma_start3A_64 = arith.constant 0 : i32
      %dma_start3A_65 = tpu.memref_slice %arg4[%add3A, %mul3A_60, %dma_start3A_63, %dma_start3A_64] : memref<32x79x2x128xi32, #tpu.memory_space<hbm>> -> memref<1x1x2x128xi32, #tpu.memory_space<hbm>>
      %dma_start3A_66 = tpu.memref_squeeze %dma_start3A_65 : memref<1x1x2x128xi32, #tpu.memory_space<hbm>> -> memref<2x128xi32, #tpu.memory_space<hbm>>
      %dma_start3A_67 = arith.constant 0 : i32
      %dma_start3A_68 = arith.constant 0 : i32
      %dma_start3A_69 = tpu.memref_slice %arg4[%add3A, %mul3A_60, %dma_start3A_67, %dma_start3A_68] : memref<32x79x2x128xi32, #tpu.memory_space<hbm>> -> memref<1x1x2x128xi32, #tpu.memory_space<hbm>>
      %dma_start3A_70 = tpu.memref_squeeze %dma_start3A_69 : memref<1x1x2x128xi32, #tpu.memory_space<hbm>> -> memref<2x128xi32, #tpu.memory_space<hbm>>
      tpu.enqueue_dma source(%dma_start3A_70 : memref<2x128xi32, #tpu.memory_space<hbm>>) target(%arg7 : memref<2x128xi32, #tpu.memory_space<vmem>>) target_semaphore(%arg13 : memref<!tpu.dma_semaphore, #tpu.memory_space<semaphore_mem>>)
      %dma_start3A_71 = arith.constant 0 : i32
      %dma_start3A_72 = arith.constant 0 : i32
      %dma_start3A_73 = tpu.memref_slice %arg4[%add3A, %add3A_62, %dma_start3A_71, %dma_start3A_72] : memref<32x79x2x128xi32, #tpu.memory_space<hbm>> -> memref<1x1x2x128xi32, #tpu.memory_space<hbm>>
      %dma_start3A_74 = tpu.memref_squeeze %dma_start3A_73 : memref<1x1x2x128xi32, #tpu.memory_space<hbm>> -> memref<2x128xi32, #tpu.memory_space<hbm>>
      %dma_start3A_75 = arith.constant 0 : i32
      %dma_start3A_76 = arith.constant 0 : i32
      %dma_start3A_77 = tpu.memref_slice %arg4[%add3A, %add3A_62, %dma_start3A_75, %dma_start3A_76] : memref<32x79x2x128xi32, #tpu.memory_space<hbm>> -> memref<1x1x2x128xi32, #tpu.memory_space<hbm>>
      %dma_start3A_78 = tpu.memref_squeeze %dma_start3A_77 : memref<1x1x2x128xi32, #tpu.memory_space<hbm>> -> memref<2x128xi32, #tpu.memory_space<hbm>>
      tpu.enqueue_dma source(%dma_start3A_78 : memref<2x128xi32, #tpu.memory_space<hbm>>) target(%arg8 : memref<2x128xi32, #tpu.memory_space<vmem>>) target_semaphore(%arg13 : memref<!tpu.dma_semaphore, #tpu.memory_space<semaphore_mem>>)
      %dma_wait3A_79 = arith.constant 0 : i32
      %dma_wait3A_80 = arith.constant 0 : i32
      %dma_wait3A_81 = tpu.memref_slice %arg4[%add3A, %mul3A_60, %dma_wait3A_79, %dma_wait3A_80] : memref<32x79x2x128xi32, #tpu.memory_space<hbm>> -> memref<1x1x2x128xi32, #tpu.memory_space<hbm>>
      %dma_wait3A_82 = tpu.memref_squeeze %dma_wait3A_81 : memref<1x1x2x128xi32, #tpu.memory_space<hbm>> -> memref<2x128xi32, #tpu.memory_space<hbm>>
      %dma_wait3A_83 = arith.constant 0 : i32
      %dma_wait3A_84 = arith.constant 0 : i32
      %dma_wait3A_85 = tpu.memref_slice %arg4[%add3A, %mul3A_60, %dma_wait3A_83, %dma_wait3A_84] : memref<32x79x2x128xi32, #tpu.memory_space<hbm>> -> memref<1x1x2x128xi32, #tpu.memory_space<hbm>>
      %dma_wait3A_86 = tpu.memref_squeeze %dma_wait3A_85 : memref<1x1x2x128xi32, #tpu.memory_space<hbm>> -> memref<2x128xi32, #tpu.memory_space<hbm>>
      tpu.wait_dma2 semaphore(%arg13 : memref<!tpu.dma_semaphore, #tpu.memory_space<semaphore_mem>>) src(%dma_wait3A_86 : memref<2x128xi32, #tpu.memory_space<hbm>>) dst(%arg7 : memref<2x128xi32, #tpu.memory_space<vmem>>)
      %dma_start3A_87 = arith.constant 0 : i32
      %dma_start3A_88 = arith.constant 0 : i32
      %dma_start3A_89 = tpu.memref_slice %arg7[%dma_start3A_87, %dma_start3A_88] : memref<2x128xi32, #tpu.memory_space<vmem>> -> memref<1x128xi32, #tpu.memory_space<vmem>>
      %dma_start3A_90 = tpu.memref_squeeze %dma_start3A_89 : memref<1x128xi32, #tpu.memory_space<vmem>> -> memref<128xi32, #tpu.memory_space<vmem>>
      %dma_start3A_91 = arith.constant 0 : i32
      %dma_start3A_92 = arith.constant 0 : i32
      %dma_start3A_93 = tpu.memref_slice %arg2[%dma_start3A_91, %dma_start3A_92] : memref<10000x128xf32, #tpu.memory_space<hbm>> -> memref<10000x128xf32, #tpu.memory_space<hbm>>
      tpu.enqueue_indirect_dma source(%dma_start3A_93 : memref<10000x128xf32, #tpu.memory_space<hbm>>) target(%arg9 : memref<128x128xf32, #tpu.memory_space<vmem>>) offsets(%dma_start3A_90 : memref<128xi32, #tpu.memory_space<vmem>>) semaphore(%arg14 : memref<!tpu.dma_semaphore, #tpu.memory_space<semaphore_mem>>)
      %mul3A_94 = arith.constant 10000 : i32
      %mul3A_95 = arith.muli %add3A, %mul3A_94 : i32
      %mul3A_96 = arith.constant 128 : i32
      %mul3A_97 = arith.muli %mul3A_60, %mul3A_96 : i32
      %add3A_98 = arith.addi %mul3A_95, %mul3A_97 : i32
      %multiple_of3A_99 = tpu.assume_multiple %add3A_98, 16 : i32
      %dma_start3A_100 = arith.constant 0 : i32
      %dma_start3A_101 = tpu.memref_slice %arg3[%multiple_of3A_99, %dma_start3A_100] : memref<324000x128xf32, #tpu.memory_space<hbm>> -> memref<128x128xf32, #tpu.memory_space<hbm>>
      %dma_start3A_102 = arith.constant 0 : i32
      %dma_start3A_103 = tpu.memref_slice %arg3[%multiple_of3A_99, %dma_start3A_102] : memref<324000x128xf32, #tpu.memory_space<hbm>> -> memref<128x128xf32, #tpu.memory_space<hbm>>
      tpu.enqueue_dma source(%dma_start3A_103 : memref<128x128xf32, #tpu.memory_space<hbm>>) target(%arg11 : memref<128x128xf32, #tpu.memory_space<vmem>>) target_semaphore(%arg16 : memref<!tpu.dma_semaphore, #tpu.memory_space<semaphore_mem>>)
      %dma_wait3A_104 = arith.constant 0 : i32
      %dma_wait3A_105 = arith.constant 0 : i32
      %dma_wait3A_106 = tpu.memref_slice %arg4[%add3A, %add3A_62, %dma_wait3A_104, %dma_wait3A_105] : memref<32x79x2x128xi32, #tpu.memory_space<hbm>> -> memref<1x1x2x128xi32, #tpu.memory_space<hbm>>
      %dma_wait3A_107 = tpu.memref_squeeze %dma_wait3A_106 : memref<1x1x2x128xi32, #tpu.memory_space<hbm>> -> memref<2x128xi32, #tpu.memory_space<hbm>>
      %dma_wait3A_108 = arith.constant 0 : i32
      %dma_wait3A_109 = arith.constant 0 : i32
      %dma_wait3A_110 = tpu.memref_slice %arg4[%add3A, %add3A_62, %dma_wait3A_108, %dma_wait3A_109] : memref<32x79x2x128xi32, #tpu.memory_space<hbm>> -> memref<1x1x2x128xi32, #tpu.memory_space<hbm>>
      %dma_wait3A_111 = tpu.memref_squeeze %dma_wait3A_110 : memref<1x1x2x128xi32, #tpu.memory_space<hbm>> -> memref<2x128xi32, #tpu.memory_space<hbm>>
      tpu.wait_dma2 semaphore(%arg13 : memref<!tpu.dma_semaphore, #tpu.memory_space<semaphore_mem>>) src(%dma_wait3A_111 : memref<2x128xi32, #tpu.memory_space<hbm>>) dst(%arg8 : memref<2x128xi32, #tpu.memory_space<vmem>>)
      %dma_start3A_112 = arith.constant 0 : i32
      %dma_start3A_113 = arith.constant 0 : i32
      %dma_start3A_114 = tpu.memref_slice %arg8[%dma_start3A_112, %dma_start3A_113] : memref<2x128xi32, #tpu.memory_space<vmem>> -> memref<1x128xi32, #tpu.memory_space<vmem>>
      %dma_start3A_115 = tpu.memref_squeeze %dma_start3A_114 : memref<1x128xi32, #tpu.memory_space<vmem>> -> memref<128xi32, #tpu.memory_space<vmem>>
      %dma_start3A_116 = arith.constant 0 : i32
      %dma_start3A_117 = arith.constant 0 : i32
      %dma_start3A_118 = tpu.memref_slice %arg2[%dma_start3A_116, %dma_start3A_117] : memref<10000x128xf32, #tpu.memory_space<hbm>> -> memref<10000x128xf32, #tpu.memory_space<hbm>>
      tpu.enqueue_indirect_dma source(%dma_start3A_118 : memref<10000x128xf32, #tpu.memory_space<hbm>>) target(%arg10 : memref<128x128xf32, #tpu.memory_space<vmem>>) offsets(%dma_start3A_115 : memref<128xi32, #tpu.memory_space<vmem>>) semaphore(%arg15 : memref<!tpu.dma_semaphore, #tpu.memory_space<semaphore_mem>>)
      %dma_wait3A_119 = arith.constant 0 : i32
      %dma_wait3A_120 = arith.constant 0 : i32
      %dma_wait3A_121 = tpu.memref_slice %arg7[%dma_wait3A_119, %dma_wait3A_120] : memref<2x128xi32, #tpu.memory_space<vmem>> -> memref<1x128xi32, #tpu.memory_space<vmem>>
      %dma_wait3A_122 = tpu.memref_squeeze %dma_wait3A_121 : memref<1x128xi32, #tpu.memory_space<vmem>> -> memref<128xi32, #tpu.memory_space<vmem>>
      %dma_wait3A_123 = arith.constant 0 : i32
      %dma_wait3A_124 = arith.constant 0 : i32
      %dma_wait3A_125 = tpu.memref_slice %arg2[%dma_wait3A_123, %dma_wait3A_124] : memref<10000x128xf32, #tpu.memory_space<hbm>> -> memref<10000x128xf32, #tpu.memory_space<hbm>>
      tpu.wait_indirect_dma semaphore(%arg14 : memref<!tpu.dma_semaphore, #tpu.memory_space<semaphore_mem>>) src(%dma_wait3A_125 : memref<10000x128xf32, #tpu.memory_space<hbm>>) dst(%arg9 : memref<128x128xf32, #tpu.memory_space<vmem>>)
      %dma_wait3A_126 = arith.constant 0 : i32
      %dma_wait3A_127 = tpu.memref_slice %arg3[%multiple_of3A_99, %dma_wait3A_126] : memref<324000x128xf32, #tpu.memory_space<hbm>> -> memref<128x128xf32, #tpu.memory_space<hbm>>
      %dma_wait3A_128 = arith.constant 0 : i32
      %dma_wait3A_129 = tpu.memref_slice %arg3[%multiple_of3A_99, %dma_wait3A_128] : memref<324000x128xf32, #tpu.memory_space<hbm>> -> memref<128x128xf32, #tpu.memory_space<hbm>>
      tpu.wait_dma2 semaphore(%arg16 : memref<!tpu.dma_semaphore, #tpu.memory_space<semaphore_mem>>) src(%dma_wait3A_129 : memref<128x128xf32, #tpu.memory_space<hbm>>) dst(%arg11 : memref<128x128xf32, #tpu.memory_space<vmem>>)
      %scan3A_130 = arith.constant 0 : i32
      %scan3A_131 = arith.constant 0 : i32
      %scan3A_132 = arith.constant 128 : i32
      %scan3A_133 = arith.addi %scan3A_131, %scan3A_132 : i32
      %scan3A_134 = arith.constant 1 : i32
      scf.for %scan3A_191 = %scan3A_131 to %scan3A_133 step %scan3A_134  : i32 {
        %get3A = arith.index_cast %scan3A_191 : i32 to index
        %get3A_192 = arith.constant 0 : index
        %get3A_193 = tpu.vector_load %arg9[%get3A, %get3A_192] {strides = array<i32>} : memref<128x128xf32, #tpu.memory_space<vmem>>, vector<1x16xf32>,
        %get3A_194 = vector.shape_cast %get3A_193 : vector<1x16xf32> to vector<16xf32>
        %get3A_195 = arith.index_cast %scan3A_191 : i32 to index
        %get3A_196 = arith.constant 0 : index
        %get3A_197 = tpu.vector_load %arg11[%get3A_195, %get3A_196] {strides = array<i32>} : memref<128x128xf32, #tpu.memory_space<vmem>>, vector<1x16xf32>,
        %get3A_198 = vector.shape_cast %get3A_197 : vector<1x16xf32> to vector<16xf32>
        %add3A_199 = arith.addf %get3A_194, %get3A_198 : vector<16xf32>
        %max3A = arith.constant 0.000000e+00 : f32
        %max3A_200 = vector.broadcast %max3A : f32 to vector<16xf32>
        %max3A_201 = arith.maximumf %add3A_199, %max3A_200 : vector<16xf32>
        %swap3A = arith.index_cast %scan3A_191 : i32 to index
        %swap3A_202 = arith.constant 0 : index
        %swap3A_203 = tpu.vector_load %arg9[%swap3A, %swap3A_202] {strides = array<i32>} : memref<128x128xf32, #tpu.memory_space<vmem>>, vector<1x16xf32>,
        %swap3A_204 = vector.shape_cast %swap3A_203 : vector<1x16xf32> to vector<16xf32>
        %swap3A_205 = vector.shape_cast %max3A_201 : vector<16xf32> to vector<1x16xf32>
        tpu.vector_store %arg9[%swap3A, %swap3A_202], %swap3A_205 {strides = array<i32>} : memref<128x128xf32, #tpu.memory_space<vmem>>, vector<1x16xf32>,
        %get3A_206 = arith.index_cast %scan3A_191 : i32 to index
        %get3A_207 = arith.constant 16 : index
        %get3A_208 = tpu.vector_load %arg9[%get3A_206, %get3A_207] {strides = array<i32>} : memref<128x128xf32, #tpu.memory_space<vmem>>, vector<1x16xf32>,
        %get3A_209 = vector.shape_cast %get3A_208 : vector<1x16xf32> to vector<16xf32>
        %get3A_210 = arith.index_cast %scan3A_191 : i32 to index
        %get3A_211 = arith.constant 16 : index
        %get3A_212 = tpu.vector_load %arg11[%get3A_210, %get3A_211] {strides = array<i32>} : memref<128x128xf32, #tpu.memory_space<vmem>>, vector<1x16xf32>,
        %get3A_213 = vector.shape_cast %get3A_212 : vector<1x16xf32> to vector<16xf32>
        %add3A_214 = arith.addf %get3A_209, %get3A_213 : vector<16xf32>
        %max3A_215 = arith.constant 0.000000e+00 : f32
        %max3A_216 = vector.broadcast %max3A_215 : f32 to vector<16xf32>
        %max3A_217 = arith.maximumf %add3A_214, %max3A_216 : vector<16xf32>
        %swap3A_218 = arith.index_cast %scan3A_191 : i32 to index
        %swap3A_219 = arith.constant 16 : index
        %swap3A_220 = tpu.vector_load %arg9[%swap3A_218, %swap3A_219] {strides = array<i32>} : memref<128x128xf32, #tpu.memory_space<vmem>>, vector<1x16xf32>,
        %swap3A_221 = vector.shape_cast %swap3A_220 : vector<1x16xf32> to vector<16xf32>
        %swap3A_222 = vector.shape_cast %max3A_217 : vector<16xf32> to vector<1x16xf32>
        tpu.vector_store %arg9[%swap3A_218, %swap3A_219], %swap3A_222 {strides = array<i32>} : memref<128x128xf32, #tpu.memory_space<vmem>>, vector<1x16xf32>,
        %get3A_223 = arith.index_cast %scan3A_191 : i32 to index
        %get3A_224 = arith.constant 32 : index
        %get3A_225 = tpu.vector_load %arg9[%get3A_223, %get3A_224] {strides = array<i32>} : memref<128x128xf32, #tpu.memory_space<vmem>>, vector<1x16xf32>,
        %get3A_226 = vector.shape_cast %get3A_225 : vector<1x16xf32> to vector<16xf32>
        %get3A_227 = arith.index_cast %scan3A_191 : i32 to index
        %get3A_228 = arith.constant 32 : index
        %get3A_229 = tpu.vector_load %arg11[%get3A_227, %get3A_228] {strides = array<i32>} : memref<128x128xf32, #tpu.memory_space<vmem>>, vector<1x16xf32>,
        %get3A_230 = vector.shape_cast %get3A_229 : vector<1x16xf32> to vector<16xf32>
        %add3A_231 = arith.addf %get3A_226, %get3A_230 : vector<16xf32>
        %max3A_232 = arith.constant 0.000000e+00 : f32
        %max3A_233 = vector.broadcast %max3A_232 : f32 to vector<16xf32>
        %max3A_234 = arith.maximumf %add3A_231, %max3A_233 : vector<16xf32>
        %swap3A_235 = arith.index_cast %scan3A_191 : i32 to index
        %swap3A_236 = arith.constant 32 : index
        %swap3A_237 = tpu.vector_load %arg9[%swap3A_235, %swap3A_236] {strides = array<i32>} : memref<128x128xf32, #tpu.memory_space<vmem>>, vector<1x16xf32>,
        %swap3A_238 = vector.shape_cast %swap3A_237 : vector<1x16xf32> to vector<16xf32>
        %swap3A_239 = vector.shape_cast %max3A_234 : vector<16xf32> to vector<1x16xf32>
        tpu.vector_store %arg9[%swap3A_235, %swap3A_236], %swap3A_239 {strides = array<i32>} : memref<128x128xf32, #tpu.memory_space<vmem>>, vector<1x16xf32>,
        %get3A_240 = arith.index_cast %scan3A_191 : i32 to index
        %get3A_241 = arith.constant 48 : index
        %get3A_242 = tpu.vector_load %arg9[%get3A_240, %get3A_241] {strides = array<i32>} : memref<128x128xf32, #tpu.memory_space<vmem>>, vector<1x16xf32>,
        %get3A_243 = vector.shape_cast %get3A_242 : vector<1x16xf32> to vector<16xf32>
        %get3A_244 = arith.index_cast %scan3A_191 : i32 to index
        %get3A_245 = arith.constant 48 : index
        %get3A_246 = tpu.vector_load %arg11[%get3A_244, %get3A_245] {strides = array<i32>} : memref<128x128xf32, #tpu.memory_space<vmem>>, vector<1x16xf32>,
        %get3A_247 = vector.shape_cast %get3A_246 : vector<1x16xf32> to vector<16xf32>
        %add3A_248 = arith.addf %get3A_243, %get3A_247 : vector<16xf32>
        %max3A_249 = arith.constant 0.000000e+00 : f32
        %max3A_250 = vector.broadcast %max3A_249 : f32 to vector<16xf32>
        %max3A_251 = arith.maximumf %add3A_248, %max3A_250 : vector<16xf32>
        %swap3A_252 = arith.index_cast %scan3A_191 : i32 to index
        %swap3A_253 = arith.constant 48 : index
        %swap3A_254 = tpu.vector_load %arg9[%swap3A_252, %swap3A_253] {strides = array<i32>} : memref<128x128xf32, #tpu.memory_space<vmem>>, vector<1x16xf32>,
        %swap3A_255 = vector.shape_cast %swap3A_254 : vector<1x16xf32> to vector<16xf32>
        %swap3A_256 = vector.shape_cast %max3A_251 : vector<16xf32> to vector<1x16xf32>
        tpu.vector_store %arg9[%swap3A_252, %swap3A_253], %swap3A_256 {strides = array<i32>} : memref<128x128xf32, #tpu.memory_space<vmem>>, vector<1x16xf32>,
        %get3A_257 = arith.index_cast %scan3A_191 : i32 to index
        %get3A_258 = arith.constant 64 : index
        %get3A_259 = tpu.vector_load %arg9[%get3A_257, %get3A_258] {strides = array<i32>} : memref<128x128xf32, #tpu.memory_space<vmem>>, vector<1x16xf32>,
        %get3A_260 = vector.shape_cast %get3A_259 : vector<1x16xf32> to vector<16xf32>
        %get3A_261 = arith.index_cast %scan3A_191 : i32 to index
        %get3A_262 = arith.constant 64 : index
        %get3A_263 = tpu.vector_load %arg11[%get3A_261, %get3A_262] {strides = array<i32>} : memref<128x128xf32, #tpu.memory_space<vmem>>, vector<1x16xf32>,
        %get3A_264 = vector.shape_cast %get3A_263 : vector<1x16xf32> to vector<16xf32>
        %add3A_265 = arith.addf %get3A_260, %get3A_264 : vector<16xf32>
        %max3A_266 = arith.constant 0.000000e+00 : f32
        %max3A_267 = vector.broadcast %max3A_266 : f32 to vector<16xf32>
        %max3A_268 = arith.maximumf %add3A_265, %max3A_267 : vector<16xf32>
        %swap3A_269 = arith.index_cast %scan3A_191 : i32 to index
        %swap3A_270 = arith.constant 64 : index
        %swap3A_271 = tpu.vector_load %arg9[%swap3A_269, %swap3A_270] {strides = array<i32>} : memref<128x128xf32, #tpu.memory_space<vmem>>, vector<1x16xf32>,
        %swap3A_272 = vector.shape_cast %swap3A_271 : vector<1x16xf32> to vector<16xf32>
        %swap3A_273 = vector.shape_cast %max3A_268 : vector<16xf32> to vector<1x16xf32>
        tpu.vector_store %arg9[%swap3A_269, %swap3A_270], %swap3A_273 {strides = array<i32>} : memref<128x128xf32, #tpu.memory_space<vmem>>, vector<1x16xf32>,
        %get3A_274 = arith.index_cast %scan3A_191 : i32 to index
        %get3A_275 = arith.constant 80 : index
        %get3A_276 = tpu.vector_load %arg9[%get3A_274, %get3A_275] {strides = array<i32>} : memref<128x128xf32, #tpu.memory_space<vmem>>, vector<1x16xf32>,
        %get3A_277 = vector.shape_cast %get3A_276 : vector<1x16xf32> to vector<16xf32>
        %get3A_278 = arith.index_cast %scan3A_191 : i32 to index
        %get3A_279 = arith.constant 80 : index
        %get3A_280 = tpu.vector_load %arg11[%get3A_278, %get3A_279] {strides = array<i32>} : memref<128x128xf32, #tpu.memory_space<vmem>>, vector<1x16xf32>,
        %get3A_281 = vector.shape_cast %get3A_280 : vector<1x16xf32> to vector<16xf32>
        %add3A_282 = arith.addf %get3A_277, %get3A_281 : vector<16xf32>
        %max3A_283 = arith.constant 0.000000e+00 : f32
        %max3A_284 = vector.broadcast %max3A_283 : f32 to vector<16xf32>
        %max3A_285 = arith.maximumf %add3A_282, %max3A_284 : vector<16xf32>
        %swap3A_286 = arith.index_cast %scan3A_191 : i32 to index
        %swap3A_287 = arith.constant 80 : index
        %swap3A_288 = tpu.vector_load %arg9[%swap3A_286, %swap3A_287] {strides = array<i32>} : memref<128x128xf32, #tpu.memory_space<vmem>>, vector<1x16xf32>,
        %swap3A_289 = vector.shape_cast %swap3A_288 : vector<1x16xf32> to vector<16xf32>
        %swap3A_290 = vector.shape_cast %max3A_285 : vector<16xf32> to vector<1x16xf32>
        tpu.vector_store %arg9[%swap3A_286, %swap3A_287], %swap3A_290 {strides = array<i32>} : memref<128x128xf32, #tpu.memory_space<vmem>>, vector<1x16xf32>,
        %get3A_291 = arith.index_cast %scan3A_191 : i32 to index
        %get3A_292 = arith.constant 96 : index
        %get3A_293 = tpu.vector_load %arg9[%get3A_291, %get3A_292] {strides = array<i32>} : memref<128x128xf32, #tpu.memory_space<vmem>>, vector<1x16xf32>,
        %get3A_294 = vector.shape_cast %get3A_293 : vector<1x16xf32> to vector<16xf32>
        %get3A_295 = arith.index_cast %scan3A_191 : i32 to index
        %get3A_296 = arith.constant 96 : index
        %get3A_297 = tpu.vector_load %arg11[%get3A_295, %get3A_296] {strides = array<i32>} : memref<128x128xf32, #tpu.memory_space<vmem>>, vector<1x16xf32>,
        %get3A_298 = vector.shape_cast %get3A_297 : vector<1x16xf32> to vector<16xf32>
        %add3A_299 = arith.addf %get3A_294, %get3A_298 : vector<16xf32>
        %max3A_300 = arith.constant 0.000000e+00 : f32
        %max3A_301 = vector.broadcast %max3A_300 : f32 to vector<16xf32>
        %max3A_302 = arith.maximumf %add3A_299, %max3A_301 : vector<16xf32>
        %swap3A_303 = arith.index_cast %scan3A_191 : i32 to index
        %swap3A_304 = arith.constant 96 : index
        %swap3A_305 = tpu.vector_load %arg9[%swap3A_303, %swap3A_304] {strides = array<i32>} : memref<128x128xf32, #tpu.memory_space<vmem>>, vector<1x16xf32>,
        %swap3A_306 = vector.shape_cast %swap3A_305 : vector<1x16xf32> to vector<16xf32>
        %swap3A_307 = vector.shape_cast %max3A_302 : vector<16xf32> to vector<1x16xf32>
        tpu.vector_store %arg9[%swap3A_303, %swap3A_304], %swap3A_307 {strides = array<i32>} : memref<128x128xf32, #tpu.memory_space<vmem>>, vector<1x16xf32>,
        %get3A_308 = arith.index_cast %scan3A_191 : i32 to index
        %get3A_309 = arith.constant 112 : index
        %get3A_310 = tpu.vector_load %arg9[%get3A_308, %get3A_309] {strides = array<i32>} : memref<128x128xf32, #tpu.memory_space<vmem>>, vector<1x16xf32>,
        %get3A_311 = vector.shape_cast %get3A_310 : vector<1x16xf32> to vector<16xf32>
        %get3A_312 = arith.index_cast %scan3A_191 : i32 to index
        %get3A_313 = arith.constant 112 : index
        %get3A_314 = tpu.vector_load %arg11[%get3A_312, %get3A_313] {strides = array<i32>} : memref<128x128xf32, #tpu.memory_space<vmem>>, vector<1x16xf32>,
        %get3A_315 = vector.shape_cast %get3A_314 : vector<1x16xf32> to vector<16xf32>
        %add3A_316 = arith.addf %get3A_311, %get3A_315 : vector<16xf32>
        %max3A_317 = arith.constant 0.000000e+00 : f32
        %max3A_318 = vector.broadcast %max3A_317 : f32 to vector<16xf32>
        %max3A_319 = arith.maximumf %add3A_316, %max3A_318 : vector<16xf32>
        %swap3A_320 = arith.index_cast %scan3A_191 : i32 to index
        %swap3A_321 = arith.constant 112 : index
        %swap3A_322 = tpu.vector_load %arg9[%swap3A_320, %swap3A_321] {strides = array<i32>} : memref<128x128xf32, #tpu.memory_space<vmem>>, vector<1x16xf32>,
        %swap3A_323 = vector.shape_cast %swap3A_322 : vector<1x16xf32> to vector<16xf32>
        %swap3A_324 = vector.shape_cast %max3A_319 : vector<16xf32> to vector<1x16xf32>
        tpu.vector_store %arg9[%swap3A_320, %swap3A_321], %swap3A_324 {strides = array<i32>} : memref<128x128xf32, #tpu.memory_space<vmem>>, vector<1x16xf32>,
      }
      %scan3A_135 = arith.constant 128 : i32
      %dma_start3A_136 = arith.constant 1 : i32
      %dma_start3A_137 = arith.constant 0 : i32
      %dma_start3A_138 = tpu.memref_slice %arg7[%dma_start3A_136, %dma_start3A_137] : memref<2x128xi32, #tpu.memory_space<vmem>> -> memref<1x128xi32, #tpu.memory_space<vmem>>
      %dma_start3A_139 = tpu.memref_squeeze %dma_start3A_138 : memref<1x128xi32, #tpu.memory_space<vmem>> -> memref<128xi32, #tpu.memory_space<vmem>>
      %dma_start3A_140 = arith.constant 0 : i32
      %dma_start3A_141 = arith.constant 0 : i32
      %dma_start3A_142 = tpu.memref_slice %arg12[%dma_start3A_140, %dma_start3A_141] : memref<10112x128xf32, #tpu.memory_space<vmem_shared>> -> memref<10112x128xf32, #tpu.memory_space<vmem_shared>>
      tpu.enqueue_indirect_dma source(%arg9 : memref<128x128xf32, #tpu.memory_space<vmem>>) target(%dma_start3A_142 : memref<10112x128xf32, #tpu.memory_space<vmem_shared>>) offsets(%dma_start3A_139 : memref<128xi32, #tpu.memory_space<vmem>>) semaphore(%arg17 : memref<!tpu.dma_semaphore, #tpu.memory_space<semaphore_mem>>) {add = true}
      %mul3A_143 = arith.constant 10000 : i32
      %mul3A_144 = arith.muli %add3A, %mul3A_143 : i32
      %mul3A_145 = arith.constant 128 : i32
      %mul3A_146 = arith.muli %add3A_62, %mul3A_145 : i32
      %add3A_147 = arith.addi %mul3A_144, %mul3A_146 : i32
      %multiple_of3A_148 = tpu.assume_multiple %add3A_147, 16 : i32
      %dma_start3A_149 = arith.constant 0 : i32
      %dma_start3A_150 = tpu.memref_slice %arg3[%multiple_of3A_148, %dma_start3A_149] : memref<324000x128xf32, #tpu.memory_space<hbm>> -> memref<128x128xf32, #tpu.memory_space<hbm>>
      %dma_start3A_151 = arith.constant 0 : i32
      %dma_start3A_152 = tpu.memref_slice %arg3[%multiple_of3A_148, %dma_start3A_151] : memref<324000x128xf32, #tpu.memory_space<hbm>> -> memref<128x128xf32, #tpu.memory_space<hbm>>
      tpu.enqueue_dma source(%dma_start3A_152 : memref<128x128xf32, #tpu.memory_space<hbm>>) target(%arg11 : memref<128x128xf32, #tpu.memory_space<vmem>>) target_semaphore(%arg16 : memref<!tpu.dma_semaphore, #tpu.memory_space<semaphore_mem>>)
      %dma_wait3A_153 = arith.constant 0 : i32
      %dma_wait3A_154 = arith.constant 0 : i32
      %dma_wait3A_155 = tpu.memref_slice %arg8[%dma_wait3A_153, %dma_wait3A_154] : memref<2x128xi32, #tpu.memory_space<vmem>> -> memref<1x128xi32, #tpu.memory_space<vmem>>
      %dma_wait3A_156 = tpu.memref_squeeze %dma_wait3A_155 : memref<1x128xi32, #tpu.memory_space<vmem>> -> memref<128xi32, #tpu.memory_space<vmem>>
      %dma_wait3A_157 = arith.constant 0 : i32
      %dma_wait3A_158 = arith.constant 0 : i32
      %dma_wait3A_159 = tpu.memref_slice %arg2[%dma_wait3A_157, %dma_wait3A_158] : memref<10000x128xf32, #tpu.memory_space<hbm>> -> memref<10000x128xf32, #tpu.memory_space<hbm>>
      tpu.wait_indirect_dma semaphore(%arg15 : memref<!tpu.dma_semaphore, #tpu.memory_space<semaphore_mem>>) src(%dma_wait3A_159 : memref<10000x128xf32, #tpu.memory_space<hbm>>) dst(%arg10 : memref<128x128xf32, #tpu.memory_space<vmem>>)
      %dma_wait3A_160 = arith.constant 0 : i32
      %dma_wait3A_161 = tpu.memref_slice %arg3[%multiple_of3A_148, %dma_wait3A_160] : memref<324000x128xf32, #tpu.memory_space<hbm>> -> memref<128x128xf32, #tpu.memory_space<hbm>>
      %dma_wait3A_162 = arith.constant 0 : i32
      %dma_wait3A_163 = tpu.memref_slice %arg3[%multiple_of3A_148, %dma_wait3A_162] : memref<324000x128xf32, #tpu.memory_space<hbm>> -> memref<128x128xf32, #tpu.memory_space<hbm>>
      tpu.wait_dma2 semaphore(%arg16 : memref<!tpu.dma_semaphore, #tpu.memory_space<semaphore_mem>>) src(%dma_wait3A_163 : memref<128x128xf32, #tpu.memory_space<hbm>>) dst(%arg11 : memref<128x128xf32, #tpu.memory_space<vmem>>)
      %scan3A_164 = arith.constant 0 : i32
      %scan3A_165 = arith.constant 0 : i32
      %scan3A_166 = arith.constant 128 : i32
      %scan3A_167 = arith.addi %scan3A_165, %scan3A_166 : i32
      %scan3A_168 = arith.constant 1 : i32
      scf.for %scan3A_191 = %scan3A_165 to %scan3A_167 step %scan3A_168  : i32 {
        %get3A = arith.index_cast %scan3A_191 : i32 to index
        %get3A_192 = arith.constant 0 : index
        %get3A_193 = tpu.vector_load %arg10[%get3A, %get3A_192] {strides = array<i32>} : memref<128x128xf32, #tpu.memory_space<vmem>>, vector<1x16xf32>,
        %get3A_194 = vector.shape_cast %get3A_193 : vector<1x16xf32> to vector<16xf32>
        %get3A_195 = arith.index_cast %scan3A_191 : i32 to index
        %get3A_196 = arith.constant 0 : index
        %get3A_197 = tpu.vector_load %arg11[%get3A_195, %get3A_196] {strides = array<i32>} : memref<128x128xf32, #tpu.memory_space<vmem>>, vector<1x16xf32>,
        %get3A_198 = vector.shape_cast %get3A_197 : vector<1x16xf32> to vector<16xf32>
        %add3A_199 = arith.addf %get3A_194, %get3A_198 : vector<16xf32>
        %max3A = arith.constant 0.000000e+00 : f32
        %max3A_200 = vector.broadcast %max3A : f32 to vector<16xf32>
        %max3A_201 = arith.maximumf %add3A_199, %max3A_200 : vector<16xf32>
        %swap3A = arith.index_cast %scan3A_191 : i32 to index
        %swap3A_202 = arith.constant 0 : index
        %swap3A_203 = tpu.vector_load %arg10[%swap3A, %swap3A_202] {strides = array<i32>} : memref<128x128xf32, #tpu.memory_space<vmem>>, vector<1x16xf32>,
        %swap3A_204 = vector.shape_cast %swap3A_203 : vector<1x16xf32> to vector<16xf32>
        %swap3A_205 = vector.shape_cast %max3A_201 : vector<16xf32> to vector<1x16xf32>
        tpu.vector_store %arg10[%swap3A, %swap3A_202], %swap3A_205 {strides = array<i32>} : memref<128x128xf32, #tpu.memory_space<vmem>>, vector<1x16xf32>,
        %get3A_206 = arith.index_cast %scan3A_191 : i32 to index
        %get3A_207 = arith.constant 16 : index
        %get3A_208 = tpu.vector_load %arg10[%get3A_206, %get3A_207] {strides = array<i32>} : memref<128x128xf32, #tpu.memory_space<vmem>>, vector<1x16xf32>,
        %get3A_209 = vector.shape_cast %get3A_208 : vector<1x16xf32> to vector<16xf32>
        %get3A_210 = arith.index_cast %scan3A_191 : i32 to index
        %get3A_211 = arith.constant 16 : index
        %get3A_212 = tpu.vector_load %arg11[%get3A_210, %get3A_211] {strides = array<i32>} : memref<128x128xf32, #tpu.memory_space<vmem>>, vector<1x16xf32>,
        %get3A_213 = vector.shape_cast %get3A_212 : vector<1x16xf32> to vector<16xf32>
        %add3A_214 = arith.addf %get3A_209, %get3A_213 : vector<16xf32>
        %max3A_215 = arith.constant 0.000000e+00 : f32
        %max3A_216 = vector.broadcast %max3A_215 : f32 to vector<16xf32>
        %max3A_217 = arith.maximumf %add3A_214, %max3A_216 : vector<16xf32>
        %swap3A_218 = arith.index_cast %scan3A_191 : i32 to index
        %swap3A_219 = arith.constant 16 : index
        %swap3A_220 = tpu.vector_load %arg10[%swap3A_218, %swap3A_219] {strides = array<i32>} : memref<128x128xf32, #tpu.memory_space<vmem>>, vector<1x16xf32>,
        %swap3A_221 = vector.shape_cast %swap3A_220 : vector<1x16xf32> to vector<16xf32>
        %swap3A_222 = vector.shape_cast %max3A_217 : vector<16xf32> to vector<1x16xf32>
        tpu.vector_store %arg10[%swap3A_218, %swap3A_219], %swap3A_222 {strides = array<i32>} : memref<128x128xf32, #tpu.memory_space<vmem>>, vector<1x16xf32>,
        %get3A_223 = arith.index_cast %scan3A_191 : i32 to index
        %get3A_224 = arith.constant 32 : index
        %get3A_225 = tpu.vector_load %arg10[%get3A_223, %get3A_224] {strides = array<i32>} : memref<128x128xf32, #tpu.memory_space<vmem>>, vector<1x16xf32>,
        %get3A_226 = vector.shape_cast %get3A_225 : vector<1x16xf32> to vector<16xf32>
        %get3A_227 = arith.index_cast %scan3A_191 : i32 to index
        %get3A_228 = arith.constant 32 : index
        %get3A_229 = tpu.vector_load %arg11[%get3A_227, %get3A_228] {strides = array<i32>} : memref<128x128xf32, #tpu.memory_space<vmem>>, vector<1x16xf32>,
        %get3A_230 = vector.shape_cast %get3A_229 : vector<1x16xf32> to vector<16xf32>
        %add3A_231 = arith.addf %get3A_226, %get3A_230 : vector<16xf32>
        %max3A_232 = arith.constant 0.000000e+00 : f32
        %max3A_233 = vector.broadcast %max3A_232 : f32 to vector<16xf32>
        %max3A_234 = arith.maximumf %add3A_231, %max3A_233 : vector<16xf32>
        %swap3A_235 = arith.index_cast %scan3A_191 : i32 to index
        %swap3A_236 = arith.constant 32 : index
        %swap3A_237 = tpu.vector_load %arg10[%swap3A_235, %swap3A_236] {strides = array<i32>} : memref<128x128xf32, #tpu.memory_space<vmem>>, vector<1x16xf32>,
        %swap3A_238 = vector.shape_cast %swap3A_237 : vector<1x16xf32> to vector<16xf32>
        %swap3A_239 = vector.shape_cast %max3A_234 : vector<16xf32> to vector<1x16xf32>
        tpu.vector_store %arg10[%swap3A_235, %swap3A_236], %swap3A_239 {strides = array<i32>} : memref<128x128xf32, #tpu.memory_space<vmem>>, vector<1x16xf32>,
        %get3A_240 = arith.index_cast %scan3A_191 : i32 to index
        %get3A_241 = arith.constant 48 : index
        %get3A_242 = tpu.vector_load %arg10[%get3A_240, %get3A_241] {strides = array<i32>} : memref<128x128xf32, #tpu.memory_space<vmem>>, vector<1x16xf32>,
        %get3A_243 = vector.shape_cast %get3A_242 : vector<1x16xf32> to vector<16xf32>
        %get3A_244 = arith.index_cast %scan3A_191 : i32 to index
        %get3A_245 = arith.constant 48 : index
        %get3A_246 = tpu.vector_load %arg11[%get3A_244, %get3A_245] {strides = array<i32>} : memref<128x128xf32, #tpu.memory_space<vmem>>, vector<1x16xf32>,
        %get3A_247 = vector.shape_cast %get3A_246 : vector<1x16xf32> to vector<16xf32>
        %add3A_248 = arith.addf %get3A_243, %get3A_247 : vector<16xf32>
        %max3A_249 = arith.constant 0.000000e+00 : f32
        %max3A_250 = vector.broadcast %max3A_249 : f32 to vector<16xf32>
        %max3A_251 = arith.maximumf %add3A_248, %max3A_250 : vector<16xf32>
        %swap3A_252 = arith.index_cast %scan3A_191 : i32 to index
        %swap3A_253 = arith.constant 48 : index
        %swap3A_254 = tpu.vector_load %arg10[%swap3A_252, %swap3A_253] {strides = array<i32>} : memref<128x128xf32, #tpu.memory_space<vmem>>, vector<1x16xf32>,
        %swap3A_255 = vector.shape_cast %swap3A_254 : vector<1x16xf32> to vector<16xf32>
        %swap3A_256 = vector.shape_cast %max3A_251 : vector<16xf32> to vector<1x16xf32>
        tpu.vector_store %arg10[%swap3A_252, %swap3A_253], %swap3A_256 {strides = array<i32>} : memref<128x128xf32, #tpu.memory_space<vmem>>, vector<1x16xf32>,
        %get3A_257 = arith.index_cast %scan3A_191 : i32 to index
        %get3A_258 = arith.constant 64 : index
        %get3A_259 = tpu.vector_load %arg10[%get3A_257, %get3A_258] {strides = array<i32>} : memref<128x128xf32, #tpu.memory_space<vmem>>, vector<1x16xf32>,
        %get3A_260 = vector.shape_cast %get3A_259 : vector<1x16xf32> to vector<16xf32>
        %get3A_261 = arith.index_cast %scan3A_191 : i32 to index
        %get3A_262 = arith.constant 64 : index
        %get3A_263 = tpu.vector_load %arg11[%get3A_261, %get3A_262] {strides = array<i32>} : memref<128x128xf32, #tpu.memory_space<vmem>>, vector<1x16xf32>,
        %get3A_264 = vector.shape_cast %get3A_263 : vector<1x16xf32> to vector<16xf32>
        %add3A_265 = arith.addf %get3A_260, %get3A_264 : vector<16xf32>
        %max3A_266 = arith.constant 0.000000e+00 : f32
        %max3A_267 = vector.broadcast %max3A_266 : f32 to vector<16xf32>
        %max3A_268 = arith.maximumf %add3A_265, %max3A_267 : vector<16xf32>
        %swap3A_269 = arith.index_cast %scan3A_191 : i32 to index
        %swap3A_270 = arith.constant 64 : index
        %swap3A_271 = tpu.vector_load %arg10[%swap3A_269, %swap3A_270] {strides = array<i32>} : memref<128x128xf32, #tpu.memory_space<vmem>>, vector<1x16xf32>,
        %swap3A_272 = vector.shape_cast %swap3A_271 : vector<1x16xf32> to vector<16xf32>
        %swap3A_273 = vector.shape_cast %max3A_268 : vector<16xf32> to vector<1x16xf32>
        tpu.vector_store %arg10[%swap3A_269, %swap3A_270], %swap3A_273 {strides = array<i32>} : memref<128x128xf32, #tpu.memory_space<vmem>>, vector<1x16xf32>,
        %get3A_274 = arith.index_cast %scan3A_191 : i32 to index
        %get3A_275 = arith.constant 80 : index
        %get3A_276 = tpu.vector_load %arg10[%get3A_274, %get3A_275] {strides = array<i32>} : memref<128x128xf32, #tpu.memory_space<vmem>>, vector<1x16xf32>,
        %get3A_277 = vector.shape_cast %get3A_276 : vector<1x16xf32> to vector<16xf32>
        %get3A_278 = arith.index_cast %scan3A_191 : i32 to index
        %get3A_279 = arith.constant 80 : index
        %get3A_280 = tpu.vector_load %arg11[%get3A_278, %get3A_279] {strides = array<i32>} : memref<128x128xf32, #tpu.memory_space<vmem>>, vector<1x16xf32>,
        %get3A_281 = vector.shape_cast %get3A_280 : vector<1x16xf32> to vector<16xf32>
        %add3A_282 = arith.addf %get3A_277, %get3A_281 : vector<16xf32>
        %max3A_283 = arith.constant 0.000000e+00 : f32
        %max3A_284 = vector.broadcast %max3A_283 : f32 to vector<16xf32>
        %max3A_285 = arith.maximumf %add3A_282, %max3A_284 : vector<16xf32>
        %swap3A_286 = arith.index_cast %scan3A_191 : i32 to index
        %swap3A_287 = arith.constant 80 : index
        %swap3A_288 = tpu.vector_load %arg10[%swap3A_286, %swap3A_287] {strides = array<i32>} : memref<128x128xf32, #tpu.memory_space<vmem>>, vector<1x16xf32>,
        %swap3A_289 = vector.shape_cast %swap3A_288 : vector<1x16xf32> to vector<16xf32>
        %swap3A_290 = vector.shape_cast %max3A_285 : vector<16xf32> to vector<1x16xf32>
        tpu.vector_store %arg10[%swap3A_286, %swap3A_287], %swap3A_290 {strides = array<i32>} : memref<128x128xf32, #tpu.memory_space<vmem>>, vector<1x16xf32>,
        %get3A_291 = arith.index_cast %scan3A_191 : i32 to index
        %get3A_292 = arith.constant 96 : index
        %get3A_293 = tpu.vector_load %arg10[%get3A_291, %get3A_292] {strides = array<i32>} : memref<128x128xf32, #tpu.memory_space<vmem>>, vector<1x16xf32>,
        %get3A_294 = vector.shape_cast %get3A_293 : vector<1x16xf32> to vector<16xf32>
        %get3A_295 = arith.index_cast %scan3A_191 : i32 to index
        %get3A_296 = arith.constant 96 : index
        %get3A_297 = tpu.vector_load %arg11[%get3A_295, %get3A_296] {strides = array<i32>} : memref<128x128xf32, #tpu.memory_space<vmem>>, vector<1x16xf32>,
        %get3A_298 = vector.shape_cast %get3A_297 : vector<1x16xf32> to vector<16xf32>
        %add3A_299 = arith.addf %get3A_294, %get3A_298 : vector<16xf32>
        %max3A_300 = arith.constant 0.000000e+00 : f32
        %max3A_301 = vector.broadcast %max3A_300 : f32 to vector<16xf32>
        %max3A_302 = arith.maximumf %add3A_299, %max3A_301 : vector<16xf32>
        %swap3A_303 = arith.index_cast %scan3A_191 : i32 to index
        %swap3A_304 = arith.constant 96 : index
        %swap3A_305 = tpu.vector_load %arg10[%swap3A_303, %swap3A_304] {strides = array<i32>} : memref<128x128xf32, #tpu.memory_space<vmem>>, vector<1x16xf32>,
        %swap3A_306 = vector.shape_cast %swap3A_305 : vector<1x16xf32> to vector<16xf32>
        %swap3A_307 = vector.shape_cast %max3A_302 : vector<16xf32> to vector<1x16xf32>
        tpu.vector_store %arg10[%swap3A_303, %swap3A_304], %swap3A_307 {strides = array<i32>} : memref<128x128xf32, #tpu.memory_space<vmem>>, vector<1x16xf32>,
        %get3A_308 = arith.index_cast %scan3A_191 : i32 to index
        %get3A_309 = arith.constant 112 : index
        %get3A_310 = tpu.vector_load %arg10[%get3A_308, %get3A_309] {strides = array<i32>} : memref<128x128xf32, #tpu.memory_space<vmem>>, vector<1x16xf32>,
        %get3A_311 = vector.shape_cast %get3A_310 : vector<1x16xf32> to vector<16xf32>
        %get3A_312 = arith.index_cast %scan3A_191 : i32 to index
        %get3A_313 = arith.constant 112 : index
        %get3A_314 = tpu.vector_load %arg11[%get3A_312, %get3A_313] {strides = array<i32>} : memref<128x128xf32, #tpu.memory_space<vmem>>, vector<1x16xf32>,
        %get3A_315 = vector.shape_cast %get3A_314 : vector<1x16xf32> to vector<16xf32>
        %add3A_316 = arith.addf %get3A_311, %get3A_315 : vector<16xf32>
        %max3A_317 = arith.constant 0.000000e+00 : f32
        %max3A_318 = vector.broadcast %max3A_317 : f32 to vector<16xf32>
        %max3A_319 = arith.maximumf %add3A_316, %max3A_318 : vector<16xf32>
        %swap3A_320 = arith.index_cast %scan3A_191 : i32 to index
        %swap3A_321 = arith.constant 112 : index
        %swap3A_322 = tpu.vector_load %arg10[%swap3A_320, %swap3A_321] {strides = array<i32>} : memref<128x128xf32, #tpu.memory_space<vmem>>, vector<1x16xf32>,
        %swap3A_323 = vector.shape_cast %swap3A_322 : vector<1x16xf32> to vector<16xf32>
        %swap3A_324 = vector.shape_cast %max3A_319 : vector<16xf32> to vector<1x16xf32>
        tpu.vector_store %arg10[%swap3A_320, %swap3A_321], %swap3A_324 {strides = array<i32>} : memref<128x128xf32, #tpu.memory_space<vmem>>, vector<1x16xf32>,
      }
      %scan3A_169 = arith.constant 128 : i32
      %dma_wait3A_170 = arith.constant 1 : i32
      %dma_wait3A_171 = arith.constant 0 : i32
      %dma_wait3A_172 = tpu.memref_slice %arg7[%dma_wait3A_170, %dma_wait3A_171] : memref<2x128xi32, #tpu.memory_space<vmem>> -> memref<1x128xi32, #tpu.memory_space<vmem>>
      %dma_wait3A_173 = tpu.memref_squeeze %dma_wait3A_172 : memref<1x128xi32, #tpu.memory_space<vmem>> -> memref<128xi32, #tpu.memory_space<vmem>>
      %dma_wait3A_174 = arith.constant 0 : i32
      %dma_wait3A_175 = arith.constant 0 : i32
      %dma_wait3A_176 = tpu.memref_slice %arg12[%dma_wait3A_174, %dma_wait3A_175] : memref<10112x128xf32, #tpu.memory_space<vmem_shared>> -> memref<10112x128xf32, #tpu.memory_space<vmem_shared>>
      tpu.wait_indirect_dma semaphore(%arg17 : memref<!tpu.dma_semaphore, #tpu.memory_space<semaphore_mem>>) src(%arg9 : memref<128x128xf32, #tpu.memory_space<vmem>>) dst(%dma_wait3A_176 : memref<10112x128xf32, #tpu.memory_space<vmem_shared>>)
      %dma_start3A_177 = arith.constant 1 : i32
      %dma_start3A_178 = arith.constant 0 : i32
      %dma_start3A_179 = tpu.memref_slice %arg8[%dma_start3A_177, %dma_start3A_178] : memref<2x128xi32, #tpu.memory_space<vmem>> -> memref<1x128xi32, #tpu.memory_space<vmem>>
      %dma_start3A_180 = tpu.memref_squeeze %dma_start3A_179 : memref<1x128xi32, #tpu.memory_space<vmem>> -> memref<128xi32, #tpu.memory_space<vmem>>
      %dma_start3A_181 = arith.constant 0 : i32
      %dma_start3A_182 = arith.constant 0 : i32
      %dma_start3A_183 = tpu.memref_slice %arg12[%dma_start3A_181, %dma_start3A_182] : memref<10112x128xf32, #tpu.memory_space<vmem_shared>> -> memref<10112x128xf32, #tpu.memory_space<vmem_shared>>
      tpu.enqueue_indirect_dma source(%arg10 : memref<128x128xf32, #tpu.memory_space<vmem>>) target(%dma_start3A_183 : memref<10112x128xf32, #tpu.memory_space<vmem_shared>>) offsets(%dma_start3A_180 : memref<128xi32, #tpu.memory_space<vmem>>) semaphore(%arg18 : memref<!tpu.dma_semaphore, #tpu.memory_space<semaphore_mem>>) {add = true}
      %dma_wait3A_184 = arith.constant 1 : i32
      %dma_wait3A_185 = arith.constant 0 : i32
      %dma_wait3A_186 = tpu.memref_slice %arg8[%dma_wait3A_184, %dma_wait3A_185] : memref<2x128xi32, #tpu.memory_space<vmem>> -> memref<1x128xi32, #tpu.memory_space<vmem>>
      %dma_wait3A_187 = tpu.memref_squeeze %dma_wait3A_186 : memref<1x128xi32, #tpu.memory_space<vmem>> -> memref<128xi32, #tpu.memory_space<vmem>>
      %dma_wait3A_188 = arith.constant 0 : i32
      %dma_wait3A_189 = arith.constant 0 : i32
      %dma_wait3A_190 = tpu.memref_slice %arg12[%dma_wait3A_188, %dma_wait3A_189] : memref<10112x128xf32, #tpu.memory_space<vmem_shared>> -> memref<10112x128xf32, #tpu.memory_space<vmem_shared>>
      tpu.wait_indirect_dma semaphore(%arg18 : memref<!tpu.dma_semaphore, #tpu.memory_space<semaphore_mem>>) src(%arg10 : memref<128x128xf32, #tpu.memory_space<vmem>>) dst(%dma_wait3A_190 : memref<10112x128xf32, #tpu.memory_space<vmem_shared>>)
    }
    %scan3A_7 = arith.constant 39 : i32
    %dma_start3A = arith.constant 78 : i32
    %dma_start3A_8 = arith.constant 0 : i32
    %dma_start3A_9 = arith.constant 0 : i32
    %dma_start3A_10 = tpu.memref_slice %arg4[%add3A, %dma_start3A, %dma_start3A_8, %dma_start3A_9] : memref<32x79x2x128xi32, #tpu.memory_space<hbm>> -> memref<1x1x2x128xi32, #tpu.memory_space<hbm>>
    %dma_start3A_11 = tpu.memref_squeeze %dma_start3A_10 : memref<1x1x2x128xi32, #tpu.memory_space<hbm>> -> memref<2x128xi32, #tpu.memory_space<hbm>>
    %dma_start3A_12 = arith.constant 0 : i32
    %dma_start3A_13 = arith.constant 0 : i32
    %dma_start3A_14 = tpu.memref_slice %arg4[%add3A, %dma_start3A, %dma_start3A_12, %dma_start3A_13] : memref<32x79x2x128xi32, #tpu.memory_space<hbm>> -> memref<1x1x2x128xi32, #tpu.memory_space<hbm>>
    %dma_start3A_15 = tpu.memref_squeeze %dma_start3A_14 : memref<1x1x2x128xi32, #tpu.memory_space<hbm>> -> memref<2x128xi32, #tpu.memory_space<hbm>>
    tpu.enqueue_dma source(%dma_start3A_15 : memref<2x128xi32, #tpu.memory_space<hbm>>) target(%arg7 : memref<2x128xi32, #tpu.memory_space<vmem>>) target_semaphore(%arg13 : memref<!tpu.dma_semaphore, #tpu.memory_space<semaphore_mem>>)
    %dma_wait3A = arith.constant 78 : i32
    %dma_wait3A_16 = arith.constant 0 : i32
    %dma_wait3A_17 = arith.constant 0 : i32
    %dma_wait3A_18 = tpu.memref_slice %arg4[%add3A, %dma_wait3A, %dma_wait3A_16, %dma_wait3A_17] : memref<32x79x2x128xi32, #tpu.memory_space<hbm>> -> memref<1x1x2x128xi32, #tpu.memory_space<hbm>>
    %dma_wait3A_19 = tpu.memref_squeeze %dma_wait3A_18 : memref<1x1x2x128xi32, #tpu.memory_space<hbm>> -> memref<2x128xi32, #tpu.memory_space<hbm>>
    %dma_wait3A_20 = arith.constant 0 : i32
    %dma_wait3A_21 = arith.constant 0 : i32
    %dma_wait3A_22 = tpu.memref_slice %arg4[%add3A, %dma_wait3A, %dma_wait3A_20, %dma_wait3A_21] : memref<32x79x2x128xi32, #tpu.memory_space<hbm>> -> memref<1x1x2x128xi32, #tpu.memory_space<hbm>>
    %dma_wait3A_23 = tpu.memref_squeeze %dma_wait3A_22 : memref<1x1x2x128xi32, #tpu.memory_space<hbm>> -> memref<2x128xi32, #tpu.memory_space<hbm>>
    tpu.wait_dma2 semaphore(%arg13 : memref<!tpu.dma_semaphore, #tpu.memory_space<semaphore_mem>>) src(%dma_wait3A_23 : memref<2x128xi32, #tpu.memory_space<hbm>>) dst(%arg7 : memref<2x128xi32, #tpu.memory_space<vmem>>)
    %dma_start3A_24 = arith.constant 0 : i32
    %dma_start3A_25 = arith.constant 0 : i32
    %dma_start3A_26 = tpu.memref_slice %arg7[%dma_start3A_24, %dma_start3A_25] : memref<2x128xi32, #tpu.memory_space<vmem>> -> memref<1x128xi32, #tpu.memory_space<vmem>>
    %dma_start3A_27 = tpu.memref_squeeze %dma_start3A_26 : memref<1x128xi32, #tpu.memory_space<vmem>> -> memref<128xi32, #tpu.memory_space<vmem>>
    %dma_start3A_28 = arith.constant 0 : i32
    %dma_start3A_29 = arith.constant 0 : i32
    %dma_start3A_30 = tpu.memref_slice %arg2[%dma_start3A_28, %dma_start3A_29] : memref<10000x128xf32, #tpu.memory_space<hbm>> -> memref<10000x128xf32, #tpu.memory_space<hbm>>
    tpu.enqueue_indirect_dma source(%dma_start3A_30 : memref<10000x128xf32, #tpu.memory_space<hbm>>) target(%arg9 : memref<128x128xf32, #tpu.memory_space<vmem>>) offsets(%dma_start3A_27 : memref<128xi32, #tpu.memory_space<vmem>>) semaphore(%arg14 : memref<!tpu.dma_semaphore, #tpu.memory_space<semaphore_mem>>)
    %mul3A_31 = arith.constant 10000 : i32
    %mul3A_32 = arith.muli %add3A, %mul3A_31 : i32
    %add3A_33 = arith.constant 9984 : i32
    %add3A_34 = arith.addi %mul3A_32, %add3A_33 : i32
    %multiple_of3A_35 = tpu.assume_multiple %add3A_34, 16 : i32
    %dma_start3A_36 = arith.constant 0 : i32
    %dma_start3A_37 = tpu.memref_slice %arg3[%multiple_of3A_35, %dma_start3A_36] : memref<324000x128xf32, #tpu.memory_space<hbm>> -> memref<128x128xf32, #tpu.memory_space<hbm>>
    %dma_start3A_38 = arith.constant 0 : i32
    %dma_start3A_39 = tpu.memref_slice %arg3[%multiple_of3A_35, %dma_start3A_38] : memref<324000x128xf32, #tpu.memory_space<hbm>> -> memref<128x128xf32, #tpu.memory_space<hbm>>
    tpu.enqueue_dma source(%dma_start3A_39 : memref<128x128xf32, #tpu.memory_space<hbm>>) target(%arg11 : memref<128x128xf32, #tpu.memory_space<vmem>>) target_semaphore(%arg16 : memref<!tpu.dma_semaphore, #tpu.memory_space<semaphore_mem>>)
    %dma_wait3A_40 = arith.constant 0 : i32
    %dma_wait3A_41 = arith.constant 0 : i32
    %dma_wait3A_42 = tpu.memref_slice %arg7[%dma_wait3A_40, %dma_wait3A_41] : memref<2x128xi32, #tpu.memory_space<vmem>> -> memref<1x128xi32, #tpu.memory_space<vmem>>
    %dma_wait3A_43 = tpu.memref_squeeze %dma_wait3A_42 : memref<1x128xi32, #tpu.memory_space<vmem>> -> memref<128xi32, #tpu.memory_space<vmem>>
    %dma_wait3A_44 = arith.constant 0 : i32
    %dma_wait3A_45 = arith.constant 0 : i32
    %dma_wait3A_46 = tpu.memref_slice %arg2[%dma_wait3A_44, %dma_wait3A_45] : memref<10000x128xf32, #tpu.memory_space<hbm>> -> memref<10000x128xf32, #tpu.memory_space<hbm>>
    tpu.wait_indirect_dma semaphore(%arg14 : memref<!tpu.dma_semaphore, #tpu.memory_space<semaphore_mem>>) src(%dma_wait3A_46 : memref<10000x128xf32, #tpu.memory_space<hbm>>) dst(%arg9 : memref<128x128xf32, #tpu.memory_space<vmem>>)
    %dma_wait3A_47 = arith.constant 0 : i32
    %dma_wait3A_48 = tpu.memref_slice %arg3[%multiple_of3A_35, %dma_wait3A_47] : memref<324000x128xf32, #tpu.memory_space<hbm>> -> memref<128x128xf32, #tpu.memory_space<hbm>>
    %dma_wait3A_49 = arith.constant 0 : i32
    %dma_wait3A_50 = tpu.memref_slice %arg3[%multiple_of3A_35, %dma_wait3A_49] : memref<324000x128xf32, #tpu.memory_space<hbm>> -> memref<128x128xf32, #tpu.memory_space<hbm>>
    tpu.wait_dma2 semaphore(%arg16 : memref<!tpu.dma_semaphore, #tpu.memory_space<semaphore_mem>>) src(%dma_wait3A_50 : memref<128x128xf32, #tpu.memory_space<hbm>>) dst(%arg11 : memref<128x128xf32, #tpu.memory_space<vmem>>)
    %scan3A_51 = arith.constant 0 : i32
    %scan3A_52 = arith.constant 0 : i32
    %scan3A_53 = arith.constant 128 : i32
    %scan3A_54 = arith.addi %scan3A_52, %scan3A_53 : i32
    %scan3A_55 = arith.constant 1 : i32
    scf.for %scan3A_58 = %scan3A_52 to %scan3A_54 step %scan3A_55  : i32 {
      %get3A = arith.index_cast %scan3A_58 : i32 to index
      %get3A_59 = arith.constant 0 : index
      %get3A_60 = tpu.vector_load %arg9[%get3A, %get3A_59] {strides = array<i32>} : memref<128x128xf32, #tpu.memory_space<vmem>>, vector<1x16xf32>,
      %get3A_61 = vector.shape_cast %get3A_60 : vector<1x16xf32> to vector<16xf32>
      %get3A_62 = arith.index_cast %scan3A_58 : i32 to index
      %get3A_63 = arith.constant 0 : index
      %get3A_64 = tpu.vector_load %arg11[%get3A_62, %get3A_63] {strides = array<i32>} : memref<128x128xf32, #tpu.memory_space<vmem>>, vector<1x16xf32>,
      %get3A_65 = vector.shape_cast %get3A_64 : vector<1x16xf32> to vector<16xf32>
      %add3A_66 = arith.addf %get3A_61, %get3A_65 : vector<16xf32>
      %max3A = arith.constant 0.000000e+00 : f32
      %max3A_67 = vector.broadcast %max3A : f32 to vector<16xf32>
      %max3A_68 = arith.maximumf %add3A_66, %max3A_67 : vector<16xf32>
      %swap3A = arith.index_cast %scan3A_58 : i32 to index
      %swap3A_69 = arith.constant 0 : index
      %swap3A_70 = tpu.vector_load %arg9[%swap3A, %swap3A_69] {strides = array<i32>} : memref<128x128xf32, #tpu.memory_space<vmem>>, vector<1x16xf32>,
      %swap3A_71 = vector.shape_cast %swap3A_70 : vector<1x16xf32> to vector<16xf32>
      %swap3A_72 = vector.shape_cast %max3A_68 : vector<16xf32> to vector<1x16xf32>
      tpu.vector_store %arg9[%swap3A, %swap3A_69], %swap3A_72 {strides = array<i32>} : memref<128x128xf32, #tpu.memory_space<vmem>>, vector<1x16xf32>,
      %get3A_73 = arith.index_cast %scan3A_58 : i32 to index
      %get3A_74 = arith.constant 16 : index
      %get3A_75 = tpu.vector_load %arg9[%get3A_73, %get3A_74] {strides = array<i32>} : memref<128x128xf32, #tpu.memory_space<vmem>>, vector<1x16xf32>,
      %get3A_76 = vector.shape_cast %get3A_75 : vector<1x16xf32> to vector<16xf32>
      %get3A_77 = arith.index_cast %scan3A_58 : i32 to index
      %get3A_78 = arith.constant 16 : index
      %get3A_79 = tpu.vector_load %arg11[%get3A_77, %get3A_78] {strides = array<i32>} : memref<128x128xf32, #tpu.memory_space<vmem>>, vector<1x16xf32>,
      %get3A_80 = vector.shape_cast %get3A_79 : vector<1x16xf32> to vector<16xf32>
      %add3A_81 = arith.addf %get3A_76, %get3A_80 : vector<16xf32>
      %max3A_82 = arith.constant 0.000000e+00 : f32
      %max3A_83 = vector.broadcast %max3A_82 : f32 to vector<16xf32>
      %max3A_84 = arith.maximumf %add3A_81, %max3A_83 : vector<16xf32>
      %swap3A_85 = arith.index_cast %scan3A_58 : i32 to index
      %swap3A_86 = arith.constant 16 : index
      %swap3A_87 = tpu.vector_load %arg9[%swap3A_85, %swap3A_86] {strides = array<i32>} : memref<128x128xf32, #tpu.memory_space<vmem>>, vector<1x16xf32>,
      %swap3A_88 = vector.shape_cast %swap3A_87 : vector<1x16xf32> to vector<16xf32>
      %swap3A_89 = vector.shape_cast %max3A_84 : vector<16xf32> to vector<1x16xf32>
      tpu.vector_store %arg9[%swap3A_85, %swap3A_86], %swap3A_89 {strides = array<i32>} : memref<128x128xf32, #tpu.memory_space<vmem>>, vector<1x16xf32>,
      %get3A_90 = arith.index_cast %scan3A_58 : i32 to index
      %get3A_91 = arith.constant 32 : index
      %get3A_92 = tpu.vector_load %arg9[%get3A_90, %get3A_91] {strides = array<i32>} : memref<128x128xf32, #tpu.memory_space<vmem>>, vector<1x16xf32>,
      %get3A_93 = vector.shape_cast %get3A_92 : vector<1x16xf32> to vector<16xf32>
      %get3A_94 = arith.index_cast %scan3A_58 : i32 to index
      %get3A_95 = arith.constant 32 : index
      %get3A_96 = tpu.vector_load %arg11[%get3A_94, %get3A_95] {strides = array<i32>} : memref<128x128xf32, #tpu.memory_space<vmem>>, vector<1x16xf32>,
      %get3A_97 = vector.shape_cast %get3A_96 : vector<1x16xf32> to vector<16xf32>
      %add3A_98 = arith.addf %get3A_93, %get3A_97 : vector<16xf32>
      %max3A_99 = arith.constant 0.000000e+00 : f32
      %max3A_100 = vector.broadcast %max3A_99 : f32 to vector<16xf32>
      %max3A_101 = arith.maximumf %add3A_98, %max3A_100 : vector<16xf32>
      %swap3A_102 = arith.index_cast %scan3A_58 : i32 to index
      %swap3A_103 = arith.constant 32 : index
      %swap3A_104 = tpu.vector_load %arg9[%swap3A_102, %swap3A_103] {strides = array<i32>} : memref<128x128xf32, #tpu.memory_space<vmem>>, vector<1x16xf32>,
      %swap3A_105 = vector.shape_cast %swap3A_104 : vector<1x16xf32> to vector<16xf32>
      %swap3A_106 = vector.shape_cast %max3A_101 : vector<16xf32> to vector<1x16xf32>
      tpu.vector_store %arg9[%swap3A_102, %swap3A_103], %swap3A_106 {strides = array<i32>} : memref<128x128xf32, #tpu.memory_space<vmem>>, vector<1x16xf32>,
      %get3A_107 = arith.index_cast %scan3A_58 : i32 to index
      %get3A_108 = arith.constant 48 : index
      %get3A_109 = tpu.vector_load %arg9[%get3A_107, %get3A_108] {strides = array<i32>} : memref<128x128xf32, #tpu.memory_space<vmem>>, vector<1x16xf32>,
      %get3A_110 = vector.shape_cast %get3A_109 : vector<1x16xf32> to vector<16xf32>
      %get3A_111 = arith.index_cast %scan3A_58 : i32 to index
      %get3A_112 = arith.constant 48 : index
      %get3A_113 = tpu.vector_load %arg11[%get3A_111, %get3A_112] {strides = array<i32>} : memref<128x128xf32, #tpu.memory_space<vmem>>, vector<1x16xf32>,
      %get3A_114 = vector.shape_cast %get3A_113 : vector<1x16xf32> to vector<16xf32>
      %add3A_115 = arith.addf %get3A_110, %get3A_114 : vector<16xf32>
      %max3A_116 = arith.constant 0.000000e+00 : f32
      %max3A_117 = vector.broadcast %max3A_116 : f32 to vector<16xf32>
      %max3A_118 = arith.maximumf %add3A_115, %max3A_117 : vector<16xf32>
      %swap3A_119 = arith.index_cast %scan3A_58 : i32 to index
      %swap3A_120 = arith.constant 48 : index
      %swap3A_121 = tpu.vector_load %arg9[%swap3A_119, %swap3A_120] {strides = array<i32>} : memref<128x128xf32, #tpu.memory_space<vmem>>, vector<1x16xf32>,
      %swap3A_122 = vector.shape_cast %swap3A_121 : vector<1x16xf32> to vector<16xf32>
      %swap3A_123 = vector.shape_cast %max3A_118 : vector<16xf32> to vector<1x16xf32>
      tpu.vector_store %arg9[%swap3A_119, %swap3A_120], %swap3A_123 {strides = array<i32>} : memref<128x128xf32, #tpu.memory_space<vmem>>, vector<1x16xf32>,
      %get3A_124 = arith.index_cast %scan3A_58 : i32 to index
      %get3A_125 = arith.constant 64 : index
      %get3A_126 = tpu.vector_load %arg9[%get3A_124, %get3A_125] {strides = array<i32>} : memref<128x128xf32, #tpu.memory_space<vmem>>, vector<1x16xf32>,
      %get3A_127 = vector.shape_cast %get3A_126 : vector<1x16xf32> to vector<16xf32>
      %get3A_128 = arith.index_cast %scan3A_58 : i32 to index
      %get3A_129 = arith.constant 64 : index
      %get3A_130 = tpu.vector_load %arg11[%get3A_128, %get3A_129] {strides = array<i32>} : memref<128x128xf32, #tpu.memory_space<vmem>>, vector<1x16xf32>,
      %get3A_131 = vector.shape_cast %get3A_130 : vector<1x16xf32> to vector<16xf32>
      %add3A_132 = arith.addf %get3A_127, %get3A_131 : vector<16xf32>
      %max3A_133 = arith.constant 0.000000e+00 : f32
      %max3A_134 = vector.broadcast %max3A_133 : f32 to vector<16xf32>
      %max3A_135 = arith.maximumf %add3A_132, %max3A_134 : vector<16xf32>
      %swap3A_136 = arith.index_cast %scan3A_58 : i32 to index
      %swap3A_137 = arith.constant 64 : index
      %swap3A_138 = tpu.vector_load %arg9[%swap3A_136, %swap3A_137] {strides = array<i32>} : memref<128x128xf32, #tpu.memory_space<vmem>>, vector<1x16xf32>,
      %swap3A_139 = vector.shape_cast %swap3A_138 : vector<1x16xf32> to vector<16xf32>
      %swap3A_140 = vector.shape_cast %max3A_135 : vector<16xf32> to vector<1x16xf32>
      tpu.vector_store %arg9[%swap3A_136, %swap3A_137], %swap3A_140 {strides = array<i32>} : memref<128x128xf32, #tpu.memory_space<vmem>>, vector<1x16xf32>,
      %get3A_141 = arith.index_cast %scan3A_58 : i32 to index
      %get3A_142 = arith.constant 80 : index
      %get3A_143 = tpu.vector_load %arg9[%get3A_141, %get3A_142] {strides = array<i32>} : memref<128x128xf32, #tpu.memory_space<vmem>>, vector<1x16xf32>,
      %get3A_144 = vector.shape_cast %get3A_143 : vector<1x16xf32> to vector<16xf32>
      %get3A_145 = arith.index_cast %scan3A_58 : i32 to index
      %get3A_146 = arith.constant 80 : index
      %get3A_147 = tpu.vector_load %arg11[%get3A_145, %get3A_146] {strides = array<i32>} : memref<128x128xf32, #tpu.memory_space<vmem>>, vector<1x16xf32>,
      %get3A_148 = vector.shape_cast %get3A_147 : vector<1x16xf32> to vector<16xf32>
      %add3A_149 = arith.addf %get3A_144, %get3A_148 : vector<16xf32>
      %max3A_150 = arith.constant 0.000000e+00 : f32
      %max3A_151 = vector.broadcast %max3A_150 : f32 to vector<16xf32>
      %max3A_152 = arith.maximumf %add3A_149, %max3A_151 : vector<16xf32>
      %swap3A_153 = arith.index_cast %scan3A_58 : i32 to index
      %swap3A_154 = arith.constant 80 : index
      %swap3A_155 = tpu.vector_load %arg9[%swap3A_153, %swap3A_154] {strides = array<i32>} : memref<128x128xf32, #tpu.memory_space<vmem>>, vector<1x16xf32>,
      %swap3A_156 = vector.shape_cast %swap3A_155 : vector<1x16xf32> to vector<16xf32>
      %swap3A_157 = vector.shape_cast %max3A_152 : vector<16xf32> to vector<1x16xf32>
      tpu.vector_store %arg9[%swap3A_153, %swap3A_154], %swap3A_157 {strides = array<i32>} : memref<128x128xf32, #tpu.memory_space<vmem>>, vector<1x16xf32>,
      %get3A_158 = arith.index_cast %scan3A_58 : i32 to index
      %get3A_159 = arith.constant 96 : index
      %get3A_160 = tpu.vector_load %arg9[%get3A_158, %get3A_159] {strides = array<i32>} : memref<128x128xf32, #tpu.memory_space<vmem>>, vector<1x16xf32>,
      %get3A_161 = vector.shape_cast %get3A_160 : vector<1x16xf32> to vector<16xf32>
      %get3A_162 = arith.index_cast %scan3A_58 : i32 to index
      %get3A_163 = arith.constant 96 : index
      %get3A_164 = tpu.vector_load %arg11[%get3A_162, %get3A_163] {strides = array<i32>} : memref<128x128xf32, #tpu.memory_space<vmem>>, vector<1x16xf32>,
      %get3A_165 = vector.shape_cast %get3A_164 : vector<1x16xf32> to vector<16xf32>
      %add3A_166 = arith.addf %get3A_161, %get3A_165 : vector<16xf32>
      %max3A_167 = arith.constant 0.000000e+00 : f32
      %max3A_168 = vector.broadcast %max3A_167 : f32 to vector<16xf32>
      %max3A_169 = arith.maximumf %add3A_166, %max3A_168 : vector<16xf32>
      %swap3A_170 = arith.index_cast %scan3A_58 : i32 to index
      %swap3A_171 = arith.constant 96 : index
      %swap3A_172 = tpu.vector_load %arg9[%swap3A_170, %swap3A_171] {strides = array<i32>} : memref<128x128xf32, #tpu.memory_space<vmem>>, vector<1x16xf32>,
      %swap3A_173 = vector.shape_cast %swap3A_172 : vector<1x16xf32> to vector<16xf32>
      %swap3A_174 = vector.shape_cast %max3A_169 : vector<16xf32> to vector<1x16xf32>
      tpu.vector_store %arg9[%swap3A_170, %swap3A_171], %swap3A_174 {strides = array<i32>} : memref<128x128xf32, #tpu.memory_space<vmem>>, vector<1x16xf32>,
      %get3A_175 = arith.index_cast %scan3A_58 : i32 to index
      %get3A_176 = arith.constant 112 : index
      %get3A_177 = tpu.vector_load %arg9[%get3A_175, %get3A_176] {strides = array<i32>} : memref<128x128xf32, #tpu.memory_space<vmem>>, vector<1x16xf32>,
      %get3A_178 = vector.shape_cast %get3A_177 : vector<1x16xf32> to vector<16xf32>
      %get3A_179 = arith.index_cast %scan3A_58 : i32 to index
      %get3A_180 = arith.constant 112 : index
      %get3A_181 = tpu.vector_load %arg11[%get3A_179, %get3A_180] {strides = array<i32>} : memref<128x128xf32, #tpu.memory_space<vmem>>, vector<1x16xf32>,
      %get3A_182 = vector.shape_cast %get3A_181 : vector<1x16xf32> to vector<16xf32>
      %add3A_183 = arith.addf %get3A_178, %get3A_182 : vector<16xf32>
      %max3A_184 = arith.constant 0.000000e+00 : f32
      %max3A_185 = vector.broadcast %max3A_184 : f32 to vector<16xf32>
      %max3A_186 = arith.maximumf %add3A_183, %max3A_185 : vector<16xf32>
      %swap3A_187 = arith.index_cast %scan3A_58 : i32 to index
      %swap3A_188 = arith.constant 112 : index
      %swap3A_189 = tpu.vector_load %arg9[%swap3A_187, %swap3A_188] {strides = array<i32>} : memref<128x128xf32, #tpu.memory_space<vmem>>, vector<1x16xf32>,
      %swap3A_190 = vector.shape_cast %swap3A_189 : vector<1x16xf32> to vector<16xf32>
      %swap3A_191 = vector.shape_cast %max3A_186 : vector<16xf32> to vector<1x16xf32>
      tpu.vector_store %arg9[%swap3A_187, %swap3A_188], %swap3A_191 {strides = array<i32>} : memref<128x128xf32, #tpu.memory_space<vmem>>, vector<1x16xf32>,
    }
    %scan3A_56 = arith.constant 128 : i32
    %run_scoped3A = arith.constant 1 : i32
    "tpu.region"() ({
      %run_scoped3A_58 = tpu.sem_alloc : memref<!tpu.dma_semaphore, #tpu.memory_space<semaphore_mem>>
      %dma_start3A_59 = arith.constant 0 : i32
      %dma_start3A_60 = tpu.memref_slice %arg7[%run_scoped3A, %dma_start3A_59] : memref<2x128xi32, #tpu.memory_space<vmem>> -> memref<1x128xi32, #tpu.memory_space<vmem>>
      %dma_start3A_61 = tpu.memref_squeeze %dma_start3A_60 : memref<1x128xi32, #tpu.memory_space<vmem>> -> memref<128xi32, #tpu.memory_space<vmem>>
      %dma_start3A_62 = arith.constant 0 : i32
      %dma_start3A_63 = arith.constant 0 : i32
      %dma_start3A_64 = tpu.memref_slice %arg12[%dma_start3A_62, %dma_start3A_63] : memref<10112x128xf32, #tpu.memory_space<vmem_shared>> -> memref<10112x128xf32, #tpu.memory_space<vmem_shared>>
      tpu.enqueue_indirect_dma source(%arg9 : memref<128x128xf32, #tpu.memory_space<vmem>>) target(%dma_start3A_64 : memref<10112x128xf32, #tpu.memory_space<vmem_shared>>) offsets(%dma_start3A_61 : memref<128xi32, #tpu.memory_space<vmem>>) semaphore(%run_scoped3A_58 : memref<!tpu.dma_semaphore, #tpu.memory_space<semaphore_mem>>) {add = true}
      %dma_wait3A_65 = arith.constant 0 : i32
      %dma_wait3A_66 = tpu.memref_slice %arg7[%run_scoped3A, %dma_wait3A_65] : memref<2x128xi32, #tpu.memory_space<vmem>> -> memref<1x128xi32, #tpu.memory_space<vmem>>
      %dma_wait3A_67 = tpu.memref_squeeze %dma_wait3A_66 : memref<1x128xi32, #tpu.memory_space<vmem>> -> memref<128xi32, #tpu.memory_space<vmem>>
      %dma_wait3A_68 = arith.constant 0 : i32
      %dma_wait3A_69 = arith.constant 0 : i32
      %dma_wait3A_70 = tpu.memref_slice %arg12[%dma_wait3A_68, %dma_wait3A_69] : memref<10112x128xf32, #tpu.memory_space<vmem_shared>> -> memref<10112x128xf32, #tpu.memory_space<vmem_shared>>
      tpu.wait_indirect_dma semaphore(%run_scoped3A_58 : memref<!tpu.dma_semaphore, #tpu.memory_space<semaphore_mem>>) src(%arg9 : memref<128x128xf32, #tpu.memory_space<vmem>>) dst(%dma_wait3A_70 : memref<10112x128xf32, #tpu.memory_space<vmem_shared>>)
      tpu.yield
    }) : () -> ()
    %barrier3A_57 = arith.constant 0 : index
    tpu.barrier barrier_id(%barrier3A_57)
    "tpu.region"() ({
      %run_scoped3A_58 = tpu.sem_alloc : memref<!tpu.dma_semaphore, #tpu.memory_space<semaphore_mem>>
      %dma_start3A_59 = arith.constant 0 : i32
      %dma_start3A_60 = arith.constant 0 : i32
      %dma_start3A_61 = tpu.memref_slice %arg6[%arg0, %arg1, %dma_start3A_59, %dma_start3A_60] : memref<2x16x632x128xf32, #tpu.memory_space<hbm>> -> memref<1x1x632x128xf32, #tpu.memory_space<hbm>>
      %dma_start3A_62 = tpu.memref_squeeze %dma_start3A_61 : memref<1x1x632x128xf32, #tpu.memory_space<hbm>> -> memref<632x128xf32, #tpu.memory_space<hbm>>
      %dma_start3A_63 = arith.constant 0 : i32
      %dma_start3A_64 = tpu.memref_slice %arg12[%multiple_of3A, %dma_start3A_63] : memref<10112x128xf32, #tpu.memory_space<vmem_shared>> -> memref<632x128xf32, #tpu.memory_space<vmem_shared>>
      tpu.enqueue_dma source(%dma_start3A_64 : memref<632x128xf32, #tpu.memory_space<vmem_shared>>) target(%dma_start3A_62 : memref<632x128xf32, #tpu.memory_space<hbm>>) target_semaphore(%run_scoped3A_58 : memref<!tpu.dma_semaphore, #tpu.memory_space<semaphore_mem>>)
      %dma_wait3A_65 = arith.constant 0 : i32
      %dma_wait3A_66 = arith.constant 0 : i32
      %dma_wait3A_67 = tpu.memref_slice %arg6[%arg0, %arg1, %dma_wait3A_65, %dma_wait3A_66] : memref<2x16x632x128xf32, #tpu.memory_space<hbm>> -> memref<1x1x632x128xf32, #tpu.memory_space<hbm>>
      %dma_wait3A_68 = tpu.memref_squeeze %dma_wait3A_67 : memref<1x1x632x128xf32, #tpu.memory_space<hbm>> -> memref<632x128xf32, #tpu.memory_space<hbm>>
      %dma_wait3A_69 = arith.constant 0 : i32
      %dma_wait3A_70 = tpu.memref_slice %arg12[%multiple_of3A, %dma_wait3A_69] : memref<10112x128xf32, #tpu.memory_space<vmem_shared>> -> memref<632x128xf32, #tpu.memory_space<vmem_shared>>
      tpu.wait_dma2 semaphore(%run_scoped3A_58 : memref<!tpu.dma_semaphore, #tpu.memory_space<semaphore_mem>>) src(%dma_wait3A_70 : memref<632x128xf32, #tpu.memory_space<vmem_shared>>) dst(%dma_wait3A_68 : memref<632x128xf32, #tpu.memory_space<hbm>>)
      tpu.yield
    }) : () -> ()
    return
  }
}

#map = affine_map<(d0, d1) -> (0, 0)>
#map1 = affine_map<(d0, d1) -> (0, 0, 0, 0)>
module attributes {stable_mosaic.version = 14 : i64} {
  func.func @_sc_body(%arg0: i32, %arg1: i32, %arg2: memref<10000x128xf32, #tpu.memory_space<hbm>>, %arg3: memref<324000x128xf32, #tpu.memory_space<hbm>>, %arg4: memref<32x79x2x128xi32, #tpu.memory_space<hbm>>, %arg5: memref<10112x128xf32, #tpu.memory_space<hbm>>, %arg6: memref<2x16x632x128xf32, #tpu.memory_space<hbm>>, %arg7: memref<2x128xi32, #tpu.memory_space<vmem>>, %arg8: memref<2x128xi32, #tpu.memory_space<vmem>>, %arg9: memref<128x128xf32, #tpu.memory_space<vmem>>, %arg10: memref<128x128xf32, #tpu.memory_space<vmem>>, %arg11: memref<128x128xf32, #tpu.memory_space<vmem>>, %arg12: memref<10112x128xf32, #tpu.memory_space<vmem_shared>>, %arg13: memref<!tpu.dma_semaphore, #tpu.memory_space<semaphore_mem>>, %arg14: memref<!tpu.dma_semaphore, #tpu.memory_space<semaphore_mem>>, %arg15: memref<!tpu.dma_semaphore, #tpu.memory_space<semaphore_mem>>, %arg16: memref<!tpu.dma_semaphore, #tpu.memory_space<semaphore_mem>>, %arg17: memref<!tpu.dma_semaphore, #tpu.memory_space<semaphore_mem>>, %arg18: memref<!tpu.dma_semaphore, #tpu.memory_space<semaphore_mem>>) attributes {dimension_semantics = [#tpu.dimension_semantics<core_parallel>, #tpu.dimension_semantics<subcore_parallel>], iteration_bounds = array<i64: 2, 16>, scalar_prefetch = 0 : i64, scratch_operands = 12 : i64, tpu.core_type = #tpu.core_type<sc_vector_subcore>, window_params = [{transform_indices = #map}, {transform_indices = #map}, {transform_indices = #map1}, {transform_indices = #map}, {transform_indices = #map1}]} {
    %mul3A = arith.constant 16 : i32
    %mul3A_0 = arith.muli %arg0, %mul3A : i32
    %add3A = arith.addi %mul3A_0, %arg1 : i32
    %mul3A_1 = arith.constant 632 : i32
    %mul3A_2 = arith.muli %arg1, %mul3A_1 : i32
    %multiple_of3A = tpu.assume_multiple %mul3A_2, 8 : i32
    "tpu.region"() ({
      %run_scoped3A_58 = tpu.sem_alloc : memref<!tpu.dma_semaphore, #tpu.memory_space<semaphore_mem>>
      %dma_start3A_59 = arith.constant 0 : i32
      %dma_start3A_60 = tpu.memref_slice %arg12[%multiple_of3A, %dma_start3A_59] : memref<10112x128xf32, #tpu.memory_space<vmem_shared>> -> memref<632x128xf32, #tpu.memory_space<vmem_shared>>
      %dma_start3A_61 = arith.constant 0 : i32
      %dma_start3A_62 = tpu.memref_slice %arg5[%multiple_of3A, %dma_start3A_61] : memref<10112x128xf32, #tpu.memory_space<hbm>> -> memref<632x128xf32, #tpu.memory_space<hbm>>
      tpu.enqueue_dma source(%dma_start3A_62 : memref<632x128xf32, #tpu.memory_space<hbm>>) target(%dma_start3A_60 : memref<632x128xf32, #tpu.memory_space<vmem_shared>>) target_semaphore(%run_scoped3A_58 : memref<!tpu.dma_semaphore, #tpu.memory_space<semaphore_mem>>)
      %dma_wait3A_63 = arith.constant 0 : i32
      %dma_wait3A_64 = tpu.memref_slice %arg12[%multiple_of3A, %dma_wait3A_63] : memref<10112x128xf32, #tpu.memory_space<vmem_shared>> -> memref<632x128xf32, #tpu.memory_space<vmem_shared>>
      %dma_wait3A_65 = arith.constant 0 : i32
      %dma_wait3A_66 = tpu.memref_slice %arg5[%multiple_of3A, %dma_wait3A_65] : memref<10112x128xf32, #tpu.memory_space<hbm>> -> memref<632x128xf32, #tpu.memory_space<hbm>>
      tpu.wait_dma2 semaphore(%run_scoped3A_58 : memref<!tpu.dma_semaphore, #tpu.memory_space<semaphore_mem>>) src(%dma_wait3A_66 : memref<632x128xf32, #tpu.memory_space<hbm>>) dst(%dma_wait3A_64 : memref<632x128xf32, #tpu.memory_space<vmem_shared>>)
      tpu.yield
    }) : () -> ()
    %barrier3A = arith.constant 0 : index
    tpu.barrier barrier_id(%barrier3A)
    %scan3A = arith.constant 0 : i32
    %scan3A_3 = arith.constant 0 : i32
    %scan3A_4 = arith.constant 39 : i32
    %scan3A_5 = arith.addi %scan3A_3, %scan3A_4 : i32
    %scan3A_6 = arith.constant 1 : i32
    scf.for %scan3A_58 = %scan3A_3 to %scan3A_5 step %scan3A_6  : i32 {
      %mul3A_59 = arith.constant 2 : i32
      %mul3A_60 = arith.muli %scan3A_58, %mul3A_59 : i32
      %add3A_61 = arith.constant 1 : i32
      %add3A_62 = arith.addi %mul3A_60, %add3A_61 : i32
      %dma_start3A_63 = arith.constant 0 : i32
      %dma_start3A_64 = arith.constant 0 : i32
      %dma_start3A_65 = tpu.memref_slice %arg4[%add3A, %mul3A_60, %dma_start3A_63, %dma_start3A_64] : memref<32x79x2x128xi32, #tpu.memory_space<hbm>> -> memref<1x1x2x128xi32, #tpu.memory_space<hbm>>
      %dma_start3A_66 = tpu.memref_squeeze %dma_start3A_65 : memref<1x1x2x128xi32, #tpu.memory_space<hbm>> -> memref<2x128xi32, #tpu.memory_space<hbm>>
      %dma_start3A_67 = arith.constant 0 : i32
      %dma_start3A_68 = arith.constant 0 : i32
      %dma_start3A_69 = tpu.memref_slice %arg4[%add3A, %mul3A_60, %dma_start3A_67, %dma_start3A_68] : memref<32x79x2x128xi32, #tpu.memory_space<hbm>> -> memref<1x1x2x128xi32, #tpu.memory_space<hbm>>
      %dma_start3A_70 = tpu.memref_squeeze %dma_start3A_69 : memref<1x1x2x128xi32, #tpu.memory_space<hbm>> -> memref<2x128xi32, #tpu.memory_space<hbm>>
      tpu.enqueue_dma source(%dma_start3A_70 : memref<2x128xi32, #tpu.memory_space<hbm>>) target(%arg7 : memref<2x128xi32, #tpu.memory_space<vmem>>) target_semaphore(%arg13 : memref<!tpu.dma_semaphore, #tpu.memory_space<semaphore_mem>>)
      %dma_start3A_71 = arith.constant 0 : i32
      %dma_start3A_72 = arith.constant 0 : i32
      %dma_start3A_73 = tpu.memref_slice %arg4[%add3A, %add3A_62, %dma_start3A_71, %dma_start3A_72] : memref<32x79x2x128xi32, #tpu.memory_space<hbm>> -> memref<1x1x2x128xi32, #tpu.memory_space<hbm>>
      %dma_start3A_74 = tpu.memref_squeeze %dma_start3A_73 : memref<1x1x2x128xi32, #tpu.memory_space<hbm>> -> memref<2x128xi32, #tpu.memory_space<hbm>>
      %dma_start3A_75 = arith.constant 0 : i32
      %dma_start3A_76 = arith.constant 0 : i32
      %dma_start3A_77 = tpu.memref_slice %arg4[%add3A, %add3A_62, %dma_start3A_75, %dma_start3A_76] : memref<32x79x2x128xi32, #tpu.memory_space<hbm>> -> memref<1x1x2x128xi32, #tpu.memory_space<hbm>>
      %dma_start3A_78 = tpu.memref_squeeze %dma_start3A_77 : memref<1x1x2x128xi32, #tpu.memory_space<hbm>> -> memref<2x128xi32, #tpu.memory_space<hbm>>
      tpu.enqueue_dma source(%dma_start3A_78 : memref<2x128xi32, #tpu.memory_space<hbm>>) target(%arg8 : memref<2x128xi32, #tpu.memory_space<vmem>>) target_semaphore(%arg13 : memref<!tpu.dma_semaphore, #tpu.memory_space<semaphore_mem>>)
      %dma_wait3A_79 = arith.constant 0 : i32
      %dma_wait3A_80 = arith.constant 0 : i32
      %dma_wait3A_81 = tpu.memref_slice %arg4[%add3A, %mul3A_60, %dma_wait3A_79, %dma_wait3A_80] : memref<32x79x2x128xi32, #tpu.memory_space<hbm>> -> memref<1x1x2x128xi32, #tpu.memory_space<hbm>>
      %dma_wait3A_82 = tpu.memref_squeeze %dma_wait3A_81 : memref<1x1x2x128xi32, #tpu.memory_space<hbm>> -> memref<2x128xi32, #tpu.memory_space<hbm>>
      %dma_wait3A_83 = arith.constant 0 : i32
      %dma_wait3A_84 = arith.constant 0 : i32
      %dma_wait3A_85 = tpu.memref_slice %arg4[%add3A, %mul3A_60, %dma_wait3A_83, %dma_wait3A_84] : memref<32x79x2x128xi32, #tpu.memory_space<hbm>> -> memref<1x1x2x128xi32, #tpu.memory_space<hbm>>
      %dma_wait3A_86 = tpu.memref_squeeze %dma_wait3A_85 : memref<1x1x2x128xi32, #tpu.memory_space<hbm>> -> memref<2x128xi32, #tpu.memory_space<hbm>>
      tpu.wait_dma2 semaphore(%arg13 : memref<!tpu.dma_semaphore, #tpu.memory_space<semaphore_mem>>) src(%dma_wait3A_86 : memref<2x128xi32, #tpu.memory_space<hbm>>) dst(%arg7 : memref<2x128xi32, #tpu.memory_space<vmem>>)
      %dma_start3A_87 = arith.constant 0 : i32
      %dma_start3A_88 = arith.constant 0 : i32
      %dma_start3A_89 = tpu.memref_slice %arg7[%dma_start3A_87, %dma_start3A_88] : memref<2x128xi32, #tpu.memory_space<vmem>> -> memref<1x128xi32, #tpu.memory_space<vmem>>
      %dma_start3A_90 = tpu.memref_squeeze %dma_start3A_89 : memref<1x128xi32, #tpu.memory_space<vmem>> -> memref<128xi32, #tpu.memory_space<vmem>>
      %dma_start3A_91 = arith.constant 0 : i32
      %dma_start3A_92 = arith.constant 0 : i32
      %dma_start3A_93 = tpu.memref_slice %arg2[%dma_start3A_91, %dma_start3A_92] : memref<10000x128xf32, #tpu.memory_space<hbm>> -> memref<10000x128xf32, #tpu.memory_space<hbm>>
      tpu.enqueue_indirect_dma source(%dma_start3A_93 : memref<10000x128xf32, #tpu.memory_space<hbm>>) target(%arg9 : memref<128x128xf32, #tpu.memory_space<vmem>>) offsets(%dma_start3A_90 : memref<128xi32, #tpu.memory_space<vmem>>) semaphore(%arg14 : memref<!tpu.dma_semaphore, #tpu.memory_space<semaphore_mem>>)
      %mul3A_94 = arith.constant 10000 : i32
      %mul3A_95 = arith.muli %add3A, %mul3A_94 : i32
      %mul3A_96 = arith.constant 128 : i32
      %mul3A_97 = arith.muli %mul3A_60, %mul3A_96 : i32
      %add3A_98 = arith.addi %mul3A_95, %mul3A_97 : i32
      %multiple_of3A_99 = tpu.assume_multiple %add3A_98, 16 : i32
      %dma_start3A_100 = arith.constant 0 : i32
      %dma_start3A_101 = tpu.memref_slice %arg3[%multiple_of3A_99, %dma_start3A_100] : memref<324000x128xf32, #tpu.memory_space<hbm>> -> memref<128x128xf32, #tpu.memory_space<hbm>>
      %dma_start3A_102 = arith.constant 0 : i32
      %dma_start3A_103 = tpu.memref_slice %arg3[%multiple_of3A_99, %dma_start3A_102] : memref<324000x128xf32, #tpu.memory_space<hbm>> -> memref<128x128xf32, #tpu.memory_space<hbm>>
      tpu.enqueue_dma source(%dma_start3A_103 : memref<128x128xf32, #tpu.memory_space<hbm>>) target(%arg11 : memref<128x128xf32, #tpu.memory_space<vmem>>) target_semaphore(%arg16 : memref<!tpu.dma_semaphore, #tpu.memory_space<semaphore_mem>>)
      %dma_wait3A_104 = arith.constant 0 : i32
      %dma_wait3A_105 = arith.constant 0 : i32
      %dma_wait3A_106 = tpu.memref_slice %arg4[%add3A, %add3A_62, %dma_wait3A_104, %dma_wait3A_105] : memref<32x79x2x128xi32, #tpu.memory_space<hbm>> -> memref<1x1x2x128xi32, #tpu.memory_space<hbm>>
      %dma_wait3A_107 = tpu.memref_squeeze %dma_wait3A_106 : memref<1x1x2x128xi32, #tpu.memory_space<hbm>> -> memref<2x128xi32, #tpu.memory_space<hbm>>
      %dma_wait3A_108 = arith.constant 0 : i32
      %dma_wait3A_109 = arith.constant 0 : i32
      %dma_wait3A_110 = tpu.memref_slice %arg4[%add3A, %add3A_62, %dma_wait3A_108, %dma_wait3A_109] : memref<32x79x2x128xi32, #tpu.memory_space<hbm>> -> memref<1x1x2x128xi32, #tpu.memory_space<hbm>>
      %dma_wait3A_111 = tpu.memref_squeeze %dma_wait3A_110 : memref<1x1x2x128xi32, #tpu.memory_space<hbm>> -> memref<2x128xi32, #tpu.memory_space<hbm>>
      tpu.wait_dma2 semaphore(%arg13 : memref<!tpu.dma_semaphore, #tpu.memory_space<semaphore_mem>>) src(%dma_wait3A_111 : memref<2x128xi32, #tpu.memory_space<hbm>>) dst(%arg8 : memref<2x128xi32, #tpu.memory_space<vmem>>)
      %dma_start3A_112 = arith.constant 0 : i32
      %dma_start3A_113 = arith.constant 0 : i32
      %dma_start3A_114 = tpu.memref_slice %arg8[%dma_start3A_112, %dma_start3A_113] : memref<2x128xi32, #tpu.memory_space<vmem>> -> memref<1x128xi32, #tpu.memory_space<vmem>>
      %dma_start3A_115 = tpu.memref_squeeze %dma_start3A_114 : memref<1x128xi32, #tpu.memory_space<vmem>> -> memref<128xi32, #tpu.memory_space<vmem>>
      %dma_start3A_116 = arith.constant 0 : i32
      %dma_start3A_117 = arith.constant 0 : i32
      %dma_start3A_118 = tpu.memref_slice %arg2[%dma_start3A_116, %dma_start3A_117] : memref<10000x128xf32, #tpu.memory_space<hbm>> -> memref<10000x128xf32, #tpu.memory_space<hbm>>
      tpu.enqueue_indirect_dma source(%dma_start3A_118 : memref<10000x128xf32, #tpu.memory_space<hbm>>) target(%arg10 : memref<128x128xf32, #tpu.memory_space<vmem>>) offsets(%dma_start3A_115 : memref<128xi32, #tpu.memory_space<vmem>>) semaphore(%arg15 : memref<!tpu.dma_semaphore, #tpu.memory_space<semaphore_mem>>)
      %dma_wait3A_119 = arith.constant 0 : i32
      %dma_wait3A_120 = arith.constant 0 : i32
      %dma_wait3A_121 = tpu.memref_slice %arg7[%dma_wait3A_119, %dma_wait3A_120] : memref<2x128xi32, #tpu.memory_space<vmem>> -> memref<1x128xi32, #tpu.memory_space<vmem>>
      %dma_wait3A_122 = tpu.memref_squeeze %dma_wait3A_121 : memref<1x128xi32, #tpu.memory_space<vmem>> -> memref<128xi32, #tpu.memory_space<vmem>>
      %dma_wait3A_123 = arith.constant 0 : i32
      %dma_wait3A_124 = arith.constant 0 : i32
      %dma_wait3A_125 = tpu.memref_slice %arg2[%dma_wait3A_123, %dma_wait3A_124] : memref<10000x128xf32, #tpu.memory_space<hbm>> -> memref<10000x128xf32, #tpu.memory_space<hbm>>
      tpu.wait_indirect_dma semaphore(%arg14 : memref<!tpu.dma_semaphore, #tpu.memory_space<semaphore_mem>>) src(%dma_wait3A_125 : memref<10000x128xf32, #tpu.memory_space<hbm>>) dst(%arg9 : memref<128x128xf32, #tpu.memory_space<vmem>>)
      %dma_wait3A_126 = arith.constant 0 : i32
      %dma_wait3A_127 = tpu.memref_slice %arg3[%multiple_of3A_99, %dma_wait3A_126] : memref<324000x128xf32, #tpu.memory_space<hbm>> -> memref<128x128xf32, #tpu.memory_space<hbm>>
      %dma_wait3A_128 = arith.constant 0 : i32
      %dma_wait3A_129 = tpu.memref_slice %arg3[%multiple_of3A_99, %dma_wait3A_128] : memref<324000x128xf32, #tpu.memory_space<hbm>> -> memref<128x128xf32, #tpu.memory_space<hbm>>
      tpu.wait_dma2 semaphore(%arg16 : memref<!tpu.dma_semaphore, #tpu.memory_space<semaphore_mem>>) src(%dma_wait3A_129 : memref<128x128xf32, #tpu.memory_space<hbm>>) dst(%arg11 : memref<128x128xf32, #tpu.memory_space<vmem>>)
      %scan3A_130 = arith.constant 0 : i32
      %scan3A_131 = arith.constant 0 : i32
      %scan3A_132 = arith.constant 128 : i32
      %scan3A_133 = arith.addi %scan3A_131, %scan3A_132 : i32
      %scan3A_134 = arith.constant 1 : i32
      scf.for %scan3A_191 = %scan3A_131 to %scan3A_133 step %scan3A_134  : i32 {
        %get3A = arith.index_cast %scan3A_191 : i32 to index
        %get3A_192 = arith.constant 0 : index
        %get3A_193 = tpu.vector_load %arg9[%get3A, %get3A_192] {strides = array<i32>} : memref<128x128xf32, #tpu.memory_space<vmem>>, vector<1x16xf32>,
        %get3A_194 = vector.shape_cast %get3A_193 : vector<1x16xf32> to vector<16xf32>
        %get3A_195 = arith.index_cast %scan3A_191 : i32 to index
        %get3A_196 = arith.constant 0 : index
        %get3A_197 = tpu.vector_load %arg11[%get3A_195, %get3A_196] {strides = array<i32>} : memref<128x128xf32, #tpu.memory_space<vmem>>, vector<1x16xf32>,
        %get3A_198 = vector.shape_cast %get3A_197 : vector<1x16xf32> to vector<16xf32>
        %add3A_199 = arith.addf %get3A_194, %get3A_198 : vector<16xf32>
        %max3A = arith.constant 0.000000e+00 : f32
        %max3A_200 = vector.broadcast %max3A : f32 to vector<16xf32>
        %max3A_201 = arith.maximumf %add3A_199, %max3A_200 : vector<16xf32>
        %swap3A = arith.index_cast %scan3A_191 : i32 to index
        %swap3A_202 = arith.constant 0 : index
        %swap3A_203 = tpu.vector_load %arg9[%swap3A, %swap3A_202] {strides = array<i32>} : memref<128x128xf32, #tpu.memory_space<vmem>>, vector<1x16xf32>,
        %swap3A_204 = vector.shape_cast %swap3A_203 : vector<1x16xf32> to vector<16xf32>
        %swap3A_205 = vector.shape_cast %max3A_201 : vector<16xf32> to vector<1x16xf32>
        tpu.vector_store %arg9[%swap3A, %swap3A_202], %swap3A_205 {strides = array<i32>} : memref<128x128xf32, #tpu.memory_space<vmem>>, vector<1x16xf32>,
        %get3A_206 = arith.index_cast %scan3A_191 : i32 to index
        %get3A_207 = arith.constant 16 : index
        %get3A_208 = tpu.vector_load %arg9[%get3A_206, %get3A_207] {strides = array<i32>} : memref<128x128xf32, #tpu.memory_space<vmem>>, vector<1x16xf32>,
        %get3A_209 = vector.shape_cast %get3A_208 : vector<1x16xf32> to vector<16xf32>
        %get3A_210 = arith.index_cast %scan3A_191 : i32 to index
        %get3A_211 = arith.constant 16 : index
        %get3A_212 = tpu.vector_load %arg11[%get3A_210, %get3A_211] {strides = array<i32>} : memref<128x128xf32, #tpu.memory_space<vmem>>, vector<1x16xf32>,
        %get3A_213 = vector.shape_cast %get3A_212 : vector<1x16xf32> to vector<16xf32>
        %add3A_214 = arith.addf %get3A_209, %get3A_213 : vector<16xf32>
        %max3A_215 = arith.constant 0.000000e+00 : f32
        %max3A_216 = vector.broadcast %max3A_215 : f32 to vector<16xf32>
        %max3A_217 = arith.maximumf %add3A_214, %max3A_216 : vector<16xf32>
        %swap3A_218 = arith.index_cast %scan3A_191 : i32 to index
        %swap3A_219 = arith.constant 16 : index
        %swap3A_220 = tpu.vector_load %arg9[%swap3A_218, %swap3A_219] {strides = array<i32>} : memref<128x128xf32, #tpu.memory_space<vmem>>, vector<1x16xf32>,
        %swap3A_221 = vector.shape_cast %swap3A_220 : vector<1x16xf32> to vector<16xf32>
        %swap3A_222 = vector.shape_cast %max3A_217 : vector<16xf32> to vector<1x16xf32>
        tpu.vector_store %arg9[%swap3A_218, %swap3A_219], %swap3A_222 {strides = array<i32>} : memref<128x128xf32, #tpu.memory_space<vmem>>, vector<1x16xf32>,
        %get3A_223 = arith.index_cast %scan3A_191 : i32 to index
        %get3A_224 = arith.constant 32 : index
        %get3A_225 = tpu.vector_load %arg9[%get3A_223, %get3A_224] {strides = array<i32>} : memref<128x128xf32, #tpu.memory_space<vmem>>, vector<1x16xf32>,
        %get3A_226 = vector.shape_cast %get3A_225 : vector<1x16xf32> to vector<16xf32>
        %get3A_227 = arith.index_cast %scan3A_191 : i32 to index
        %get3A_228 = arith.constant 32 : index
        %get3A_229 = tpu.vector_load %arg11[%get3A_227, %get3A_228] {strides = array<i32>} : memref<128x128xf32, #tpu.memory_space<vmem>>, vector<1x16xf32>,
        %get3A_230 = vector.shape_cast %get3A_229 : vector<1x16xf32> to vector<16xf32>
        %add3A_231 = arith.addf %get3A_226, %get3A_230 : vector<16xf32>
        %max3A_232 = arith.constant 0.000000e+00 : f32
        %max3A_233 = vector.broadcast %max3A_232 : f32 to vector<16xf32>
        %max3A_234 = arith.maximumf %add3A_231, %max3A_233 : vector<16xf32>
        %swap3A_235 = arith.index_cast %scan3A_191 : i32 to index
        %swap3A_236 = arith.constant 32 : index
        %swap3A_237 = tpu.vector_load %arg9[%swap3A_235, %swap3A_236] {strides = array<i32>} : memref<128x128xf32, #tpu.memory_space<vmem>>, vector<1x16xf32>,
        %swap3A_238 = vector.shape_cast %swap3A_237 : vector<1x16xf32> to vector<16xf32>
        %swap3A_239 = vector.shape_cast %max3A_234 : vector<16xf32> to vector<1x16xf32>
        tpu.vector_store %arg9[%swap3A_235, %swap3A_236], %swap3A_239 {strides = array<i32>} : memref<128x128xf32, #tpu.memory_space<vmem>>, vector<1x16xf32>,
        %get3A_240 = arith.index_cast %scan3A_191 : i32 to index
        %get3A_241 = arith.constant 48 : index
        %get3A_242 = tpu.vector_load %arg9[%get3A_240, %get3A_241] {strides = array<i32>} : memref<128x128xf32, #tpu.memory_space<vmem>>, vector<1x16xf32>,
        %get3A_243 = vector.shape_cast %get3A_242 : vector<1x16xf32> to vector<16xf32>
        %get3A_244 = arith.index_cast %scan3A_191 : i32 to index
        %get3A_245 = arith.constant 48 : index
        %get3A_246 = tpu.vector_load %arg11[%get3A_244, %get3A_245] {strides = array<i32>} : memref<128x128xf32, #tpu.memory_space<vmem>>, vector<1x16xf32>,
        %get3A_247 = vector.shape_cast %get3A_246 : vector<1x16xf32> to vector<16xf32>
        %add3A_248 = arith.addf %get3A_243, %get3A_247 : vector<16xf32>
        %max3A_249 = arith.constant 0.000000e+00 : f32
        %max3A_250 = vector.broadcast %max3A_249 : f32 to vector<16xf32>
        %max3A_251 = arith.maximumf %add3A_248, %max3A_250 : vector<16xf32>
        %swap3A_252 = arith.index_cast %scan3A_191 : i32 to index
        %swap3A_253 = arith.constant 48 : index
        %swap3A_254 = tpu.vector_load %arg9[%swap3A_252, %swap3A_253] {strides = array<i32>} : memref<128x128xf32, #tpu.memory_space<vmem>>, vector<1x16xf32>,
        %swap3A_255 = vector.shape_cast %swap3A_254 : vector<1x16xf32> to vector<16xf32>
        %swap3A_256 = vector.shape_cast %max3A_251 : vector<16xf32> to vector<1x16xf32>
        tpu.vector_store %arg9[%swap3A_252, %swap3A_253], %swap3A_256 {strides = array<i32>} : memref<128x128xf32, #tpu.memory_space<vmem>>, vector<1x16xf32>,
        %get3A_257 = arith.index_cast %scan3A_191 : i32 to index
        %get3A_258 = arith.constant 64 : index
        %get3A_259 = tpu.vector_load %arg9[%get3A_257, %get3A_258] {strides = array<i32>} : memref<128x128xf32, #tpu.memory_space<vmem>>, vector<1x16xf32>,
        %get3A_260 = vector.shape_cast %get3A_259 : vector<1x16xf32> to vector<16xf32>
        %get3A_261 = arith.index_cast %scan3A_191 : i32 to index
        %get3A_262 = arith.constant 64 : index
        %get3A_263 = tpu.vector_load %arg11[%get3A_261, %get3A_262] {strides = array<i32>} : memref<128x128xf32, #tpu.memory_space<vmem>>, vector<1x16xf32>,
        %get3A_264 = vector.shape_cast %get3A_263 : vector<1x16xf32> to vector<16xf32>
        %add3A_265 = arith.addf %get3A_260, %get3A_264 : vector<16xf32>
        %max3A_266 = arith.constant 0.000000e+00 : f32
        %max3A_267 = vector.broadcast %max3A_266 : f32 to vector<16xf32>
        %max3A_268 = arith.maximumf %add3A_265, %max3A_267 : vector<16xf32>
        %swap3A_269 = arith.index_cast %scan3A_191 : i32 to index
        %swap3A_270 = arith.constant 64 : index
        %swap3A_271 = tpu.vector_load %arg9[%swap3A_269, %swap3A_270] {strides = array<i32>} : memref<128x128xf32, #tpu.memory_space<vmem>>, vector<1x16xf32>,
        %swap3A_272 = vector.shape_cast %swap3A_271 : vector<1x16xf32> to vector<16xf32>
        %swap3A_273 = vector.shape_cast %max3A_268 : vector<16xf32> to vector<1x16xf32>
        tpu.vector_store %arg9[%swap3A_269, %swap3A_270], %swap3A_273 {strides = array<i32>} : memref<128x128xf32, #tpu.memory_space<vmem>>, vector<1x16xf32>,
        %get3A_274 = arith.index_cast %scan3A_191 : i32 to index
        %get3A_275 = arith.constant 80 : index
        %get3A_276 = tpu.vector_load %arg9[%get3A_274, %get3A_275] {strides = array<i32>} : memref<128x128xf32, #tpu.memory_space<vmem>>, vector<1x16xf32>,
        %get3A_277 = vector.shape_cast %get3A_276 : vector<1x16xf32> to vector<16xf32>
        %get3A_278 = arith.index_cast %scan3A_191 : i32 to index
        %get3A_279 = arith.constant 80 : index
        %get3A_280 = tpu.vector_load %arg11[%get3A_278, %get3A_279] {strides = array<i32>} : memref<128x128xf32, #tpu.memory_space<vmem>>, vector<1x16xf32>,
        %get3A_281 = vector.shape_cast %get3A_280 : vector<1x16xf32> to vector<16xf32>
        %add3A_282 = arith.addf %get3A_277, %get3A_281 : vector<16xf32>
        %max3A_283 = arith.constant 0.000000e+00 : f32
        %max3A_284 = vector.broadcast %max3A_283 : f32 to vector<16xf32>
        %max3A_285 = arith.maximumf %add3A_282, %max3A_284 : vector<16xf32>
        %swap3A_286 = arith.index_cast %scan3A_191 : i32 to index
        %swap3A_287 = arith.constant 80 : index
        %swap3A_288 = tpu.vector_load %arg9[%swap3A_286, %swap3A_287] {strides = array<i32>} : memref<128x128xf32, #tpu.memory_space<vmem>>, vector<1x16xf32>,
        %swap3A_289 = vector.shape_cast %swap3A_288 : vector<1x16xf32> to vector<16xf32>
        %swap3A_290 = vector.shape_cast %max3A_285 : vector<16xf32> to vector<1x16xf32>
        tpu.vector_store %arg9[%swap3A_286, %swap3A_287], %swap3A_290 {strides = array<i32>} : memref<128x128xf32, #tpu.memory_space<vmem>>, vector<1x16xf32>,
        %get3A_291 = arith.index_cast %scan3A_191 : i32 to index
        %get3A_292 = arith.constant 96 : index
        %get3A_293 = tpu.vector_load %arg9[%get3A_291, %get3A_292] {strides = array<i32>} : memref<128x128xf32, #tpu.memory_space<vmem>>, vector<1x16xf32>,
        %get3A_294 = vector.shape_cast %get3A_293 : vector<1x16xf32> to vector<16xf32>
        %get3A_295 = arith.index_cast %scan3A_191 : i32 to index
        %get3A_296 = arith.constant 96 : index
        %get3A_297 = tpu.vector_load %arg11[%get3A_295, %get3A_296] {strides = array<i32>} : memref<128x128xf32, #tpu.memory_space<vmem>>, vector<1x16xf32>,
        %get3A_298 = vector.shape_cast %get3A_297 : vector<1x16xf32> to vector<16xf32>
        %add3A_299 = arith.addf %get3A_294, %get3A_298 : vector<16xf32>
        %max3A_300 = arith.constant 0.000000e+00 : f32
        %max3A_301 = vector.broadcast %max3A_300 : f32 to vector<16xf32>
        %max3A_302 = arith.maximumf %add3A_299, %max3A_301 : vector<16xf32>
        %swap3A_303 = arith.index_cast %scan3A_191 : i32 to index
        %swap3A_304 = arith.constant 96 : index
        %swap3A_305 = tpu.vector_load %arg9[%swap3A_303, %swap3A_304] {strides = array<i32>} : memref<128x128xf32, #tpu.memory_space<vmem>>, vector<1x16xf32>,
        %swap3A_306 = vector.shape_cast %swap3A_305 : vector<1x16xf32> to vector<16xf32>
        %swap3A_307 = vector.shape_cast %max3A_302 : vector<16xf32> to vector<1x16xf32>
        tpu.vector_store %arg9[%swap3A_303, %swap3A_304], %swap3A_307 {strides = array<i32>} : memref<128x128xf32, #tpu.memory_space<vmem>>, vector<1x16xf32>,
        %get3A_308 = arith.index_cast %scan3A_191 : i32 to index
        %get3A_309 = arith.constant 112 : index
        %get3A_310 = tpu.vector_load %arg9[%get3A_308, %get3A_309] {strides = array<i32>} : memref<128x128xf32, #tpu.memory_space<vmem>>, vector<1x16xf32>,
        %get3A_311 = vector.shape_cast %get3A_310 : vector<1x16xf32> to vector<16xf32>
        %get3A_312 = arith.index_cast %scan3A_191 : i32 to index
        %get3A_313 = arith.constant 112 : index
        %get3A_314 = tpu.vector_load %arg11[%get3A_312, %get3A_313] {strides = array<i32>} : memref<128x128xf32, #tpu.memory_space<vmem>>, vector<1x16xf32>,
        %get3A_315 = vector.shape_cast %get3A_314 : vector<1x16xf32> to vector<16xf32>
        %add3A_316 = arith.addf %get3A_311, %get3A_315 : vector<16xf32>
        %max3A_317 = arith.constant 0.000000e+00 : f32
        %max3A_318 = vector.broadcast %max3A_317 : f32 to vector<16xf32>
        %max3A_319 = arith.maximumf %add3A_316, %max3A_318 : vector<16xf32>
        %swap3A_320 = arith.index_cast %scan3A_191 : i32 to index
        %swap3A_321 = arith.constant 112 : index
        %swap3A_322 = tpu.vector_load %arg9[%swap3A_320, %swap3A_321] {strides = array<i32>} : memref<128x128xf32, #tpu.memory_space<vmem>>, vector<1x16xf32>,
        %swap3A_323 = vector.shape_cast %swap3A_322 : vector<1x16xf32> to vector<16xf32>
        %swap3A_324 = vector.shape_cast %max3A_319 : vector<16xf32> to vector<1x16xf32>
        tpu.vector_store %arg9[%swap3A_320, %swap3A_321], %swap3A_324 {strides = array<i32>} : memref<128x128xf32, #tpu.memory_space<vmem>>, vector<1x16xf32>,
      }
      %scan3A_135 = arith.constant 128 : i32
      %dma_start3A_136 = arith.constant 1 : i32
      %dma_start3A_137 = arith.constant 0 : i32
      %dma_start3A_138 = tpu.memref_slice %arg7[%dma_start3A_136, %dma_start3A_137] : memref<2x128xi32, #tpu.memory_space<vmem>> -> memref<1x128xi32, #tpu.memory_space<vmem>>
      %dma_start3A_139 = tpu.memref_squeeze %dma_start3A_138 : memref<1x128xi32, #tpu.memory_space<vmem>> -> memref<128xi32, #tpu.memory_space<vmem>>
      %dma_start3A_140 = arith.constant 0 : i32
      %dma_start3A_141 = arith.constant 0 : i32
      %dma_start3A_142 = tpu.memref_slice %arg12[%dma_start3A_140, %dma_start3A_141] : memref<10112x128xf32, #tpu.memory_space<vmem_shared>> -> memref<10112x128xf32, #tpu.memory_space<vmem_shared>>
      tpu.enqueue_indirect_dma source(%arg9 : memref<128x128xf32, #tpu.memory_space<vmem>>) target(%dma_start3A_142 : memref<10112x128xf32, #tpu.memory_space<vmem_shared>>) offsets(%dma_start3A_139 : memref<128xi32, #tpu.memory_space<vmem>>) semaphore(%arg17 : memref<!tpu.dma_semaphore, #tpu.memory_space<semaphore_mem>>) {add = true}
      %mul3A_143 = arith.constant 10000 : i32
      %mul3A_144 = arith.muli %add3A, %mul3A_143 : i32
      %mul3A_145 = arith.constant 128 : i32
      %mul3A_146 = arith.muli %add3A_62, %mul3A_145 : i32
      %add3A_147 = arith.addi %mul3A_144, %mul3A_146 : i32
      %multiple_of3A_148 = tpu.assume_multiple %add3A_147, 16 : i32
      %dma_start3A_149 = arith.constant 0 : i32
      %dma_start3A_150 = tpu.memref_slice %arg3[%multiple_of3A_148, %dma_start3A_149] : memref<324000x128xf32, #tpu.memory_space<hbm>> -> memref<128x128xf32, #tpu.memory_space<hbm>>
      %dma_start3A_151 = arith.constant 0 : i32
      %dma_start3A_152 = tpu.memref_slice %arg3[%multiple_of3A_148, %dma_start3A_151] : memref<324000x128xf32, #tpu.memory_space<hbm>> -> memref<128x128xf32, #tpu.memory_space<hbm>>
      tpu.enqueue_dma source(%dma_start3A_152 : memref<128x128xf32, #tpu.memory_space<hbm>>) target(%arg11 : memref<128x128xf32, #tpu.memory_space<vmem>>) target_semaphore(%arg16 : memref<!tpu.dma_semaphore, #tpu.memory_space<semaphore_mem>>)
      %dma_wait3A_153 = arith.constant 0 : i32
      %dma_wait3A_154 = arith.constant 0 : i32
      %dma_wait3A_155 = tpu.memref_slice %arg8[%dma_wait3A_153, %dma_wait3A_154] : memref<2x128xi32, #tpu.memory_space<vmem>> -> memref<1x128xi32, #tpu.memory_space<vmem>>
      %dma_wait3A_156 = tpu.memref_squeeze %dma_wait3A_155 : memref<1x128xi32, #tpu.memory_space<vmem>> -> memref<128xi32, #tpu.memory_space<vmem>>
      %dma_wait3A_157 = arith.constant 0 : i32
      %dma_wait3A_158 = arith.constant 0 : i32
      %dma_wait3A_159 = tpu.memref_slice %arg2[%dma_wait3A_157, %dma_wait3A_158] : memref<10000x128xf32, #tpu.memory_space<hbm>> -> memref<10000x128xf32, #tpu.memory_space<hbm>>
      tpu.wait_indirect_dma semaphore(%arg15 : memref<!tpu.dma_semaphore, #tpu.memory_space<semaphore_mem>>) src(%dma_wait3A_159 : memref<10000x128xf32, #tpu.memory_space<hbm>>) dst(%arg10 : memref<128x128xf32, #tpu.memory_space<vmem>>)
      %dma_wait3A_160 = arith.constant 0 : i32
      %dma_wait3A_161 = tpu.memref_slice %arg3[%multiple_of3A_148, %dma_wait3A_160] : memref<324000x128xf32, #tpu.memory_space<hbm>> -> memref<128x128xf32, #tpu.memory_space<hbm>>
      %dma_wait3A_162 = arith.constant 0 : i32
      %dma_wait3A_163 = tpu.memref_slice %arg3[%multiple_of3A_148, %dma_wait3A_162] : memref<324000x128xf32, #tpu.memory_space<hbm>> -> memref<128x128xf32, #tpu.memory_space<hbm>>
      tpu.wait_dma2 semaphore(%arg16 : memref<!tpu.dma_semaphore, #tpu.memory_space<semaphore_mem>>) src(%dma_wait3A_163 : memref<128x128xf32, #tpu.memory_space<hbm>>) dst(%arg11 : memref<128x128xf32, #tpu.memory_space<vmem>>)
      %scan3A_164 = arith.constant 0 : i32
      %scan3A_165 = arith.constant 0 : i32
      %scan3A_166 = arith.constant 128 : i32
      %scan3A_167 = arith.addi %scan3A_165, %scan3A_166 : i32
      %scan3A_168 = arith.constant 1 : i32
      scf.for %scan3A_191 = %scan3A_165 to %scan3A_167 step %scan3A_168  : i32 {
        %get3A = arith.index_cast %scan3A_191 : i32 to index
        %get3A_192 = arith.constant 0 : index
        %get3A_193 = tpu.vector_load %arg10[%get3A, %get3A_192] {strides = array<i32>} : memref<128x128xf32, #tpu.memory_space<vmem>>, vector<1x16xf32>,
        %get3A_194 = vector.shape_cast %get3A_193 : vector<1x16xf32> to vector<16xf32>
        %get3A_195 = arith.index_cast %scan3A_191 : i32 to index
        %get3A_196 = arith.constant 0 : index
        %get3A_197 = tpu.vector_load %arg11[%get3A_195, %get3A_196] {strides = array<i32>} : memref<128x128xf32, #tpu.memory_space<vmem>>, vector<1x16xf32>,
        %get3A_198 = vector.shape_cast %get3A_197 : vector<1x16xf32> to vector<16xf32>
        %add3A_199 = arith.addf %get3A_194, %get3A_198 : vector<16xf32>
        %max3A = arith.constant 0.000000e+00 : f32
        %max3A_200 = vector.broadcast %max3A : f32 to vector<16xf32>
        %max3A_201 = arith.maximumf %add3A_199, %max3A_200 : vector<16xf32>
        %swap3A = arith.index_cast %scan3A_191 : i32 to index
        %swap3A_202 = arith.constant 0 : index
        %swap3A_203 = tpu.vector_load %arg10[%swap3A, %swap3A_202] {strides = array<i32>} : memref<128x128xf32, #tpu.memory_space<vmem>>, vector<1x16xf32>,
        %swap3A_204 = vector.shape_cast %swap3A_203 : vector<1x16xf32> to vector<16xf32>
        %swap3A_205 = vector.shape_cast %max3A_201 : vector<16xf32> to vector<1x16xf32>
        tpu.vector_store %arg10[%swap3A, %swap3A_202], %swap3A_205 {strides = array<i32>} : memref<128x128xf32, #tpu.memory_space<vmem>>, vector<1x16xf32>,
        %get3A_206 = arith.index_cast %scan3A_191 : i32 to index
        %get3A_207 = arith.constant 16 : index
        %get3A_208 = tpu.vector_load %arg10[%get3A_206, %get3A_207] {strides = array<i32>} : memref<128x128xf32, #tpu.memory_space<vmem>>, vector<1x16xf32>,
        %get3A_209 = vector.shape_cast %get3A_208 : vector<1x16xf32> to vector<16xf32>
        %get3A_210 = arith.index_cast %scan3A_191 : i32 to index
        %get3A_211 = arith.constant 16 : index
        %get3A_212 = tpu.vector_load %arg11[%get3A_210, %get3A_211] {strides = array<i32>} : memref<128x128xf32, #tpu.memory_space<vmem>>, vector<1x16xf32>,
        %get3A_213 = vector.shape_cast %get3A_212 : vector<1x16xf32> to vector<16xf32>
        %add3A_214 = arith.addf %get3A_209, %get3A_213 : vector<16xf32>
        %max3A_215 = arith.constant 0.000000e+00 : f32
        %max3A_216 = vector.broadcast %max3A_215 : f32 to vector<16xf32>
        %max3A_217 = arith.maximumf %add3A_214, %max3A_216 : vector<16xf32>
        %swap3A_218 = arith.index_cast %scan3A_191 : i32 to index
        %swap3A_219 = arith.constant 16 : index
        %swap3A_220 = tpu.vector_load %arg10[%swap3A_218, %swap3A_219] {strides = array<i32>} : memref<128x128xf32, #tpu.memory_space<vmem>>, vector<1x16xf32>,
        %swap3A_221 = vector.shape_cast %swap3A_220 : vector<1x16xf32> to vector<16xf32>
        %swap3A_222 = vector.shape_cast %max3A_217 : vector<16xf32> to vector<1x16xf32>
        tpu.vector_store %arg10[%swap3A_218, %swap3A_219], %swap3A_222 {strides = array<i32>} : memref<128x128xf32, #tpu.memory_space<vmem>>, vector<1x16xf32>,
        %get3A_223 = arith.index_cast %scan3A_191 : i32 to index
        %get3A_224 = arith.constant 32 : index
        %get3A_225 = tpu.vector_load %arg10[%get3A_223, %get3A_224] {strides = array<i32>} : memref<128x128xf32, #tpu.memory_space<vmem>>, vector<1x16xf32>,
        %get3A_226 = vector.shape_cast %get3A_225 : vector<1x16xf32> to vector<16xf32>
        %get3A_227 = arith.index_cast %scan3A_191 : i32 to index
        %get3A_228 = arith.constant 32 : index
        %get3A_229 = tpu.vector_load %arg11[%get3A_227, %get3A_228] {strides = array<i32>} : memref<128x128xf32, #tpu.memory_space<vmem>>, vector<1x16xf32>,
        %get3A_230 = vector.shape_cast %get3A_229 : vector<1x16xf32> to vector<16xf32>
        %add3A_231 = arith.addf %get3A_226, %get3A_230 : vector<16xf32>
        %max3A_232 = arith.constant 0.000000e+00 : f32
        %max3A_233 = vector.broadcast %max3A_232 : f32 to vector<16xf32>
        %max3A_234 = arith.maximumf %add3A_231, %max3A_233 : vector<16xf32>
        %swap3A_235 = arith.index_cast %scan3A_191 : i32 to index
        %swap3A_236 = arith.constant 32 : index
        %swap3A_237 = tpu.vector_load %arg10[%swap3A_235, %swap3A_236] {strides = array<i32>} : memref<128x128xf32, #tpu.memory_space<vmem>>, vector<1x16xf32>,
        %swap3A_238 = vector.shape_cast %swap3A_237 : vector<1x16xf32> to vector<16xf32>
        %swap3A_239 = vector.shape_cast %max3A_234 : vector<16xf32> to vector<1x16xf32>
        tpu.vector_store %arg10[%swap3A_235, %swap3A_236], %swap3A_239 {strides = array<i32>} : memref<128x128xf32, #tpu.memory_space<vmem>>, vector<1x16xf32>,
        %get3A_240 = arith.index_cast %scan3A_191 : i32 to index
        %get3A_241 = arith.constant 48 : index
        %get3A_242 = tpu.vector_load %arg10[%get3A_240, %get3A_241] {strides = array<i32>} : memref<128x128xf32, #tpu.memory_space<vmem>>, vector<1x16xf32>,
        %get3A_243 = vector.shape_cast %get3A_242 : vector<1x16xf32> to vector<16xf32>
        %get3A_244 = arith.index_cast %scan3A_191 : i32 to index
        %get3A_245 = arith.constant 48 : index
        %get3A_246 = tpu.vector_load %arg11[%get3A_244, %get3A_245] {strides = array<i32>} : memref<128x128xf32, #tpu.memory_space<vmem>>, vector<1x16xf32>,
        %get3A_247 = vector.shape_cast %get3A_246 : vector<1x16xf32> to vector<16xf32>
        %add3A_248 = arith.addf %get3A_243, %get3A_247 : vector<16xf32>
        %max3A_249 = arith.constant 0.000000e+00 : f32
        %max3A_250 = vector.broadcast %max3A_249 : f32 to vector<16xf32>
        %max3A_251 = arith.maximumf %add3A_248, %max3A_250 : vector<16xf32>
        %swap3A_252 = arith.index_cast %scan3A_191 : i32 to index
        %swap3A_253 = arith.constant 48 : index
        %swap3A_254 = tpu.vector_load %arg10[%swap3A_252, %swap3A_253] {strides = array<i32>} : memref<128x128xf32, #tpu.memory_space<vmem>>, vector<1x16xf32>,
        %swap3A_255 = vector.shape_cast %swap3A_254 : vector<1x16xf32> to vector<16xf32>
        %swap3A_256 = vector.shape_cast %max3A_251 : vector<16xf32> to vector<1x16xf32>
        tpu.vector_store %arg10[%swap3A_252, %swap3A_253], %swap3A_256 {strides = array<i32>} : memref<128x128xf32, #tpu.memory_space<vmem>>, vector<1x16xf32>,
        %get3A_257 = arith.index_cast %scan3A_191 : i32 to index
        %get3A_258 = arith.constant 64 : index
        %get3A_259 = tpu.vector_load %arg10[%get3A_257, %get3A_258] {strides = array<i32>} : memref<128x128xf32, #tpu.memory_space<vmem>>, vector<1x16xf32>,
        %get3A_260 = vector.shape_cast %get3A_259 : vector<1x16xf32> to vector<16xf32>
        %get3A_261 = arith.index_cast %scan3A_191 : i32 to index
        %get3A_262 = arith.constant 64 : index
        %get3A_263 = tpu.vector_load %arg11[%get3A_261, %get3A_262] {strides = array<i32>} : memref<128x128xf32, #tpu.memory_space<vmem>>, vector<1x16xf32>,
        %get3A_264 = vector.shape_cast %get3A_263 : vector<1x16xf32> to vector<16xf32>
        %add3A_265 = arith.addf %get3A_260, %get3A_264 : vector<16xf32>
        %max3A_266 = arith.constant 0.000000e+00 : f32
        %max3A_267 = vector.broadcast %max3A_266 : f32 to vector<16xf32>
        %max3A_268 = arith.maximumf %add3A_265, %max3A_267 : vector<16xf32>
        %swap3A_269 = arith.index_cast %scan3A_191 : i32 to index
        %swap3A_270 = arith.constant 64 : index
        %swap3A_271 = tpu.vector_load %arg10[%swap3A_269, %swap3A_270] {strides = array<i32>} : memref<128x128xf32, #tpu.memory_space<vmem>>, vector<1x16xf32>,
        %swap3A_272 = vector.shape_cast %swap3A_271 : vector<1x16xf32> to vector<16xf32>
        %swap3A_273 = vector.shape_cast %max3A_268 : vector<16xf32> to vector<1x16xf32>
        tpu.vector_store %arg10[%swap3A_269, %swap3A_270], %swap3A_273 {strides = array<i32>} : memref<128x128xf32, #tpu.memory_space<vmem>>, vector<1x16xf32>,
        %get3A_274 = arith.index_cast %scan3A_191 : i32 to index
        %get3A_275 = arith.constant 80 : index
        %get3A_276 = tpu.vector_load %arg10[%get3A_274, %get3A_275] {strides = array<i32>} : memref<128x128xf32, #tpu.memory_space<vmem>>, vector<1x16xf32>,
        %get3A_277 = vector.shape_cast %get3A_276 : vector<1x16xf32> to vector<16xf32>
        %get3A_278 = arith.index_cast %scan3A_191 : i32 to index
        %get3A_279 = arith.constant 80 : index
        %get3A_280 = tpu.vector_load %arg11[%get3A_278, %get3A_279] {strides = array<i32>} : memref<128x128xf32, #tpu.memory_space<vmem>>, vector<1x16xf32>,
        %get3A_281 = vector.shape_cast %get3A_280 : vector<1x16xf32> to vector<16xf32>
        %add3A_282 = arith.addf %get3A_277, %get3A_281 : vector<16xf32>
        %max3A_283 = arith.constant 0.000000e+00 : f32
        %max3A_284 = vector.broadcast %max3A_283 : f32 to vector<16xf32>
        %max3A_285 = arith.maximumf %add3A_282, %max3A_284 : vector<16xf32>
        %swap3A_286 = arith.index_cast %scan3A_191 : i32 to index
        %swap3A_287 = arith.constant 80 : index
        %swap3A_288 = tpu.vector_load %arg10[%swap3A_286, %swap3A_287] {strides = array<i32>} : memref<128x128xf32, #tpu.memory_space<vmem>>, vector<1x16xf32>,
        %swap3A_289 = vector.shape_cast %swap3A_288 : vector<1x16xf32> to vector<16xf32>
        %swap3A_290 = vector.shape_cast %max3A_285 : vector<16xf32> to vector<1x16xf32>
        tpu.vector_store %arg10[%swap3A_286, %swap3A_287], %swap3A_290 {strides = array<i32>} : memref<128x128xf32, #tpu.memory_space<vmem>>, vector<1x16xf32>,
        %get3A_291 = arith.index_cast %scan3A_191 : i32 to index
        %get3A_292 = arith.constant 96 : index
        %get3A_293 = tpu.vector_load %arg10[%get3A_291, %get3A_292] {strides = array<i32>} : memref<128x128xf32, #tpu.memory_space<vmem>>, vector<1x16xf32>,
        %get3A_294 = vector.shape_cast %get3A_293 : vector<1x16xf32> to vector<16xf32>
        %get3A_295 = arith.index_cast %scan3A_191 : i32 to index
        %get3A_296 = arith.constant 96 : index
        %get3A_297 = tpu.vector_load %arg11[%get3A_295, %get3A_296] {strides = array<i32>} : memref<128x128xf32, #tpu.memory_space<vmem>>, vector<1x16xf32>,
        %get3A_298 = vector.shape_cast %get3A_297 : vector<1x16xf32> to vector<16xf32>
        %add3A_299 = arith.addf %get3A_294, %get3A_298 : vector<16xf32>
        %max3A_300 = arith.constant 0.000000e+00 : f32
        %max3A_301 = vector.broadcast %max3A_300 : f32 to vector<16xf32>
        %max3A_302 = arith.maximumf %add3A_299, %max3A_301 : vector<16xf32>
        %swap3A_303 = arith.index_cast %scan3A_191 : i32 to index
        %swap3A_304 = arith.constant 96 : index
        %swap3A_305 = tpu.vector_load %arg10[%swap3A_303, %swap3A_304] {strides = array<i32>} : memref<128x128xf32, #tpu.memory_space<vmem>>, vector<1x16xf32>,
        %swap3A_306 = vector.shape_cast %swap3A_305 : vector<1x16xf32> to vector<16xf32>
        %swap3A_307 = vector.shape_cast %max3A_302 : vector<16xf32> to vector<1x16xf32>
        tpu.vector_store %arg10[%swap3A_303, %swap3A_304], %swap3A_307 {strides = array<i32>} : memref<128x128xf32, #tpu.memory_space<vmem>>, vector<1x16xf32>,
        %get3A_308 = arith.index_cast %scan3A_191 : i32 to index
        %get3A_309 = arith.constant 112 : index
        %get3A_310 = tpu.vector_load %arg10[%get3A_308, %get3A_309] {strides = array<i32>} : memref<128x128xf32, #tpu.memory_space<vmem>>, vector<1x16xf32>,
        %get3A_311 = vector.shape_cast %get3A_310 : vector<1x16xf32> to vector<16xf32>
        %get3A_312 = arith.index_cast %scan3A_191 : i32 to index
        %get3A_313 = arith.constant 112 : index
        %get3A_314 = tpu.vector_load %arg11[%get3A_312, %get3A_313] {strides = array<i32>} : memref<128x128xf32, #tpu.memory_space<vmem>>, vector<1x16xf32>,
        %get3A_315 = vector.shape_cast %get3A_314 : vector<1x16xf32> to vector<16xf32>
        %add3A_316 = arith.addf %get3A_311, %get3A_315 : vector<16xf32>
        %max3A_317 = arith.constant 0.000000e+00 : f32
        %max3A_318 = vector.broadcast %max3A_317 : f32 to vector<16xf32>
        %max3A_319 = arith.maximumf %add3A_316, %max3A_318 : vector<16xf32>
        %swap3A_320 = arith.index_cast %scan3A_191 : i32 to index
        %swap3A_321 = arith.constant 112 : index
        %swap3A_322 = tpu.vector_load %arg10[%swap3A_320, %swap3A_321] {strides = array<i32>} : memref<128x128xf32, #tpu.memory_space<vmem>>, vector<1x16xf32>,
        %swap3A_323 = vector.shape_cast %swap3A_322 : vector<1x16xf32> to vector<16xf32>
        %swap3A_324 = vector.shape_cast %max3A_319 : vector<16xf32> to vector<1x16xf32>
        tpu.vector_store %arg10[%swap3A_320, %swap3A_321], %swap3A_324 {strides = array<i32>} : memref<128x128xf32, #tpu.memory_space<vmem>>, vector<1x16xf32>,
      }
      %scan3A_169 = arith.constant 128 : i32
      %dma_wait3A_170 = arith.constant 1 : i32
      %dma_wait3A_171 = arith.constant 0 : i32
      %dma_wait3A_172 = tpu.memref_slice %arg7[%dma_wait3A_170, %dma_wait3A_171] : memref<2x128xi32, #tpu.memory_space<vmem>> -> memref<1x128xi32, #tpu.memory_space<vmem>>
      %dma_wait3A_173 = tpu.memref_squeeze %dma_wait3A_172 : memref<1x128xi32, #tpu.memory_space<vmem>> -> memref<128xi32, #tpu.memory_space<vmem>>
      %dma_wait3A_174 = arith.constant 0 : i32
      %dma_wait3A_175 = arith.constant 0 : i32
      %dma_wait3A_176 = tpu.memref_slice %arg12[%dma_wait3A_174, %dma_wait3A_175] : memref<10112x128xf32, #tpu.memory_space<vmem_shared>> -> memref<10112x128xf32, #tpu.memory_space<vmem_shared>>
      tpu.wait_indirect_dma semaphore(%arg17 : memref<!tpu.dma_semaphore, #tpu.memory_space<semaphore_mem>>) src(%arg9 : memref<128x128xf32, #tpu.memory_space<vmem>>) dst(%dma_wait3A_176 : memref<10112x128xf32, #tpu.memory_space<vmem_shared>>)
      %dma_start3A_177 = arith.constant 1 : i32
      %dma_start3A_178 = arith.constant 0 : i32
      %dma_start3A_179 = tpu.memref_slice %arg8[%dma_start3A_177, %dma_start3A_178] : memref<2x128xi32, #tpu.memory_space<vmem>> -> memref<1x128xi32, #tpu.memory_space<vmem>>
      %dma_start3A_180 = tpu.memref_squeeze %dma_start3A_179 : memref<1x128xi32, #tpu.memory_space<vmem>> -> memref<128xi32, #tpu.memory_space<vmem>>
      %dma_start3A_181 = arith.constant 0 : i32
      %dma_start3A_182 = arith.constant 0 : i32
      %dma_start3A_183 = tpu.memref_slice %arg12[%dma_start3A_181, %dma_start3A_182] : memref<10112x128xf32, #tpu.memory_space<vmem_shared>> -> memref<10112x128xf32, #tpu.memory_space<vmem_shared>>
      tpu.enqueue_indirect_dma source(%arg10 : memref<128x128xf32, #tpu.memory_space<vmem>>) target(%dma_start3A_183 : memref<10112x128xf32, #tpu.memory_space<vmem_shared>>) offsets(%dma_start3A_180 : memref<128xi32, #tpu.memory_space<vmem>>) semaphore(%arg18 : memref<!tpu.dma_semaphore, #tpu.memory_space<semaphore_mem>>) {add = true}
      %dma_wait3A_184 = arith.constant 1 : i32
      %dma_wait3A_185 = arith.constant 0 : i32
      %dma_wait3A_186 = tpu.memref_slice %arg8[%dma_wait3A_184, %dma_wait3A_185] : memref<2x128xi32, #tpu.memory_space<vmem>> -> memref<1x128xi32, #tpu.memory_space<vmem>>
      %dma_wait3A_187 = tpu.memref_squeeze %dma_wait3A_186 : memref<1x128xi32, #tpu.memory_space<vmem>> -> memref<128xi32, #tpu.memory_space<vmem>>
      %dma_wait3A_188 = arith.constant 0 : i32
      %dma_wait3A_189 = arith.constant 0 : i32
      %dma_wait3A_190 = tpu.memref_slice %arg12[%dma_wait3A_188, %dma_wait3A_189] : memref<10112x128xf32, #tpu.memory_space<vmem_shared>> -> memref<10112x128xf32, #tpu.memory_space<vmem_shared>>
      tpu.wait_indirect_dma semaphore(%arg18 : memref<!tpu.dma_semaphore, #tpu.memory_space<semaphore_mem>>) src(%arg10 : memref<128x128xf32, #tpu.memory_space<vmem>>) dst(%dma_wait3A_190 : memref<10112x128xf32, #tpu.memory_space<vmem_shared>>)
    }
    %scan3A_7 = arith.constant 39 : i32
    %dma_start3A = arith.constant 78 : i32
    %dma_start3A_8 = arith.constant 0 : i32
    %dma_start3A_9 = arith.constant 0 : i32
    %dma_start3A_10 = tpu.memref_slice %arg4[%add3A, %dma_start3A, %dma_start3A_8, %dma_start3A_9] : memref<32x79x2x128xi32, #tpu.memory_space<hbm>> -> memref<1x1x2x128xi32, #tpu.memory_space<hbm>>
    %dma_start3A_11 = tpu.memref_squeeze %dma_start3A_10 : memref<1x1x2x128xi32, #tpu.memory_space<hbm>> -> memref<2x128xi32, #tpu.memory_space<hbm>>
    %dma_start3A_12 = arith.constant 0 : i32
    %dma_start3A_13 = arith.constant 0 : i32
    %dma_start3A_14 = tpu.memref_slice %arg4[%add3A, %dma_start3A, %dma_start3A_12, %dma_start3A_13] : memref<32x79x2x128xi32, #tpu.memory_space<hbm>> -> memref<1x1x2x128xi32, #tpu.memory_space<hbm>>
    %dma_start3A_15 = tpu.memref_squeeze %dma_start3A_14 : memref<1x1x2x128xi32, #tpu.memory_space<hbm>> -> memref<2x128xi32, #tpu.memory_space<hbm>>
    tpu.enqueue_dma source(%dma_start3A_15 : memref<2x128xi32, #tpu.memory_space<hbm>>) target(%arg7 : memref<2x128xi32, #tpu.memory_space<vmem>>) target_semaphore(%arg13 : memref<!tpu.dma_semaphore, #tpu.memory_space<semaphore_mem>>)
    %dma_wait3A = arith.constant 78 : i32
    %dma_wait3A_16 = arith.constant 0 : i32
    %dma_wait3A_17 = arith.constant 0 : i32
    %dma_wait3A_18 = tpu.memref_slice %arg4[%add3A, %dma_wait3A, %dma_wait3A_16, %dma_wait3A_17] : memref<32x79x2x128xi32, #tpu.memory_space<hbm>> -> memref<1x1x2x128xi32, #tpu.memory_space<hbm>>
    %dma_wait3A_19 = tpu.memref_squeeze %dma_wait3A_18 : memref<1x1x2x128xi32, #tpu.memory_space<hbm>> -> memref<2x128xi32, #tpu.memory_space<hbm>>
    %dma_wait3A_20 = arith.constant 0 : i32
    %dma_wait3A_21 = arith.constant 0 : i32
    %dma_wait3A_22 = tpu.memref_slice %arg4[%add3A, %dma_wait3A, %dma_wait3A_20, %dma_wait3A_21] : memref<32x79x2x128xi32, #tpu.memory_space<hbm>> -> memref<1x1x2x128xi32, #tpu.memory_space<hbm>>
    %dma_wait3A_23 = tpu.memref_squeeze %dma_wait3A_22 : memref<1x1x2x128xi32, #tpu.memory_space<hbm>> -> memref<2x128xi32, #tpu.memory_space<hbm>>
    tpu.wait_dma2 semaphore(%arg13 : memref<!tpu.dma_semaphore, #tpu.memory_space<semaphore_mem>>) src(%dma_wait3A_23 : memref<2x128xi32, #tpu.memory_space<hbm>>) dst(%arg7 : memref<2x128xi32, #tpu.memory_space<vmem>>)
    %dma_start3A_24 = arith.constant 0 : i32
    %dma_start3A_25 = arith.constant 0 : i32
    %dma_start3A_26 = tpu.memref_slice %arg7[%dma_start3A_24, %dma_start3A_25] : memref<2x128xi32, #tpu.memory_space<vmem>> -> memref<1x128xi32, #tpu.memory_space<vmem>>
    %dma_start3A_27 = tpu.memref_squeeze %dma_start3A_26 : memref<1x128xi32, #tpu.memory_space<vmem>> -> memref<128xi32, #tpu.memory_space<vmem>>
    %dma_start3A_28 = arith.constant 0 : i32
    %dma_start3A_29 = arith.constant 0 : i32
    %dma_start3A_30 = tpu.memref_slice %arg2[%dma_start3A_28, %dma_start3A_29] : memref<10000x128xf32, #tpu.memory_space<hbm>> -> memref<10000x128xf32, #tpu.memory_space<hbm>>
    tpu.enqueue_indirect_dma source(%dma_start3A_30 : memref<10000x128xf32, #tpu.memory_space<hbm>>) target(%arg9 : memref<128x128xf32, #tpu.memory_space<vmem>>) offsets(%dma_start3A_27 : memref<128xi32, #tpu.memory_space<vmem>>) semaphore(%arg14 : memref<!tpu.dma_semaphore, #tpu.memory_space<semaphore_mem>>)
    %mul3A_31 = arith.constant 10000 : i32
    %mul3A_32 = arith.muli %add3A, %mul3A_31 : i32
    %add3A_33 = arith.constant 9984 : i32
    %add3A_34 = arith.addi %mul3A_32, %add3A_33 : i32
    %multiple_of3A_35 = tpu.assume_multiple %add3A_34, 16 : i32
    %dma_start3A_36 = arith.constant 0 : i32
    %dma_start3A_37 = tpu.memref_slice %arg3[%multiple_of3A_35, %dma_start3A_36] : memref<324000x128xf32, #tpu.memory_space<hbm>> -> memref<128x128xf32, #tpu.memory_space<hbm>>
    %dma_start3A_38 = arith.constant 0 : i32
    %dma_start3A_39 = tpu.memref_slice %arg3[%multiple_of3A_35, %dma_start3A_38] : memref<324000x128xf32, #tpu.memory_space<hbm>> -> memref<128x128xf32, #tpu.memory_space<hbm>>
    tpu.enqueue_dma source(%dma_start3A_39 : memref<128x128xf32, #tpu.memory_space<hbm>>) target(%arg11 : memref<128x128xf32, #tpu.memory_space<vmem>>) target_semaphore(%arg16 : memref<!tpu.dma_semaphore, #tpu.memory_space<semaphore_mem>>)
    %dma_wait3A_40 = arith.constant 0 : i32
    %dma_wait3A_41 = arith.constant 0 : i32
    %dma_wait3A_42 = tpu.memref_slice %arg7[%dma_wait3A_40, %dma_wait3A_41] : memref<2x128xi32, #tpu.memory_space<vmem>> -> memref<1x128xi32, #tpu.memory_space<vmem>>
    %dma_wait3A_43 = tpu.memref_squeeze %dma_wait3A_42 : memref<1x128xi32, #tpu.memory_space<vmem>> -> memref<128xi32, #tpu.memory_space<vmem>>
    %dma_wait3A_44 = arith.constant 0 : i32
    %dma_wait3A_45 = arith.constant 0 : i32
    %dma_wait3A_46 = tpu.memref_slice %arg2[%dma_wait3A_44, %dma_wait3A_45] : memref<10000x128xf32, #tpu.memory_space<hbm>> -> memref<10000x128xf32, #tpu.memory_space<hbm>>
    tpu.wait_indirect_dma semaphore(%arg14 : memref<!tpu.dma_semaphore, #tpu.memory_space<semaphore_mem>>) src(%dma_wait3A_46 : memref<10000x128xf32, #tpu.memory_space<hbm>>) dst(%arg9 : memref<128x128xf32, #tpu.memory_space<vmem>>)
    %dma_wait3A_47 = arith.constant 0 : i32
    %dma_wait3A_48 = tpu.memref_slice %arg3[%multiple_of3A_35, %dma_wait3A_47] : memref<324000x128xf32, #tpu.memory_space<hbm>> -> memref<128x128xf32, #tpu.memory_space<hbm>>
    %dma_wait3A_49 = arith.constant 0 : i32
    %dma_wait3A_50 = tpu.memref_slice %arg3[%multiple_of3A_35, %dma_wait3A_49] : memref<324000x128xf32, #tpu.memory_space<hbm>> -> memref<128x128xf32, #tpu.memory_space<hbm>>
    tpu.wait_dma2 semaphore(%arg16 : memref<!tpu.dma_semaphore, #tpu.memory_space<semaphore_mem>>) src(%dma_wait3A_50 : memref<128x128xf32, #tpu.memory_space<hbm>>) dst(%arg11 : memref<128x128xf32, #tpu.memory_space<vmem>>)
    %scan3A_51 = arith.constant 0 : i32
    %scan3A_52 = arith.constant 0 : i32
    %scan3A_53 = arith.constant 128 : i32
    %scan3A_54 = arith.addi %scan3A_52, %scan3A_53 : i32
    %scan3A_55 = arith.constant 1 : i32
    scf.for %scan3A_58 = %scan3A_52 to %scan3A_54 step %scan3A_55  : i32 {
      %get3A = arith.index_cast %scan3A_58 : i32 to index
      %get3A_59 = arith.constant 0 : index
      %get3A_60 = tpu.vector_load %arg9[%get3A, %get3A_59] {strides = array<i32>} : memref<128x128xf32, #tpu.memory_space<vmem>>, vector<1x16xf32>,
      %get3A_61 = vector.shape_cast %get3A_60 : vector<1x16xf32> to vector<16xf32>
      %get3A_62 = arith.index_cast %scan3A_58 : i32 to index
      %get3A_63 = arith.constant 0 : index
      %get3A_64 = tpu.vector_load %arg11[%get3A_62, %get3A_63] {strides = array<i32>} : memref<128x128xf32, #tpu.memory_space<vmem>>, vector<1x16xf32>,
      %get3A_65 = vector.shape_cast %get3A_64 : vector<1x16xf32> to vector<16xf32>
      %add3A_66 = arith.addf %get3A_61, %get3A_65 : vector<16xf32>
      %max3A = arith.constant 0.000000e+00 : f32
      %max3A_67 = vector.broadcast %max3A : f32 to vector<16xf32>
      %max3A_68 = arith.maximumf %add3A_66, %max3A_67 : vector<16xf32>
      %swap3A = arith.index_cast %scan3A_58 : i32 to index
      %swap3A_69 = arith.constant 0 : index
      %swap3A_70 = tpu.vector_load %arg9[%swap3A, %swap3A_69] {strides = array<i32>} : memref<128x128xf32, #tpu.memory_space<vmem>>, vector<1x16xf32>,
      %swap3A_71 = vector.shape_cast %swap3A_70 : vector<1x16xf32> to vector<16xf32>
      %swap3A_72 = vector.shape_cast %max3A_68 : vector<16xf32> to vector<1x16xf32>
      tpu.vector_store %arg9[%swap3A, %swap3A_69], %swap3A_72 {strides = array<i32>} : memref<128x128xf32, #tpu.memory_space<vmem>>, vector<1x16xf32>,
      %get3A_73 = arith.index_cast %scan3A_58 : i32 to index
      %get3A_74 = arith.constant 16 : index
      %get3A_75 = tpu.vector_load %arg9[%get3A_73, %get3A_74] {strides = array<i32>} : memref<128x128xf32, #tpu.memory_space<vmem>>, vector<1x16xf32>,
      %get3A_76 = vector.shape_cast %get3A_75 : vector<1x16xf32> to vector<16xf32>
      %get3A_77 = arith.index_cast %scan3A_58 : i32 to index
      %get3A_78 = arith.constant 16 : index
      %get3A_79 = tpu.vector_load %arg11[%get3A_77, %get3A_78] {strides = array<i32>} : memref<128x128xf32, #tpu.memory_space<vmem>>, vector<1x16xf32>,
      %get3A_80 = vector.shape_cast %get3A_79 : vector<1x16xf32> to vector<16xf32>
      %add3A_81 = arith.addf %get3A_76, %get3A_80 : vector<16xf32>
      %max3A_82 = arith.constant 0.000000e+00 : f32
      %max3A_83 = vector.broadcast %max3A_82 : f32 to vector<16xf32>
      %max3A_84 = arith.maximumf %add3A_81, %max3A_83 : vector<16xf32>
      %swap3A_85 = arith.index_cast %scan3A_58 : i32 to index
      %swap3A_86 = arith.constant 16 : index
      %swap3A_87 = tpu.vector_load %arg9[%swap3A_85, %swap3A_86] {strides = array<i32>} : memref<128x128xf32, #tpu.memory_space<vmem>>, vector<1x16xf32>,
      %swap3A_88 = vector.shape_cast %swap3A_87 : vector<1x16xf32> to vector<16xf32>
      %swap3A_89 = vector.shape_cast %max3A_84 : vector<16xf32> to vector<1x16xf32>
      tpu.vector_store %arg9[%swap3A_85, %swap3A_86], %swap3A_89 {strides = array<i32>} : memref<128x128xf32, #tpu.memory_space<vmem>>, vector<1x16xf32>,
      %get3A_90 = arith.index_cast %scan3A_58 : i32 to index
      %get3A_91 = arith.constant 32 : index
      %get3A_92 = tpu.vector_load %arg9[%get3A_90, %get3A_91] {strides = array<i32>} : memref<128x128xf32, #tpu.memory_space<vmem>>, vector<1x16xf32>,
      %get3A_93 = vector.shape_cast %get3A_92 : vector<1x16xf32> to vector<16xf32>
      %get3A_94 = arith.index_cast %scan3A_58 : i32 to index
      %get3A_95 = arith.constant 32 : index
      %get3A_96 = tpu.vector_load %arg11[%get3A_94, %get3A_95] {strides = array<i32>} : memref<128x128xf32, #tpu.memory_space<vmem>>, vector<1x16xf32>,
      %get3A_97 = vector.shape_cast %get3A_96 : vector<1x16xf32> to vector<16xf32>
      %add3A_98 = arith.addf %get3A_93, %get3A_97 : vector<16xf32>
      %max3A_99 = arith.constant 0.000000e+00 : f32
      %max3A_100 = vector.broadcast %max3A_99 : f32 to vector<16xf32>
      %max3A_101 = arith.maximumf %add3A_98, %max3A_100 : vector<16xf32>
      %swap3A_102 = arith.index_cast %scan3A_58 : i32 to index
      %swap3A_103 = arith.constant 32 : index
      %swap3A_104 = tpu.vector_load %arg9[%swap3A_102, %swap3A_103] {strides = array<i32>} : memref<128x128xf32, #tpu.memory_space<vmem>>, vector<1x16xf32>,
      %swap3A_105 = vector.shape_cast %swap3A_104 : vector<1x16xf32> to vector<16xf32>
      %swap3A_106 = vector.shape_cast %max3A_101 : vector<16xf32> to vector<1x16xf32>
      tpu.vector_store %arg9[%swap3A_102, %swap3A_103], %swap3A_106 {strides = array<i32>} : memref<128x128xf32, #tpu.memory_space<vmem>>, vector<1x16xf32>,
      %get3A_107 = arith.index_cast %scan3A_58 : i32 to index
      %get3A_108 = arith.constant 48 : index
      %get3A_109 = tpu.vector_load %arg9[%get3A_107, %get3A_108] {strides = array<i32>} : memref<128x128xf32, #tpu.memory_space<vmem>>, vector<1x16xf32>,
      %get3A_110 = vector.shape_cast %get3A_109 : vector<1x16xf32> to vector<16xf32>
      %get3A_111 = arith.index_cast %scan3A_58 : i32 to index
      %get3A_112 = arith.constant 48 : index
      %get3A_113 = tpu.vector_load %arg11[%get3A_111, %get3A_112] {strides = array<i32>} : memref<128x128xf32, #tpu.memory_space<vmem>>, vector<1x16xf32>,
      %get3A_114 = vector.shape_cast %get3A_113 : vector<1x16xf32> to vector<16xf32>
      %add3A_115 = arith.addf %get3A_110, %get3A_114 : vector<16xf32>
      %max3A_116 = arith.constant 0.000000e+00 : f32
      %max3A_117 = vector.broadcast %max3A_116 : f32 to vector<16xf32>
      %max3A_118 = arith.maximumf %add3A_115, %max3A_117 : vector<16xf32>
      %swap3A_119 = arith.index_cast %scan3A_58 : i32 to index
      %swap3A_120 = arith.constant 48 : index
      %swap3A_121 = tpu.vector_load %arg9[%swap3A_119, %swap3A_120] {strides = array<i32>} : memref<128x128xf32, #tpu.memory_space<vmem>>, vector<1x16xf32>,
      %swap3A_122 = vector.shape_cast %swap3A_121 : vector<1x16xf32> to vector<16xf32>
      %swap3A_123 = vector.shape_cast %max3A_118 : vector<16xf32> to vector<1x16xf32>
      tpu.vector_store %arg9[%swap3A_119, %swap3A_120], %swap3A_123 {strides = array<i32>} : memref<128x128xf32, #tpu.memory_space<vmem>>, vector<1x16xf32>,
      %get3A_124 = arith.index_cast %scan3A_58 : i32 to index
      %get3A_125 = arith.constant 64 : index
      %get3A_126 = tpu.vector_load %arg9[%get3A_124, %get3A_125] {strides = array<i32>} : memref<128x128xf32, #tpu.memory_space<vmem>>, vector<1x16xf32>,
      %get3A_127 = vector.shape_cast %get3A_126 : vector<1x16xf32> to vector<16xf32>
      %get3A_128 = arith.index_cast %scan3A_58 : i32 to index
      %get3A_129 = arith.constant 64 : index
      %get3A_130 = tpu.vector_load %arg11[%get3A_128, %get3A_129] {strides = array<i32>} : memref<128x128xf32, #tpu.memory_space<vmem>>, vector<1x16xf32>,
      %get3A_131 = vector.shape_cast %get3A_130 : vector<1x16xf32> to vector<16xf32>
      %add3A_132 = arith.addf %get3A_127, %get3A_131 : vector<16xf32>
      %max3A_133 = arith.constant 0.000000e+00 : f32
      %max3A_134 = vector.broadcast %max3A_133 : f32 to vector<16xf32>
      %max3A_135 = arith.maximumf %add3A_132, %max3A_134 : vector<16xf32>
      %swap3A_136 = arith.index_cast %scan3A_58 : i32 to index
      %swap3A_137 = arith.constant 64 : index
      %swap3A_138 = tpu.vector_load %arg9[%swap3A_136, %swap3A_137] {strides = array<i32>} : memref<128x128xf32, #tpu.memory_space<vmem>>, vector<1x16xf32>,
      %swap3A_139 = vector.shape_cast %swap3A_138 : vector<1x16xf32> to vector<16xf32>
      %swap3A_140 = vector.shape_cast %max3A_135 : vector<16xf32> to vector<1x16xf32>
      tpu.vector_store %arg9[%swap3A_136, %swap3A_137], %swap3A_140 {strides = array<i32>} : memref<128x128xf32, #tpu.memory_space<vmem>>, vector<1x16xf32>,
      %get3A_141 = arith.index_cast %scan3A_58 : i32 to index
      %get3A_142 = arith.constant 80 : index
      %get3A_143 = tpu.vector_load %arg9[%get3A_141, %get3A_142] {strides = array<i32>} : memref<128x128xf32, #tpu.memory_space<vmem>>, vector<1x16xf32>,
      %get3A_144 = vector.shape_cast %get3A_143 : vector<1x16xf32> to vector<16xf32>
      %get3A_145 = arith.index_cast %scan3A_58 : i32 to index
      %get3A_146 = arith.constant 80 : index
      %get3A_147 = tpu.vector_load %arg11[%get3A_145, %get3A_146] {strides = array<i32>} : memref<128x128xf32, #tpu.memory_space<vmem>>, vector<1x16xf32>,
      %get3A_148 = vector.shape_cast %get3A_147 : vector<1x16xf32> to vector<16xf32>
      %add3A_149 = arith.addf %get3A_144, %get3A_148 : vector<16xf32>
      %max3A_150 = arith.constant 0.000000e+00 : f32
      %max3A_151 = vector.broadcast %max3A_150 : f32 to vector<16xf32>
      %max3A_152 = arith.maximumf %add3A_149, %max3A_151 : vector<16xf32>
      %swap3A_153 = arith.index_cast %scan3A_58 : i32 to index
      %swap3A_154 = arith.constant 80 : index
      %swap3A_155 = tpu.vector_load %arg9[%swap3A_153, %swap3A_154] {strides = array<i32>} : memref<128x128xf32, #tpu.memory_space<vmem>>, vector<1x16xf32>,
      %swap3A_156 = vector.shape_cast %swap3A_155 : vector<1x16xf32> to vector<16xf32>
      %swap3A_157 = vector.shape_cast %max3A_152 : vector<16xf32> to vector<1x16xf32>
      tpu.vector_store %arg9[%swap3A_153, %swap3A_154], %swap3A_157 {strides = array<i32>} : memref<128x128xf32, #tpu.memory_space<vmem>>, vector<1x16xf32>,
      %get3A_158 = arith.index_cast %scan3A_58 : i32 to index
      %get3A_159 = arith.constant 96 : index
      %get3A_160 = tpu.vector_load %arg9[%get3A_158, %get3A_159] {strides = array<i32>} : memref<128x128xf32, #tpu.memory_space<vmem>>, vector<1x16xf32>,
      %get3A_161 = vector.shape_cast %get3A_160 : vector<1x16xf32> to vector<16xf32>
      %get3A_162 = arith.index_cast %scan3A_58 : i32 to index
      %get3A_163 = arith.constant 96 : index
      %get3A_164 = tpu.vector_load %arg11[%get3A_162, %get3A_163] {strides = array<i32>} : memref<128x128xf32, #tpu.memory_space<vmem>>, vector<1x16xf32>,
      %get3A_165 = vector.shape_cast %get3A_164 : vector<1x16xf32> to vector<16xf32>
      %add3A_166 = arith.addf %get3A_161, %get3A_165 : vector<16xf32>
      %max3A_167 = arith.constant 0.000000e+00 : f32
      %max3A_168 = vector.broadcast %max3A_167 : f32 to vector<16xf32>
      %max3A_169 = arith.maximumf %add3A_166, %max3A_168 : vector<16xf32>
      %swap3A_170 = arith.index_cast %scan3A_58 : i32 to index
      %swap3A_171 = arith.constant 96 : index
      %swap3A_172 = tpu.vector_load %arg9[%swap3A_170, %swap3A_171] {strides = array<i32>} : memref<128x128xf32, #tpu.memory_space<vmem>>, vector<1x16xf32>,
      %swap3A_173 = vector.shape_cast %swap3A_172 : vector<1x16xf32> to vector<16xf32>
      %swap3A_174 = vector.shape_cast %max3A_169 : vector<16xf32> to vector<1x16xf32>
      tpu.vector_store %arg9[%swap3A_170, %swap3A_171], %swap3A_174 {strides = array<i32>} : memref<128x128xf32, #tpu.memory_space<vmem>>, vector<1x16xf32>,
      %get3A_175 = arith.index_cast %scan3A_58 : i32 to index
      %get3A_176 = arith.constant 112 : index
      %get3A_177 = tpu.vector_load %arg9[%get3A_175, %get3A_176] {strides = array<i32>} : memref<128x128xf32, #tpu.memory_space<vmem>>, vector<1x16xf32>,
      %get3A_178 = vector.shape_cast %get3A_177 : vector<1x16xf32> to vector<16xf32>
      %get3A_179 = arith.index_cast %scan3A_58 : i32 to index
      %get3A_180 = arith.constant 112 : index
      %get3A_181 = tpu.vector_load %arg11[%get3A_179, %get3A_180] {strides = array<i32>} : memref<128x128xf32, #tpu.memory_space<vmem>>, vector<1x16xf32>,
      %get3A_182 = vector.shape_cast %get3A_181 : vector<1x16xf32> to vector<16xf32>
      %add3A_183 = arith.addf %get3A_178, %get3A_182 : vector<16xf32>
      %max3A_184 = arith.constant 0.000000e+00 : f32
      %max3A_185 = vector.broadcast %max3A_184 : f32 to vector<16xf32>
      %max3A_186 = arith.maximumf %add3A_183, %max3A_185 : vector<16xf32>
      %swap3A_187 = arith.index_cast %scan3A_58 : i32 to index
      %swap3A_188 = arith.constant 112 : index
      %swap3A_189 = tpu.vector_load %arg9[%swap3A_187, %swap3A_188] {strides = array<i32>} : memref<128x128xf32, #tpu.memory_space<vmem>>, vector<1x16xf32>,
      %swap3A_190 = vector.shape_cast %swap3A_189 : vector<1x16xf32> to vector<16xf32>
      %swap3A_191 = vector.shape_cast %max3A_186 : vector<16xf32> to vector<1x16xf32>
      tpu.vector_store %arg9[%swap3A_187, %swap3A_188], %swap3A_191 {strides = array<i32>} : memref<128x128xf32, #tpu.memory_space<vmem>>, vector<1x16xf32>,
    }
    %scan3A_56 = arith.constant 128 : i32
    %run_scoped3A = arith.constant 1 : i32
    "tpu.region"() ({
      %run_scoped3A_58 = tpu.sem_alloc : memref<!tpu.dma_semaphore, #tpu.memory_space<semaphore_mem>>
      %dma_start3A_59 = arith.constant 0 : i32
      %dma_start3A_60 = tpu.memref_slice %arg7[%run_scoped3A, %dma_start3A_59] : memref<2x128xi32, #tpu.memory_space<vmem>> -> memref<1x128xi32, #tpu.memory_space<vmem>>
      %dma_start3A_61 = tpu.memref_squeeze %dma_start3A_60 : memref<1x128xi32, #tpu.memory_space<vmem>> -> memref<128xi32, #tpu.memory_space<vmem>>
      %dma_start3A_62 = arith.constant 0 : i32
      %dma_start3A_63 = arith.constant 0 : i32
      %dma_start3A_64 = tpu.memref_slice %arg12[%dma_start3A_62, %dma_start3A_63] : memref<10112x128xf32, #tpu.memory_space<vmem_shared>> -> memref<10112x128xf32, #tpu.memory_space<vmem_shared>>
      tpu.enqueue_indirect_dma source(%arg9 : memref<128x128xf32, #tpu.memory_space<vmem>>) target(%dma_start3A_64 : memref<10112x128xf32, #tpu.memory_space<vmem_shared>>) offsets(%dma_start3A_61 : memref<128xi32, #tpu.memory_space<vmem>>) semaphore(%run_scoped3A_58 : memref<!tpu.dma_semaphore, #tpu.memory_space<semaphore_mem>>) {add = true}
      %dma_wait3A_65 = arith.constant 0 : i32
      %dma_wait3A_66 = tpu.memref_slice %arg7[%run_scoped3A, %dma_wait3A_65] : memref<2x128xi32, #tpu.memory_space<vmem>> -> memref<1x128xi32, #tpu.memory_space<vmem>>
      %dma_wait3A_67 = tpu.memref_squeeze %dma_wait3A_66 : memref<1x128xi32, #tpu.memory_space<vmem>> -> memref<128xi32, #tpu.memory_space<vmem>>
      %dma_wait3A_68 = arith.constant 0 : i32
      %dma_wait3A_69 = arith.constant 0 : i32
      %dma_wait3A_70 = tpu.memref_slice %arg12[%dma_wait3A_68, %dma_wait3A_69] : memref<10112x128xf32, #tpu.memory_space<vmem_shared>> -> memref<10112x128xf32, #tpu.memory_space<vmem_shared>>
      tpu.wait_indirect_dma semaphore(%run_scoped3A_58 : memref<!tpu.dma_semaphore, #tpu.memory_space<semaphore_mem>>) src(%arg9 : memref<128x128xf32, #tpu.memory_space<vmem>>) dst(%dma_wait3A_70 : memref<10112x128xf32, #tpu.memory_space<vmem_shared>>)
      tpu.yield
    }) : () -> ()
    %barrier3A_57 = arith.constant 0 : index
    tpu.barrier barrier_id(%barrier3A_57)
    "tpu.region"() ({
      %run_scoped3A_58 = tpu.sem_alloc : memref<!tpu.dma_semaphore, #tpu.memory_space<semaphore_mem>>
      %dma_start3A_59 = arith.constant 0 : i32
      %dma_start3A_60 = arith.constant 0 : i32
      %dma_start3A_61 = tpu.memref_slice %arg6[%arg0, %arg1, %dma_start3A_59, %dma_start3A_60] : memref<2x16x632x128xf32, #tpu.memory_space<hbm>> -> memref<1x1x632x128xf32, #tpu.memory_space<hbm>>
      %dma_start3A_62 = tpu.memref_squeeze %dma_start3A_61 : memref<1x1x632x128xf32, #tpu.memory_space<hbm>> -> memref<632x128xf32, #tpu.memory_space<hbm>>
      %dma_start3A_63 = arith.constant 0 : i32
      %dma_start3A_64 = tpu.memref_slice %arg12[%multiple_of3A, %dma_start3A_63] : memref<10112x128xf32, #tpu.memory_space<vmem_shared>> -> memref<632x128xf32, #tpu.memory_space<vmem_shared>>
      tpu.enqueue_dma source(%dma_start3A_64 : memref<632x128xf32, #tpu.memory_space<vmem_shared>>) target(%dma_start3A_62 : memref<632x128xf32, #tpu.memory_space<hbm>>) target_semaphore(%run_scoped3A_58 : memref<!tpu.dma_semaphore, #tpu.memory_space<semaphore_mem>>)
      %dma_wait3A_65 = arith.constant 0 : i32
      %dma_wait3A_66 = arith.constant 0 : i32
      %dma_wait3A_67 = tpu.memref_slice %arg6[%arg0, %arg1, %dma_wait3A_65, %dma_wait3A_66] : memref<2x16x632x128xf32, #tpu.memory_space<hbm>> -> memref<1x1x632x128xf32, #tpu.memory_space<hbm>>
      %dma_wait3A_68 = tpu.memref_squeeze %dma_wait3A_67 : memref<1x1x632x128xf32, #tpu.memory_space<hbm>> -> memref<632x128xf32, #tpu.memory_space<hbm>>
      %dma_wait3A_69 = arith.constant 0 : i32
      %dma_wait3A_70 = tpu.memref_slice %arg12[%multiple_of3A, %dma_wait3A_69] : memref<10112x128xf32, #tpu.memory_space<vmem_shared>> -> memref<632x128xf32, #tpu.memory_space<vmem_shared>>
      tpu.wait_dma2 semaphore(%run_scoped3A_58 : memref<!tpu.dma_semaphore, #tpu.memory_space<semaphore_mem>>) src(%dma_wait3A_70 : memref<632x128xf32, #tpu.memory_space<vmem_shared>>) dst(%dma_wait3A_68 : memref<632x128xf32, #tpu.memory_space<hbm>>)
      tpu.yield
    }) : () -> ()
    return
  }
}

#map = affine_map<(d0, d1) -> (0)>
#map1 = affine_map<(d0, d1) -> (0, 0)>
#map2 = affine_map<(d0, d1) -> (0, 0, 0, 0)>
module attributes {stable_mosaic.version = 14 : i64} {
  func.func @_sc_cnt_body(%arg0: i32, %arg1: i32, %arg2: memref<320000xi32, #tpu.memory_space<hbm>>, %arg3: memref<10112x128xf32, #tpu.memory_space<hbm>>, %arg4: memref<128x128xf32, #tpu.memory_space<hbm>>, %arg5: memref<2x16x632x128xf32, #tpu.memory_space<hbm>>, %arg6: memref<128xi32, #tpu.memory_space<vmem>>, %arg7: memref<128x128xf32, #tpu.memory_space<vmem>>, %arg8: memref<10112x128xf32, #tpu.memory_space<vmem_shared>>) attributes {dimension_semantics = [#tpu.dimension_semantics<core_parallel>, #tpu.dimension_semantics<subcore_parallel>], iteration_bounds = array<i64: 2, 16>, scalar_prefetch = 0 : i64, scratch_operands = 3 : i64, tpu.core_type = #tpu.core_type<sc_vector_subcore>, window_params = [{transform_indices = #map}, {transform_indices = #map1}, {transform_indices = #map1}, {transform_indices = #map2}]} {
    %mul3A = arith.constant 16 : i32
    %mul3A_0 = arith.muli %arg0, %mul3A : i32
    %add3A = arith.addi %mul3A_0, %arg1 : i32
    %mul3A_1 = arith.constant 632 : i32
    %mul3A_2 = arith.muli %arg1, %mul3A_1 : i32
    %multiple_of3A = tpu.assume_multiple %mul3A_2, 8 : i32
    "tpu.region"() ({
      %run_scoped3A = tpu.sem_alloc : memref<!tpu.dma_semaphore, #tpu.memory_space<semaphore_mem>>
      %dma_start3A = arith.constant 0 : i32
      %dma_start3A_9 = tpu.memref_slice %arg8[%multiple_of3A, %dma_start3A] : memref<10112x128xf32, #tpu.memory_space<vmem_shared>> -> memref<632x128xf32, #tpu.memory_space<vmem_shared>>
      %dma_start3A_10 = arith.constant 0 : i32
      %dma_start3A_11 = tpu.memref_slice %arg3[%multiple_of3A, %dma_start3A_10] : memref<10112x128xf32, #tpu.memory_space<hbm>> -> memref<632x128xf32, #tpu.memory_space<hbm>>
      tpu.enqueue_dma source(%dma_start3A_11 : memref<632x128xf32, #tpu.memory_space<hbm>>) target(%dma_start3A_9 : memref<632x128xf32, #tpu.memory_space<vmem_shared>>) target_semaphore(%run_scoped3A : memref<!tpu.dma_semaphore, #tpu.memory_space<semaphore_mem>>)
      %dma_wait3A = arith.constant 0 : i32
      %dma_wait3A_12 = tpu.memref_slice %arg8[%multiple_of3A, %dma_wait3A] : memref<10112x128xf32, #tpu.memory_space<vmem_shared>> -> memref<632x128xf32, #tpu.memory_space<vmem_shared>>
      %dma_wait3A_13 = arith.constant 0 : i32
      %dma_wait3A_14 = tpu.memref_slice %arg3[%multiple_of3A, %dma_wait3A_13] : memref<10112x128xf32, #tpu.memory_space<hbm>> -> memref<632x128xf32, #tpu.memory_space<hbm>>
      tpu.wait_dma2 semaphore(%run_scoped3A : memref<!tpu.dma_semaphore, #tpu.memory_space<semaphore_mem>>) src(%dma_wait3A_14 : memref<632x128xf32, #tpu.memory_space<hbm>>) dst(%dma_wait3A_12 : memref<632x128xf32, #tpu.memory_space<vmem_shared>>)
      tpu.yield
    }) : () -> ()
    "tpu.region"() ({
      %run_scoped3A = tpu.sem_alloc : memref<!tpu.dma_semaphore, #tpu.memory_space<semaphore_mem>>
      tpu.enqueue_dma source(%arg4 : memref<128x128xf32, #tpu.memory_space<hbm>>) target(%arg7 : memref<128x128xf32, #tpu.memory_space<vmem>>) target_semaphore(%run_scoped3A : memref<!tpu.dma_semaphore, #tpu.memory_space<semaphore_mem>>)
      tpu.wait_dma2 semaphore(%run_scoped3A : memref<!tpu.dma_semaphore, #tpu.memory_space<semaphore_mem>>) src(%arg4 : memref<128x128xf32, #tpu.memory_space<hbm>>) dst(%arg7 : memref<128x128xf32, #tpu.memory_space<vmem>>)
      tpu.yield
    }) : () -> ()
    %barrier3A = arith.constant 0 : index
    tpu.barrier barrier_id(%barrier3A)
    %scan3A = arith.constant 0 : i32
    %scan3A_3 = arith.constant 0 : i32
    %scan3A_4 = arith.constant 79 : i32
    %scan3A_5 = arith.addi %scan3A_3, %scan3A_4 : i32
    %scan3A_6 = arith.constant 1 : i32
    scf.for %scan3A_9 = %scan3A_3 to %scan3A_5 step %scan3A_6  : i32 {
      %mul3A_10 = arith.constant 32 : i32
      %mul3A_11 = arith.muli %mul3A_10, %scan3A_9 : i32
      %add3A_12 = arith.addi %add3A, %mul3A_11 : i32
      %lt3A = arith.constant 2500 : i32
      %lt3A_13 = arith.cmpi slt, %add3A_12, %lt3A : i32
      %convert_element_type3A = arith.extui %lt3A_13 : i1 to i32
      %cond3A = arith.constant 0 : i32
      %cond3A_14 = arith.cmpi ne, %convert_element_type3A, %cond3A : i32
      scf.if %cond3A_14 {
        %mul3A_15 = arith.constant 128 : i32
        %mul3A_16 = arith.muli %add3A_12, %mul3A_15 : i32
        %multiple_of3A_17 = tpu.assume_multiple %mul3A_16, 128 : i32
        "tpu.region"() ({
          %run_scoped3A = tpu.sem_alloc : memref<!tpu.dma_semaphore, #tpu.memory_space<semaphore_mem>>
          %dma_start3A = tpu.memref_slice %arg2[%multiple_of3A_17] : memref<320000xi32, #tpu.memory_space<hbm>> -> memref<128xi32, #tpu.memory_space<hbm>>
          %dma_start3A_18 = tpu.memref_slice %arg2[%multiple_of3A_17] : memref<320000xi32, #tpu.memory_space<hbm>> -> memref<128xi32, #tpu.memory_space<hbm>>
          tpu.enqueue_dma source(%dma_start3A_18 : memref<128xi32, #tpu.memory_space<hbm>>) target(%arg6 : memref<128xi32, #tpu.memory_space<vmem>>) target_semaphore(%run_scoped3A : memref<!tpu.dma_semaphore, #tpu.memory_space<semaphore_mem>>)
          %dma_wait3A = tpu.memref_slice %arg2[%multiple_of3A_17] : memref<320000xi32, #tpu.memory_space<hbm>> -> memref<128xi32, #tpu.memory_space<hbm>>
          %dma_wait3A_19 = tpu.memref_slice %arg2[%multiple_of3A_17] : memref<320000xi32, #tpu.memory_space<hbm>> -> memref<128xi32, #tpu.memory_space<hbm>>
          tpu.wait_dma2 semaphore(%run_scoped3A : memref<!tpu.dma_semaphore, #tpu.memory_space<semaphore_mem>>) src(%dma_wait3A_19 : memref<128xi32, #tpu.memory_space<hbm>>) dst(%arg6 : memref<128xi32, #tpu.memory_space<vmem>>)
          tpu.yield
        }) : () -> ()
        "tpu.region"() ({
          %run_scoped3A = tpu.sem_alloc : memref<!tpu.dma_semaphore, #tpu.memory_space<semaphore_mem>>
          %dma_start3A = arith.constant 0 : i32
          %dma_start3A_18 = arith.constant 0 : i32
          %dma_start3A_19 = tpu.memref_slice %arg8[%dma_start3A, %dma_start3A_18] : memref<10112x128xf32, #tpu.memory_space<vmem_shared>> -> memref<10112x128xf32, #tpu.memory_space<vmem_shared>>
          tpu.enqueue_indirect_dma source(%arg7 : memref<128x128xf32, #tpu.memory_space<vmem>>) target(%dma_start3A_19 : memref<10112x128xf32, #tpu.memory_space<vmem_shared>>) offsets(%arg6 : memref<128xi32, #tpu.memory_space<vmem>>) semaphore(%run_scoped3A : memref<!tpu.dma_semaphore, #tpu.memory_space<semaphore_mem>>) {add = true}
          %dma_wait3A = arith.constant 0 : i32
          %dma_wait3A_20 = arith.constant 0 : i32
          %dma_wait3A_21 = tpu.memref_slice %arg8[%dma_wait3A, %dma_wait3A_20] : memref<10112x128xf32, #tpu.memory_space<vmem_shared>> -> memref<10112x128xf32, #tpu.memory_space<vmem_shared>>
          tpu.wait_indirect_dma semaphore(%run_scoped3A : memref<!tpu.dma_semaphore, #tpu.memory_space<semaphore_mem>>) src(%arg7 : memref<128x128xf32, #tpu.memory_space<vmem>>) dst(%dma_wait3A_21 : memref<10112x128xf32, #tpu.memory_space<vmem_shared>>)
          tpu.yield
        }) : () -> ()
      } else {
      }
    }
    %scan3A_7 = arith.constant 79 : i32
    %barrier3A_8 = arith.constant 0 : index
    tpu.barrier barrier_id(%barrier3A_8)
    "tpu.region"() ({
      %run_scoped3A = tpu.sem_alloc : memref<!tpu.dma_semaphore, #tpu.memory_space<semaphore_mem>>
      %dma_start3A = arith.constant 0 : i32
      %dma_start3A_9 = arith.constant 0 : i32
      %dma_start3A_10 = tpu.memref_slice %arg5[%arg0, %arg1, %dma_start3A, %dma_start3A_9] : memref<2x16x632x128xf32, #tpu.memory_space<hbm>> -> memref<1x1x632x128xf32, #tpu.memory_space<hbm>>
      %dma_start3A_11 = tpu.memref_squeeze %dma_start3A_10 : memref<1x1x632x128xf32, #tpu.memory_space<hbm>> -> memref<632x128xf32, #tpu.memory_space<hbm>>
      %dma_start3A_12 = arith.constant 0 : i32
      %dma_start3A_13 = tpu.memref_slice %arg8[%multiple_of3A, %dma_start3A_12] : memref<10112x128xf32, #tpu.memory_space<vmem_shared>> -> memref<632x128xf32, #tpu.memory_space<vmem_shared>>
      tpu.enqueue_dma source(%dma_start3A_13 : memref<632x128xf32, #tpu.memory_space<vmem_shared>>) target(%dma_start3A_11 : memref<632x128xf32, #tpu.memory_space<hbm>>) target_semaphore(%run_scoped3A : memref<!tpu.dma_semaphore, #tpu.memory_space<semaphore_mem>>)
      %dma_wait3A = arith.constant 0 : i32
      %dma_wait3A_14 = arith.constant 0 : i32
      %dma_wait3A_15 = tpu.memref_slice %arg5[%arg0, %arg1, %dma_wait3A, %dma_wait3A_14] : memref<2x16x632x128xf32, #tpu.memory_space<hbm>> -> memref<1x1x632x128xf32, #tpu.memory_space<hbm>>
      %dma_wait3A_16 = tpu.memref_squeeze %dma_wait3A_15 : memref<1x1x632x128xf32, #tpu.memory_space<hbm>> -> memref<632x128xf32, #tpu.memory_space<hbm>>
      %dma_wait3A_17 = arith.constant 0 : i32
      %dma_wait3A_18 = tpu.memref_slice %arg8[%multiple_of3A, %dma_wait3A_17] : memref<10112x128xf32, #tpu.memory_space<vmem_shared>> -> memref<632x128xf32, #tpu.memory_space<vmem_shared>>
      tpu.wait_dma2 semaphore(%run_scoped3A : memref<!tpu.dma_semaphore, #tpu.memory_space<semaphore_mem>>) src(%dma_wait3A_18 : memref<632x128xf32, #tpu.memory_space<vmem_shared>>) dst(%dma_wait3A_16 : memref<632x128xf32, #tpu.memory_space<hbm>>)
      tpu.yield
    }) : () -> ()
    return
  }
}

module attributes {stable_mosaic.version = 14 : i64} {
  func.func @_ea_body(%arg0: i32, %arg1: memref<4000x16xf32, #tpu.memory_space<vmem>>, %arg2: memref<128x16xf32, #tpu.memory_space<vmem>>, %arg3: memref<4000x128xf32, #tpu.memory_space<vmem>>) attributes {dimension_semantics = [#tpu.dimension_semantics<arbitrary>], iteration_bounds = array<i64: 81>, scalar_prefetch = 0 : i64, scratch_operands = 0 : i64, tpu.core_type = #tpu.core_type<tc>, window_params = [{transform_indices = @transform_0, window_bounds = array<i64: 4000, 16>}, {pipeline_mode = #tpu.pipeline_mode<synchronous>, transform_indices = @transform_1, window_bounds = array<i64: 128, 16>}, {transform_indices = @transform_2, window_bounds = array<i64: 4000, 128>}]} {
    %get3A = arith.constant 0 : index
    %get3A_0 = arith.constant 0 : index
    %get3A_1 = vector.load %arg1[%get3A, %get3A_0] : memref<4000x16xf32, #tpu.memory_space<vmem>>, vector<4000x16xf32>
    %get3A_2 = arith.constant 0 : index
    %get3A_3 = arith.constant 0 : index
    %get3A_4 = vector.load %arg2[%get3A_2, %get3A_3] : memref<128x16xf32, #tpu.memory_space<vmem>>, vector<128x16xf32>
    %dot_general3A = arith.constant dense<0.000000e+00> : vector<4000x128xf32>
    %dot_general3A_5 = tpu.matmul %get3A_1, %get3A_4, %dot_general3A {dimension_numbers = #tpu.dot_dimension_numbers<[1], [1], [0], [0], [0, 0, 1, 0], [], []>, transpose_lhs_hint = false} : vector<4000x16xf32>, vector<128x16xf32>, vector<4000x128xf32> -> vector<4000x128xf32>
    %swap3A = arith.constant 0 : index
    %swap3A_6 = arith.constant 0 : index
    %swap3A_7 = vector.load %arg3[%swap3A, %swap3A_6] : memref<4000x128xf32, #tpu.memory_space<vmem>>, vector<4000x128xf32>
    tpu.vector_store %arg3[%swap3A, %swap3A_6], %dot_general3A_5 {strides = array<i32>} : memref<4000x128xf32, #tpu.memory_space<vmem>>, vector<4000x128xf32>,
    return
  }
  func.func @transform_0(%arg0: i32) -> (i32, i32) {
    %c0_i32 = arith.constant 0 : i32
    %c0_i32_0 = arith.constant 0 : i32
    return %arg0, %c0_i32 : i32, i32
  }
  func.func @transform_1(%arg0: i32) -> (i32, i32) {
    %c0_i32 = arith.constant 0 : i32
    %c0_i32_0 = arith.constant 0 : i32
    %c0_i32_1 = arith.constant 0 : i32
    return %c0_i32, %c0_i32_0 : i32, i32
  }
  func.func @transform_2(%arg0: i32) -> (i32, i32) {
    %c0_i32 = arith.constant 0 : i32
    %c0_i32_0 = arith.constant 0 : i32
    return %arg0, %c0_i32 : i32, i32
  }
}

module attributes {stable_mosaic.version = 14 : i64} {
  func.func @_prep_body(%arg0: memref<10000x128xf32, #tpu.memory_space<vmem>>, %arg1: memref<1x128xf32, #tpu.memory_space<vmem>>, %arg2: memref<1x128xf32, #tpu.memory_space<vmem>>, %arg3: memref<128x128xf32, #tpu.memory_space<vmem>>, %arg4: memref<10000x128xf32, #tpu.memory_space<vmem>>, %arg5: memref<10000x128xf32, #tpu.memory_space<vmem>>) attributes {dimension_semantics = [], scalar_prefetch = 0 : i64, scratch_operands = 0 : i64, tpu.core_type = #tpu.core_type<tc>} {
    %get3A = arith.constant 0 : index
    %get3A_0 = arith.constant 0 : index
    %get3A_1 = vector.load %arg0[%get3A, %get3A_0] : memref<10000x128xf32, #tpu.memory_space<vmem>>, vector<10000x128xf32>
    %reduce_sum3A = arith.constant dense<0.000000e+00> : vector<128xf32>
    %reduce_sum3A_2 = vector.multi_reduction <add>, %get3A_1, %reduce_sum3A [0] : vector<10000x128xf32> to vector<128xf32>
    %broadcast_in_dim3A = vector.shape_cast %reduce_sum3A_2 : vector<128xf32> to vector<1x128xf32>
    %div3A = arith.constant 1.000000e+04 : f32
    %div3A_3 = vector.broadcast %div3A : f32 to vector<1x128xf32>
    %div3A_4 = arith.divf %broadcast_in_dim3A, %div3A_3 : vector<1x128xf32>
    %sub3A = vector.broadcast %div3A_4 : vector<1x128xf32> to vector<10000x128xf32>
    %sub3A_5 = arith.subf %get3A_1, %sub3A : vector<10000x128xf32>
    %mul3A = arith.mulf %sub3A_5, %sub3A_5 : vector<10000x128xf32>
    %reduce_sum3A_6 = arith.constant dense<0.000000e+00> : vector<128xf32>
    %reduce_sum3A_7 = vector.multi_reduction <add>, %mul3A, %reduce_sum3A_6 [0] : vector<10000x128xf32> to vector<128xf32>
    %broadcast_in_dim3A_8 = vector.shape_cast %reduce_sum3A_7 : vector<128xf32> to vector<1x128xf32>
    %div3A_9 = arith.constant 1.000000e+04 : f32
    %div3A_10 = vector.broadcast %div3A_9 : f32 to vector<1x128xf32>
    %div3A_11 = arith.divf %broadcast_in_dim3A_8, %div3A_10 : vector<1x128xf32>
    %add3A = arith.constant 9.99999974E-6 : f32
    %add3A_12 = vector.broadcast %add3A : f32 to vector<1x128xf32>
    %add3A_13 = arith.addf %div3A_11, %add3A_12 : vector<1x128xf32>
    %rsqrt3A = math.rsqrt %add3A_13 : vector<1x128xf32>
    %mul3A_14 = vector.broadcast %rsqrt3A : vector<1x128xf32> to vector<10000x128xf32>
    %mul3A_15 = arith.mulf %sub3A_5, %mul3A_14 : vector<10000x128xf32>
    %get3A_16 = arith.constant 0 : index
    %get3A_17 = arith.constant 0 : index
    %get3A_18 = vector.load %arg1[%get3A_16, %get3A_17] : memref<1x128xf32, #tpu.memory_space<vmem>>, vector<1x128xf32>
    %mul3A_19 = vector.broadcast %get3A_18 : vector<1x128xf32> to vector<10000x128xf32>
    %mul3A_20 = arith.mulf %mul3A_15, %mul3A_19 : vector<10000x128xf32>
    %get3A_21 = arith.constant 0 : index
    %get3A_22 = arith.constant 0 : index
    %get3A_23 = vector.load %arg2[%get3A_21, %get3A_22] : memref<1x128xf32, #tpu.memory_space<vmem>>, vector<1x128xf32>
    %add3A_24 = vector.broadcast %get3A_23 : vector<1x128xf32> to vector<10000x128xf32>
    %add3A_25 = arith.addf %mul3A_20, %add3A_24 : vector<10000x128xf32>
    %swap3A = arith.constant 0 : index
    %swap3A_26 = arith.constant 0 : index
    %swap3A_27 = vector.load %arg4[%swap3A, %swap3A_26] : memref<10000x128xf32, #tpu.memory_space<vmem>>, vector<10000x128xf32>
    tpu.vector_store %arg4[%swap3A, %swap3A_26], %add3A_25 {strides = array<i32>} : memref<10000x128xf32, #tpu.memory_space<vmem>>, vector<10000x128xf32>,
    %get3A_28 = arith.constant 0 : index
    %get3A_29 = arith.constant 0 : index
    %get3A_30 = vector.load %arg3[%get3A_28, %get3A_29] : memref<128x128xf32, #tpu.memory_space<vmem>>, vector<128x128xf32>
    %dot_general3A = arith.constant dense<0.000000e+00> : vector<10000x128xf32>
    %dot_general3A_31 = tpu.matmul %add3A_25, %get3A_30, %dot_general3A {dimension_numbers = #tpu.dot_dimension_numbers<[1], [0], [0], [1], [0, 0, 1, 1], [], []>, transpose_lhs_hint = false} : vector<10000x128xf32>, vector<128x128xf32>, vector<10000x128xf32> -> vector<10000x128xf32>
    %swap3A_32 = arith.constant 0 : index
    %swap3A_33 = arith.constant 0 : index
    %swap3A_34 = vector.load %arg5[%swap3A_32, %swap3A_33] : memref<10000x128xf32, #tpu.memory_space<vmem>>, vector<10000x128xf32>
    tpu.vector_store %arg5[%swap3A_32, %swap3A_33], %dot_general3A_31 {strides = array<i32>} : memref<10000x128xf32, #tpu.memory_space<vmem>>, vector<10000x128xf32>,
    return
  }
}

module attributes {stable_mosaic.version = 14 : i64} {
  func.func @_gru_body(%arg0: i32, %arg1: memref<2x1000x128xf32, #tpu.memory_space<vmem>>, %arg2: memref<2x1000x128xf32, #tpu.memory_space<vmem>>, %arg3: memref<1000x128xf32, #tpu.memory_space<vmem>>, %arg4: memref<384x128xf32, #tpu.memory_space<vmem>>, %arg5: memref<384x128xf32, #tpu.memory_space<vmem>>, %arg6: memref<1x384xf32, #tpu.memory_space<vmem>>, %arg7: memref<1x384xf32, #tpu.memory_space<vmem>>, %arg8: memref<128x128xf32, #tpu.memory_space<vmem>>, %arg9: memref<1000x128xf32, #tpu.memory_space<vmem>>, %arg10: memref<1000x128xf32, #tpu.memory_space<vmem>>) attributes {dimension_semantics = [#tpu.dimension_semantics<arbitrary>], iteration_bounds = array<i64: 10>, scalar_prefetch = 0 : i64, scratch_operands = 0 : i64, tpu.core_type = #tpu.core_type<tc>, window_params = [{transform_indices = @transform_0, window_bounds = array<i64: 2, 1000, 128>}, {transform_indices = @transform_1, window_bounds = array<i64: 2, 1000, 128>}, {transform_indices = @transform_2, window_bounds = array<i64: 1000, 128>}, {pipeline_mode = #tpu.pipeline_mode<synchronous>, transform_indices = @transform_3, window_bounds = array<i64: 384, 128>}, {pipeline_mode = #tpu.pipeline_mode<synchronous>, transform_indices = @transform_4, window_bounds = array<i64: 384, 128>}, {pipeline_mode = #tpu.pipeline_mode<synchronous>, transform_indices = @transform_5, window_bounds = array<i64: 1, 384>}, {pipeline_mode = #tpu.pipeline_mode<synchronous>, transform_indices = @transform_6, window_bounds = array<i64: 1, 384>}, {pipeline_mode = #tpu.pipeline_mode<synchronous>, transform_indices = @transform_7, window_bounds = array<i64: 128, 128>}, {transform_indices = @transform_8, window_bounds = array<i64: 1000, 128>}, {transform_indices = @transform_9, window_bounds = array<i64: 1000, 128>}]} {
    %get3A = arith.constant 0 : index
    %get3A_0 = arith.constant 0 : index
    %get3A_1 = arith.constant 0 : index
    %get3A_2 = vector.load %arg1[%get3A, %get3A_0, %get3A_1] : memref<2x1000x128xf32, #tpu.memory_space<vmem>>, vector<2x1000x128xf32>
    %slice3A = vector.extract_strided_slice %get3A_2 {offsets = [0, 0, 0], sizes = [1, 1000, 128], strides = [1, 1, 1]} : vector<2x1000x128xf32> to vector<1x1000x128xf32>
    %squeeze3A = vector.shape_cast %slice3A : vector<1x1000x128xf32> to vector<1000x128xf32>
    %slice3A_3 = vector.extract_strided_slice %get3A_2 {offsets = [1, 0, 0], sizes = [1, 1000, 128], strides = [1, 1, 1]} : vector<2x1000x128xf32> to vector<1x1000x128xf32>
    %squeeze3A_4 = vector.shape_cast %slice3A_3 : vector<1x1000x128xf32> to vector<1000x128xf32>
    %add3A = arith.addf %squeeze3A, %squeeze3A_4 : vector<1000x128xf32>
    %get3A_5 = arith.constant 0 : index
    %get3A_6 = arith.constant 0 : index
    %get3A_7 = arith.constant 0 : index
    %get3A_8 = vector.load %arg2[%get3A_5, %get3A_6, %get3A_7] : memref<2x1000x128xf32, #tpu.memory_space<vmem>>, vector<2x1000x128xf32>
    %slice3A_9 = vector.extract_strided_slice %get3A_8 {offsets = [0, 0, 0], sizes = [1, 1000, 1], strides = [1, 1, 1]} : vector<2x1000x128xf32> to vector<1x1000x1xf32>
    %squeeze3A_10 = vector.shape_cast %slice3A_9 : vector<1x1000x1xf32> to vector<1000x1xf32>
    %slice3A_11 = vector.extract_strided_slice %get3A_8 {offsets = [1, 0, 0], sizes = [1, 1000, 1], strides = [1, 1, 1]} : vector<2x1000x128xf32> to vector<1x1000x1xf32>
    %squeeze3A_12 = vector.shape_cast %slice3A_11 : vector<1x1000x1xf32> to vector<1000x1xf32>
    %add3A_13 = arith.addf %squeeze3A_10, %squeeze3A_12 : vector<1000x1xf32>
    %max3A = arith.constant 1.000000e+00 : f32
    %max3A_14 = vector.broadcast %max3A : f32 to vector<1000x1xf32>
    %max3A_15 = arith.maximumf %add3A_13, %max3A_14 : vector<1000x1xf32>
    %div3A = vector.broadcast %max3A_15 : vector<1000x1xf32> to vector<1000x128xf32>
    %div3A_16 = arith.divf %add3A, %div3A : vector<1000x128xf32>
    %get3A_17 = arith.constant 0 : index
    %get3A_18 = arith.constant 0 : index
    %get3A_19 = vector.load %arg3[%get3A_17, %get3A_18] : memref<1000x128xf32, #tpu.memory_space<vmem>>, vector<1000x128xf32>
    %get3A_20 = arith.constant 0 : index
    %get3A_21 = arith.constant 0 : index
    %get3A_22 = vector.load %arg4[%get3A_20, %get3A_21] : memref<384x128xf32, #tpu.memory_space<vmem>>, vector<384x128xf32>
    %dot_general3A = arith.constant dense<0.000000e+00> : vector<1000x384xf32>
    %dot_general3A_23 = tpu.matmul %div3A_16, %get3A_22, %dot_general3A {dimension_numbers = #tpu.dot_dimension_numbers<[1], [1], [0], [0], [0, 0, 1, 0], [], []>, transpose_lhs_hint = false} : vector<1000x128xf32>, vector<384x128xf32>, vector<1000x384xf32> -> vector<1000x384xf32>
    %get3A_24 = arith.constant 0 : index
    %get3A_25 = arith.constant 0 : index
    %get3A_26 = vector.load %arg6[%get3A_24, %get3A_25] : memref<1x384xf32, #tpu.memory_space<vmem>>, vector<1x384xf32>
    %add3A_27 = vector.broadcast %get3A_26 : vector<1x384xf32> to vector<1000x384xf32>
    %add3A_28 = arith.addf %dot_general3A_23, %add3A_27 : vector<1000x384xf32>
    %get3A_29 = arith.constant 0 : index
    %get3A_30 = arith.constant 0 : index
    %get3A_31 = vector.load %arg5[%get3A_29, %get3A_30] : memref<384x128xf32, #tpu.memory_space<vmem>>, vector<384x128xf32>
    %dot_general3A_32 = arith.constant dense<0.000000e+00> : vector<1000x384xf32>
    %dot_general3A_33 = tpu.matmul %get3A_19, %get3A_31, %dot_general3A_32 {dimension_numbers = #tpu.dot_dimension_numbers<[1], [1], [0], [0], [0, 0, 1, 0], [], []>, transpose_lhs_hint = false} : vector<1000x128xf32>, vector<384x128xf32>, vector<1000x384xf32> -> vector<1000x384xf32>
    %get3A_34 = arith.constant 0 : index
    %get3A_35 = arith.constant 0 : index
    %get3A_36 = vector.load %arg7[%get3A_34, %get3A_35] : memref<1x384xf32, #tpu.memory_space<vmem>>, vector<1x384xf32>
    %add3A_37 = vector.broadcast %get3A_36 : vector<1x384xf32> to vector<1000x384xf32>
    %add3A_38 = arith.addf %dot_general3A_33, %add3A_37 : vector<1000x384xf32>
    %slice3A_39 = vector.extract_strided_slice %add3A_28 {offsets = [0, 0], sizes = [1000, 128], strides = [1, 1]} : vector<1000x384xf32> to vector<1000x128xf32>
    %slice3A_40 = vector.extract_strided_slice %add3A_38 {offsets = [0, 0], sizes = [1000, 128], strides = [1, 1]} : vector<1000x384xf32> to vector<1000x128xf32>
    %add3A_41 = arith.addf %slice3A_39, %slice3A_40 : vector<1000x128xf32>
    %logistic3A = arith.negf %add3A_41 : vector<1000x128xf32>
    %logistic3A_42 = math.exp %logistic3A : vector<1000x128xf32>
    %logistic3A_43 = arith.constant 1.000000e+00 : f32
    %logistic3A_44 = vector.broadcast %logistic3A_43 : f32 to vector<1000x128xf32>
    %logistic3A_45 = arith.addf %logistic3A_44, %logistic3A_42 : vector<1000x128xf32>
    %logistic3A_46 = arith.divf %logistic3A_44, %logistic3A_45 : vector<1000x128xf32>
    %slice3A_47 = vector.extract_strided_slice %add3A_28 {offsets = [0, 128], sizes = [1000, 128], strides = [1, 1]} : vector<1000x384xf32> to vector<1000x128xf32>
    %slice3A_48 = vector.extract_strided_slice %add3A_38 {offsets = [0, 128], sizes = [1000, 128], strides = [1, 1]} : vector<1000x384xf32> to vector<1000x128xf32>
    %add3A_49 = arith.addf %slice3A_47, %slice3A_48 : vector<1000x128xf32>
    %logistic3A_50 = arith.negf %add3A_49 : vector<1000x128xf32>
    %logistic3A_51 = math.exp %logistic3A_50 : vector<1000x128xf32>
    %logistic3A_52 = arith.constant 1.000000e+00 : f32
    %logistic3A_53 = vector.broadcast %logistic3A_52 : f32 to vector<1000x128xf32>
    %logistic3A_54 = arith.addf %logistic3A_53, %logistic3A_51 : vector<1000x128xf32>
    %logistic3A_55 = arith.divf %logistic3A_53, %logistic3A_54 : vector<1000x128xf32>
    %slice3A_56 = vector.extract_strided_slice %add3A_28 {offsets = [0, 256], sizes = [1000, 128], strides = [1, 1]} : vector<1000x384xf32> to vector<1000x128xf32>
    %slice3A_57 = vector.extract_strided_slice %add3A_38 {offsets = [0, 256], sizes = [1000, 128], strides = [1, 1]} : vector<1000x384xf32> to vector<1000x128xf32>
    %mul3A = arith.mulf %logistic3A_46, %slice3A_57 : vector<1000x128xf32>
    %add3A_58 = arith.addf %slice3A_56, %mul3A : vector<1000x128xf32>
    %tanh3A = math.tanh %add3A_58 : vector<1000x128xf32>
    %sub3A = arith.constant 1.000000e+00 : f32
    %sub3A_59 = vector.broadcast %sub3A : f32 to vector<1000x128xf32>
    %sub3A_60 = arith.subf %sub3A_59, %logistic3A_55 : vector<1000x128xf32>
    %mul3A_61 = arith.mulf %sub3A_60, %tanh3A : vector<1000x128xf32>
    %mul3A_62 = arith.mulf %logistic3A_55, %get3A_19 : vector<1000x128xf32>
    %add3A_63 = arith.addf %mul3A_61, %mul3A_62 : vector<1000x128xf32>
    %swap3A = arith.constant 0 : index
    %swap3A_64 = arith.constant 0 : index
    %swap3A_65 = vector.load %arg9[%swap3A, %swap3A_64] : memref<1000x128xf32, #tpu.memory_space<vmem>>, vector<1000x128xf32>
    tpu.vector_store %arg9[%swap3A, %swap3A_64], %add3A_63 {strides = array<i32>} : memref<1000x128xf32, #tpu.memory_space<vmem>>, vector<1000x128xf32>,
    %get3A_66 = arith.constant 0 : index
    %get3A_67 = arith.constant 0 : index
    %get3A_68 = vector.load %arg8[%get3A_66, %get3A_67] : memref<128x128xf32, #tpu.memory_space<vmem>>, vector<128x128xf32>
    %dot_general3A_69 = arith.constant dense<0.000000e+00> : vector<1000x128xf32>
    %dot_general3A_70 = tpu.matmul %add3A_63, %get3A_68, %dot_general3A_69 {dimension_numbers = #tpu.dot_dimension_numbers<[1], [0], [0], [1], [0, 0, 1, 1], [], []>, transpose_lhs_hint = false} : vector<1000x128xf32>, vector<128x128xf32>, vector<1000x128xf32> -> vector<1000x128xf32>
    %swap3A_71 = arith.constant 0 : index
    %swap3A_72 = arith.constant 0 : index
    %swap3A_73 = vector.load %arg10[%swap3A_71, %swap3A_72] : memref<1000x128xf32, #tpu.memory_space<vmem>>, vector<1000x128xf32>
    tpu.vector_store %arg10[%swap3A_71, %swap3A_72], %dot_general3A_70 {strides = array<i32>} : memref<1000x128xf32, #tpu.memory_space<vmem>>, vector<1000x128xf32>,
    return
  }
  func.func @transform_0(%arg0: i32) -> (i32, i32, i32) {
    %c0_i32 = arith.constant 0 : i32
    %c0_i32_0 = arith.constant 0 : i32
    %c0_i32_1 = arith.constant 0 : i32
    return %c0_i32, %arg0, %c0_i32_0 : i32, i32, i32
  }
  func.func @transform_1(%arg0: i32) -> (i32, i32, i32) {
    %c0_i32 = arith.constant 0 : i32
    %c0_i32_0 = arith.constant 0 : i32
    %c0_i32_1 = arith.constant 0 : i32
    return %c0_i32, %arg0, %c0_i32_0 : i32, i32, i32
  }
  func.func @transform_2(%arg0: i32) -> (i32, i32) {
    %c0_i32 = arith.constant 0 : i32
    %c0_i32_0 = arith.constant 0 : i32
    return %arg0, %c0_i32 : i32, i32
  }
  func.func @transform_3(%arg0: i32) -> (i32, i32) {
    %c0_i32 = arith.constant 0 : i32
    %c0_i32_0 = arith.constant 0 : i32
    %c0_i32_1 = arith.constant 0 : i32
    return %c0_i32, %c0_i32_0 : i32, i32
  }
  func.func @transform_4(%arg0: i32) -> (i32, i32) {
    %c0_i32 = arith.constant 0 : i32
    %c0_i32_0 = arith.constant 0 : i32
    %c0_i32_1 = arith.constant 0 : i32
    return %c0_i32, %c0_i32_0 : i32, i32
  }
  func.func @transform_5(%arg0: i32) -> (i32, i32) {
    %c0_i32 = arith.constant 0 : i32
    %c0_i32_0 = arith.constant 0 : i32
    %c0_i32_1 = arith.constant 0 : i32
    return %c0_i32, %c0_i32_0 : i32, i32
  }
  func.func @transform_6(%arg0: i32) -> (i32, i32) {
    %c0_i32 = arith.constant 0 : i32
    %c0_i32_0 = arith.constant 0 : i32
    %c0_i32_1 = arith.constant 0 : i32
    return %c0_i32, %c0_i32_0 : i32, i32
  }
  func.func @transform_7(%arg0: i32) -> (i32, i32) {
    %c0_i32 = arith.constant 0 : i32
    %c0_i32_0 = arith.constant 0 : i32
    %c0_i32_1 = arith.constant 0 : i32
    return %c0_i32, %c0_i32_0 : i32, i32
  }
  func.func @transform_8(%arg0: i32) -> (i32, i32) {
    %c0_i32 = arith.constant 0 : i32
    %c0_i32_0 = arith.constant 0 : i32
    return %arg0, %c0_i32 : i32, i32
  }
  func.func @transform_9(%arg0: i32) -> (i32, i32) {
    %c0_i32 = arith.constant 0 : i32
    %c0_i32_0 = arith.constant 0 : i32
    return %arg0, %c0_i32 : i32, i32
  }
}

module attributes {stable_mosaic.version = 14 : i64} {
  func.func @_gru_body(%arg0: i32, %arg1: memref<2x1000x128xf32, #tpu.memory_space<vmem>>, %arg2: memref<2x1000x128xf32, #tpu.memory_space<vmem>>, %arg3: memref<1000x128xf32, #tpu.memory_space<vmem>>, %arg4: memref<384x128xf32, #tpu.memory_space<vmem>>, %arg5: memref<384x128xf32, #tpu.memory_space<vmem>>, %arg6: memref<1x384xf32, #tpu.memory_space<vmem>>, %arg7: memref<1x384xf32, #tpu.memory_space<vmem>>, %arg8: memref<128x128xf32, #tpu.memory_space<vmem>>, %arg9: memref<1000x128xf32, #tpu.memory_space<vmem>>) attributes {dimension_semantics = [#tpu.dimension_semantics<arbitrary>], iteration_bounds = array<i64: 10>, scalar_prefetch = 0 : i64, scratch_operands = 0 : i64, tpu.core_type = #tpu.core_type<tc>, window_params = [{transform_indices = @transform_0, window_bounds = array<i64: 2, 1000, 128>}, {transform_indices = @transform_1, window_bounds = array<i64: 2, 1000, 128>}, {transform_indices = @transform_2, window_bounds = array<i64: 1000, 128>}, {pipeline_mode = #tpu.pipeline_mode<synchronous>, transform_indices = @transform_3, window_bounds = array<i64: 384, 128>}, {pipeline_mode = #tpu.pipeline_mode<synchronous>, transform_indices = @transform_4, window_bounds = array<i64: 384, 128>}, {pipeline_mode = #tpu.pipeline_mode<synchronous>, transform_indices = @transform_5, window_bounds = array<i64: 1, 384>}, {pipeline_mode = #tpu.pipeline_mode<synchronous>, transform_indices = @transform_6, window_bounds = array<i64: 1, 384>}, {pipeline_mode = #tpu.pipeline_mode<synchronous>, transform_indices = @transform_7, window_bounds = array<i64: 128, 128>}, {transform_indices = @transform_8, window_bounds = array<i64: 1000, 128>}]} {
    %get3A = arith.constant 0 : index
    %get3A_0 = arith.constant 0 : index
    %get3A_1 = arith.constant 0 : index
    %get3A_2 = vector.load %arg1[%get3A, %get3A_0, %get3A_1] : memref<2x1000x128xf32, #tpu.memory_space<vmem>>, vector<2x1000x128xf32>
    %slice3A = vector.extract_strided_slice %get3A_2 {offsets = [0, 0, 0], sizes = [1, 1000, 128], strides = [1, 1, 1]} : vector<2x1000x128xf32> to vector<1x1000x128xf32>
    %squeeze3A = vector.shape_cast %slice3A : vector<1x1000x128xf32> to vector<1000x128xf32>
    %slice3A_3 = vector.extract_strided_slice %get3A_2 {offsets = [1, 0, 0], sizes = [1, 1000, 128], strides = [1, 1, 1]} : vector<2x1000x128xf32> to vector<1x1000x128xf32>
    %squeeze3A_4 = vector.shape_cast %slice3A_3 : vector<1x1000x128xf32> to vector<1000x128xf32>
    %add3A = arith.addf %squeeze3A, %squeeze3A_4 : vector<1000x128xf32>
    %get3A_5 = arith.constant 0 : index
    %get3A_6 = arith.constant 0 : index
    %get3A_7 = arith.constant 0 : index
    %get3A_8 = vector.load %arg2[%get3A_5, %get3A_6, %get3A_7] : memref<2x1000x128xf32, #tpu.memory_space<vmem>>, vector<2x1000x128xf32>
    %slice3A_9 = vector.extract_strided_slice %get3A_8 {offsets = [0, 0, 0], sizes = [1, 1000, 1], strides = [1, 1, 1]} : vector<2x1000x128xf32> to vector<1x1000x1xf32>
    %squeeze3A_10 = vector.shape_cast %slice3A_9 : vector<1x1000x1xf32> to vector<1000x1xf32>
    %slice3A_11 = vector.extract_strided_slice %get3A_8 {offsets = [1, 0, 0], sizes = [1, 1000, 1], strides = [1, 1, 1]} : vector<2x1000x128xf32> to vector<1x1000x1xf32>
    %squeeze3A_12 = vector.shape_cast %slice3A_11 : vector<1x1000x1xf32> to vector<1000x1xf32>
    %add3A_13 = arith.addf %squeeze3A_10, %squeeze3A_12 : vector<1000x1xf32>
    %max3A = arith.constant 1.000000e+00 : f32
    %max3A_14 = vector.broadcast %max3A : f32 to vector<1000x1xf32>
    %max3A_15 = arith.maximumf %add3A_13, %max3A_14 : vector<1000x1xf32>
    %div3A = vector.broadcast %max3A_15 : vector<1000x1xf32> to vector<1000x128xf32>
    %div3A_16 = arith.divf %add3A, %div3A : vector<1000x128xf32>
    %get3A_17 = arith.constant 0 : index
    %get3A_18 = arith.constant 0 : index
    %get3A_19 = vector.load %arg3[%get3A_17, %get3A_18] : memref<1000x128xf32, #tpu.memory_space<vmem>>, vector<1000x128xf32>
    %get3A_20 = arith.constant 0 : index
    %get3A_21 = arith.constant 0 : index
    %get3A_22 = vector.load %arg4[%get3A_20, %get3A_21] : memref<384x128xf32, #tpu.memory_space<vmem>>, vector<384x128xf32>
    %dot_general3A = arith.constant dense<0.000000e+00> : vector<1000x384xf32>
    %dot_general3A_23 = tpu.matmul %div3A_16, %get3A_22, %dot_general3A {dimension_numbers = #tpu.dot_dimension_numbers<[1], [1], [0], [0], [0, 0, 1, 0], [], []>, transpose_lhs_hint = false} : vector<1000x128xf32>, vector<384x128xf32>, vector<1000x384xf32> -> vector<1000x384xf32>
    %get3A_24 = arith.constant 0 : index
    %get3A_25 = arith.constant 0 : index
    %get3A_26 = vector.load %arg6[%get3A_24, %get3A_25] : memref<1x384xf32, #tpu.memory_space<vmem>>, vector<1x384xf32>
    %add3A_27 = vector.broadcast %get3A_26 : vector<1x384xf32> to vector<1000x384xf32>
    %add3A_28 = arith.addf %dot_general3A_23, %add3A_27 : vector<1000x384xf32>
    %get3A_29 = arith.constant 0 : index
    %get3A_30 = arith.constant 0 : index
    %get3A_31 = vector.load %arg5[%get3A_29, %get3A_30] : memref<384x128xf32, #tpu.memory_space<vmem>>, vector<384x128xf32>
    %dot_general3A_32 = arith.constant dense<0.000000e+00> : vector<1000x384xf32>
    %dot_general3A_33 = tpu.matmul %get3A_19, %get3A_31, %dot_general3A_32 {dimension_numbers = #tpu.dot_dimension_numbers<[1], [1], [0], [0], [0, 0, 1, 0], [], []>, transpose_lhs_hint = false} : vector<1000x128xf32>, vector<384x128xf32>, vector<1000x384xf32> -> vector<1000x384xf32>
    %get3A_34 = arith.constant 0 : index
    %get3A_35 = arith.constant 0 : index
    %get3A_36 = vector.load %arg7[%get3A_34, %get3A_35] : memref<1x384xf32, #tpu.memory_space<vmem>>, vector<1x384xf32>
    %add3A_37 = vector.broadcast %get3A_36 : vector<1x384xf32> to vector<1000x384xf32>
    %add3A_38 = arith.addf %dot_general3A_33, %add3A_37 : vector<1000x384xf32>
    %slice3A_39 = vector.extract_strided_slice %add3A_28 {offsets = [0, 0], sizes = [1000, 128], strides = [1, 1]} : vector<1000x384xf32> to vector<1000x128xf32>
    %slice3A_40 = vector.extract_strided_slice %add3A_38 {offsets = [0, 0], sizes = [1000, 128], strides = [1, 1]} : vector<1000x384xf32> to vector<1000x128xf32>
    %add3A_41 = arith.addf %slice3A_39, %slice3A_40 : vector<1000x128xf32>
    %logistic3A = arith.negf %add3A_41 : vector<1000x128xf32>
    %logistic3A_42 = math.exp %logistic3A : vector<1000x128xf32>
    %logistic3A_43 = arith.constant 1.000000e+00 : f32
    %logistic3A_44 = vector.broadcast %logistic3A_43 : f32 to vector<1000x128xf32>
    %logistic3A_45 = arith.addf %logistic3A_44, %logistic3A_42 : vector<1000x128xf32>
    %logistic3A_46 = arith.divf %logistic3A_44, %logistic3A_45 : vector<1000x128xf32>
    %slice3A_47 = vector.extract_strided_slice %add3A_28 {offsets = [0, 128], sizes = [1000, 128], strides = [1, 1]} : vector<1000x384xf32> to vector<1000x128xf32>
    %slice3A_48 = vector.extract_strided_slice %add3A_38 {offsets = [0, 128], sizes = [1000, 128], strides = [1, 1]} : vector<1000x384xf32> to vector<1000x128xf32>
    %add3A_49 = arith.addf %slice3A_47, %slice3A_48 : vector<1000x128xf32>
    %logistic3A_50 = arith.negf %add3A_49 : vector<1000x128xf32>
    %logistic3A_51 = math.exp %logistic3A_50 : vector<1000x128xf32>
    %logistic3A_52 = arith.constant 1.000000e+00 : f32
    %logistic3A_53 = vector.broadcast %logistic3A_52 : f32 to vector<1000x128xf32>
    %logistic3A_54 = arith.addf %logistic3A_53, %logistic3A_51 : vector<1000x128xf32>
    %logistic3A_55 = arith.divf %logistic3A_53, %logistic3A_54 : vector<1000x128xf32>
    %slice3A_56 = vector.extract_strided_slice %add3A_28 {offsets = [0, 256], sizes = [1000, 128], strides = [1, 1]} : vector<1000x384xf32> to vector<1000x128xf32>
    %slice3A_57 = vector.extract_strided_slice %add3A_38 {offsets = [0, 256], sizes = [1000, 128], strides = [1, 1]} : vector<1000x384xf32> to vector<1000x128xf32>
    %mul3A = arith.mulf %logistic3A_46, %slice3A_57 : vector<1000x128xf32>
    %add3A_58 = arith.addf %slice3A_56, %mul3A : vector<1000x128xf32>
    %tanh3A = math.tanh %add3A_58 : vector<1000x128xf32>
    %sub3A = arith.constant 1.000000e+00 : f32
    %sub3A_59 = vector.broadcast %sub3A : f32 to vector<1000x128xf32>
    %sub3A_60 = arith.subf %sub3A_59, %logistic3A_55 : vector<1000x128xf32>
    %mul3A_61 = arith.mulf %sub3A_60, %tanh3A : vector<1000x128xf32>
    %mul3A_62 = arith.mulf %logistic3A_55, %get3A_19 : vector<1000x128xf32>
    %add3A_63 = arith.addf %mul3A_61, %mul3A_62 : vector<1000x128xf32>
    %max3A_64 = arith.constant 0.000000e+00 : f32
    %max3A_65 = vector.broadcast %max3A_64 : f32 to vector<1000x128xf32>
    %max3A_66 = arith.maximumf %add3A_63, %max3A_65 : vector<1000x128xf32>
    %swap3A = arith.constant 0 : index
    %swap3A_67 = arith.constant 0 : index
    %swap3A_68 = vector.load %arg9[%swap3A, %swap3A_67] : memref<1000x128xf32, #tpu.memory_space<vmem>>, vector<1000x128xf32>
    tpu.vector_store %arg9[%swap3A, %swap3A_67], %max3A_66 {strides = array<i32>} : memref<1000x128xf32, #tpu.memory_space<vmem>>, vector<1000x128xf32>,
    return
  }
  func.func @transform_0(%arg0: i32) -> (i32, i32, i32) {
    %c0_i32 = arith.constant 0 : i32
    %c0_i32_0 = arith.constant 0 : i32
    %c0_i32_1 = arith.constant 0 : i32
    return %c0_i32, %arg0, %c0_i32_0 : i32, i32, i32
  }
  func.func @transform_1(%arg0: i32) -> (i32, i32, i32) {
    %c0_i32 = arith.constant 0 : i32
    %c0_i32_0 = arith.constant 0 : i32
    %c0_i32_1 = arith.constant 0 : i32
    return %c0_i32, %arg0, %c0_i32_0 : i32, i32, i32
  }
  func.func @transform_2(%arg0: i32) -> (i32, i32) {
    %c0_i32 = arith.constant 0 : i32
    %c0_i32_0 = arith.constant 0 : i32
    return %arg0, %c0_i32 : i32, i32
  }
  func.func @transform_3(%arg0: i32) -> (i32, i32) {
    %c0_i32 = arith.constant 0 : i32
    %c0_i32_0 = arith.constant 0 : i32
    %c0_i32_1 = arith.constant 0 : i32
    return %c0_i32, %c0_i32_0 : i32, i32
  }
  func.func @transform_4(%arg0: i32) -> (i32, i32) {
    %c0_i32 = arith.constant 0 : i32
    %c0_i32_0 = arith.constant 0 : i32
    %c0_i32_1 = arith.constant 0 : i32
    return %c0_i32, %c0_i32_0 : i32, i32
  }
  func.func @transform_5(%arg0: i32) -> (i32, i32) {
    %c0_i32 = arith.constant 0 : i32
    %c0_i32_0 = arith.constant 0 : i32
    %c0_i32_1 = arith.constant 0 : i32
    return %c0_i32, %c0_i32_0 : i32, i32
  }
  func.func @transform_6(%arg0: i32) -> (i32, i32) {
    %c0_i32 = arith.constant 0 : i32
    %c0_i32_0 = arith.constant 0 : i32
    %c0_i32_1 = arith.constant 0 : i32
    return %c0_i32, %c0_i32_0 : i32, i32
  }
  func.func @transform_7(%arg0: i32) -> (i32, i32) {
    %c0_i32 = arith.constant 0 : i32
    %c0_i32_0 = arith.constant 0 : i32
    %c0_i32_1 = arith.constant 0 : i32
    return %c0_i32, %c0_i32_0 : i32, i32
  }
  func.func @transform_8(%arg0: i32) -> (i32, i32) {
    %c0_i32 = arith.constant 0 : i32
    %c0_i32_0 = arith.constant 0 : i32
    return %arg0, %c0_i32 : i32, i32
  }
}

</mosaic_0001>

<sc_bundles>
// kernel: kernel.12.cloned.1.call-start
scs
__scs_entry_jumppad:
0x0: {  	(pc) =	sbr.rel $0x88, $3  }
0x1: {  	(tag) =	ssettag $0x0;
	lr =	simm.s32 $0x1  }
0x2: {  	[smem:$0x3F96] =	sst lr;
	_ =	strace $0xD0000000  }
0x3: {  	_ = 	snop  }
0x4: {  	_ = 	snop  }
0x5: {  	_ = 	snop  }
0x6: {  	_ = 	snop  }
0x7: {  	_ = 	snop  }
__scs_overlays_trampoline_lowered:
0x8: {  	[smem:$0x3FA5] =	sst s0  }
0x9: {  	[smem:$0x3FA6] =	sst s1  }
0xa: {  	[smem:$0x3FA7] =	sst s2  }
0xb: {  	[smem:$0x3FA8] =	sst s3  }
0xc: {  	[smem:$0x3FA9] =	sst s4  }
0xd: {  	[smem:$0x3FAA] =	sst s5  }
0xe: {  	[smem:$0x3FAB] =	sst s6  }
0xf: {  	[smem:$0x3FAC] =	sst s7  }
0x10: {  	[smem:$0x3FAD] =	sst s8  }
0x11: {  	[smem:$0x3FAE] =	sst s9;
	s0 =	simm.s32 @!p0 $0x0  }
0x12: {  	s1 =	sld [smem:$0x3F94];
	s0 =	simm.s32 @p0 $0x1  }
0x13: {  	[smem:$0x3FAF] =	sst s0;
	s0 =	simm.s32 @!p1 $0x0  }
0x14: {  	s2 =	sld [smem:$0x3F93];
	s0 =	simm.s32 @p1 $0x1  }
0x15: {  	[smem:$0x3FB0] =	sst s0;
	s0 =	simm.s32 @!p2 $0x0  }
0x16: {  	s3 =	sld [smem:$0x3FDB];
	s0 =	simm.s32 @p2 $0x1  }
0x17: {  	s4 =	simm.s32 $0x1BF5;
	[smem:$0x3FB2] =	sst s0  }
0x18: {  	s0 =	sld [smem:$0x3F95];
	_ =	swait.ge [sflag:s4], $0x0  }
0x19: {  	s7 =	sld [smem:$0x3F96]  }
0x1a: {  	s8 =	sadd.s32 $0xFFFFE003, lr  }
0x1b: {  	s9 =	sadd.s32 $0xFFFFFEF7, lr;
	s5 =	simm.s32 $0xFFFFFFFF;
	p2 =	slt.u32 s8, $0xFFFFF086  }
0x1c: {  	p1 =	slt.u32 s9, $0xF7A;
	s5 =	simm.s32 @!p2 $0x0  }
0x1d: {  	s5 =	simm.s32 @p1 $0x1;
	p0 =	seq.s32 s7, s2  }
0x1e: {  	s7 =	smul.u32 @!p0 $0xF7A, s2;
	p2 =	seq.s32 @!p0 s5, $0x0  }
0x1f: {  	s9 =	smul.u32 $0xF7A, s1;
	s8 =	simm.s32 @!p0 $0x1BF5;
	p2 =	por !p2, p0  }
0x20: {  	[sflag:s8] =	ssyncset.s32 @!p0 $0xFFFFF086;
	s6 =	sadd.s32 @!p0 s3, s7;
	s7 =	simm.s32 @!p0 $0x108  }
0x21: {  	s3 =	sadd.s32 s3, s9;
	s6 =	sadd.s32 @!p0 $0x88, s6;
	s7 =	simm.s32 @p2 $0x1082  }
0x22: {  	[simem:s7], [sflag:s8] =	dma.local @!p0 [hbm:s6], $0xF7A  }
0x23: {  	s9 =	sor.u32 $0xD0000000, s2;
	s6 =	simm.s32 $0x108;
	_ =	swait.ge @!p0 [sflag:s8], $0x0  }
0x24: {  	s3 =	sadd.s32 $0x88, s3;
	s6 =	simm.s32 @!p1 $0x1082;
	[sflag:s4] =	ssyncset.s32 $0xFFFFF086  }
0x25: {  	[simem:s6], [sflag:s4] =	dma.local [hbm:s3], $0xF7A  }
0x26: {  	[smem:$0x3F96] =	sst s1;
	(tag) =	ssettag s2;
	_ =	strace s9  }
0x27: {  	s1 =	sld [smem:$0x3FA6]  }
0x28: {  	s2 =	sld [smem:$0x3FA7]  }
0x29: {  	s4 =	sld [smem:$0x3FA9]  }
0x2a: {  	p0 =	seq.s32 s5, $0x0;
	s5 =	sld [smem:$0x3FAA]  }
0x2b: {  	s6 =	sld [smem:$0x3FAB]  }
0x2c: {  	s7 =	sld [smem:$0x3FAC]  }
0x2d: {  	s3 =	simm.s32 $0x108;
	s8 =	sld [smem:$0x3FAD]  }
0x2e: {  	s3 =	simm.s32 @!p0 $0x1082;
	s9 =	sld [smem:$0x3FAE]  }
0x2f: {  	lr =	sadd.s32 s0, s3;
	s0 =	sld [smem:$0x3FA5]  }
0x30: {  	s3 =	sld [smem:$0x3FA8]  }
0x31: {  	[smem:$0x3FB1] =	sst s10  }
0x32: {  	s10 =	sld [smem:$0x3FAF];
	_ =	sdelay $0x3  }
0x33: {  	p0 =	seq.s32 s10, $0x1;
	s10 =	sld [smem:$0x3FB1];
	_ =	sdelay $0x3  }
0x34: {  	[smem:$0x3FB1] =	sst s10  }
0x35: {  	s10 =	sld [smem:$0x3FB0];
	_ =	sdelay $0x3  }
0x36: {  	p1 =	seq.s32 s10, $0x1;
	s10 =	sld [smem:$0x3FB1];
	_ =	sdelay $0x3  }
0x37: {  	[smem:$0x3FB1] =	sst s10  }
0x38: {  	s10 =	sld [smem:$0x3FB2]  }
0x39: {  	_ = 	snop;
	(pc) =	sbr.ind lr, $3  }
0x3a: {  	_ = 	snop  }
0x3b: {  	_ = 	snop  }
0x3c: {  	p2 =	seq.s32 s10, $0x1;
	s10 =	sld [smem:$0x3FB1]  }
0x3d: {  	_ =	shalt  }
0x3e: {  	_ =	shalt  }
0x3f: {  	_ =	shalt  }
0x40: {  	_ =	shalt  }
0x41: {  	_ =	shalt  }
0x42: {  	_ =	shalt  }
0x43: {  	_ =	shalt  }
0x44: {  	_ =	shalt  }
0x45: {  	_ =	shalt  }
0x46: {  	_ =	shalt  }
0x47: {  	_ =	shalt  }
0x48: {  	_ =	shalt  }
0x49: {  	_ =	shalt  }
0x4a: {  	_ =	shalt  }
0x4b: {  	_ =	shalt  }
0x4c: {  	_ =	shalt  }
0x4d: {  	_ =	shalt  }
0x4e: {  	_ =	shalt  }
0x4f: {  	_ =	shalt  }
0x50: {  	_ =	shalt  }
0x51: {  	_ =	shalt  }
0x52: {  	_ =	shalt  }
0x53: {  	_ =	shalt  }
0x54: {  	_ =	shalt  }
0x55: {  	_ =	shalt  }
0x56: {  	_ =	shalt  }
0x57: {  	_ =	shalt  }
0x58: {  	_ =	shalt  }
0x59: {  	_ =	shalt  }
0x5a: {  	_ =	shalt  }
0x5b: {  	_ =	shalt  }
0x5c: {  	_ =	shalt  }
0x5d: {  	_ =	shalt  }
0x5e: {  	_ =	shalt  }
0x5f: {  	_ =	shalt  }
0x60: {  	_ =	shalt  }
0x61: {  	_ =	shalt  }
0x62: {  	_ =	shalt  }
0x63: {  	_ =	shalt  }
0x64: {  	_ =	shalt  }
0x65: {  	_ =	shalt  }
0x66: {  	_ =	shalt  }
0x67: {  	_ =	shalt  }
0x68: {  	_ =	shalt  }
0x69: {  	_ =	shalt  }
0x6a: {  	_ =	shalt  }
0x6b: {  	_ =	shalt  }
0x6c: {  	_ =	shalt  }
0x6d: {  	_ =	shalt  }
0x6e: {  	_ =	shalt  }
0x6f: {  	_ =	shalt  }
0x70: {  	_ =	shalt  }
0x71: {  	_ =	shalt  }
0x72: {  	_ =	shalt  }
0x73: {  	_ =	shalt  }
0x74: {  	_ =	shalt  }
0x75: {  	_ =	shalt  }
0x76: {  	_ =	shalt  }
0x77: {  	_ =	shalt  }
0x78: {  	_ =	shalt  }
0x79: {  	_ =	shalt  }
0x7a: {  	_ =	shalt  }
0x7b: {  	_ =	shalt  }
0x7c: {  	_ =	shalt  }
0x7d: {  	_ =	shalt  }
0x7e: {  	_ =	shalt  }
0x7f: {  	_ =	shalt  }
0x80: {  	_ =	shalt  }
0x81: {  	_ =	shalt  }
0x82: {  	_ =	shalt  }
0x83: {  	_ =	shalt  }
0x84: {  	_ =	shalt  }
0x85: {  	_ =	shalt  }
0x86: {  	_ =	shalt  }
0x87: {  	_ =	shalt  }
.Lfunc_end0:
.L_simem_size_0:
called_computation.1_lowered:
.L_overlay_start_0:
0x88: {  	s2 =	sld [smem:$0x3FD9]  }
0x89: {  	s3 =	sld [smem:$0x3FFE];
	_ =	sdelay $0x1  }
0x8a: {  	s1 =	srdreg.scid  }
0x8b: {  	s0 =	sand.u32 $0x1, s1  }
0x8c: {  	s17 =	sshll.u32 s0, $0xA;
	s2 =	sadd.s32 s3, s2  }
0x8d: {  	s2 =	sadd.s32 s2, s17  }
0x8e: {  	[smem:$0x3FBD] =	sst s2  }
0x8f: {  	_ = 	snop  }
0x90: {  	s2 =	sld [smem:$0x3FD0];
	(tm) =	ssettm $0x1  }
0x91: {  	s18 =	sld [smem:$0x3FFB];
	_ =	sdelay $0x3  }
0x92: {  	_ =	strace s18  }
0x93: {  	s3 =	sld [smem:$0x3FFC];
	_ =	sdelay $0x3  }
0x94: {  	_ =	strace s3  }
0x95: {  	s3 =	sld [smem:$0x3FFD];
	_ =	sdelay $0x3  }
0x96: {  	_ =	strace s3  }
0x97: {  	_ =	strace $0x8FFFFFFF  }
0x98: {  	s19 =	sld [smem:$0x3FDB];
	_ =	sdelay $0x1  }
0x99: {  	s4 =	simm.s32 $_scs_section_size  }
0x9a: {  	s5 =	simm.s32 $_size__tile_overlayer_lowered;
	s6 =	simm.s32 $_tile_overlayer_lowered  }
0x9b: {  	s22 =	simm.s32 $0x1BFF;
	s21 =	sshll.u32 s6, $0x1;
	s3 =	sadd.s32 s4, s19  }
0x9c: {  	s7 =	simm.s32 $0x0;
	s20 =	sshll.u32 s5, $0x1;
	s5 =	sadd.s32 s21, s3  }
0x9d: {  	[timem:s7], [sflag:s22] =	dma.local [hbm:s5], s20  }
0x9e: {  	_ =	swait.ge [sflag:s22], s20  }
0x9f: {  	s4 =	ssub.s32 $0x0, s20;
	[sflag:s22] =	ssyncset.done $0x0  }
0xa0: {  	[sflag:s22] =	ssyncadd.s32 s4;
	_ =	sdelay $0x1  }
0xa1: {  	s23 =	simm.s32 $0x1B8B  }
0xa2: {  	_ =	swait.ge [sflag:s23], $0x1  }
0xa3: {  	[sflag:s23] =	ssyncset.done $0x0  }
0xa4: {  	s25 =	simm.s32 $0x1B8E;
	s24 =	sld [smem:$0x3FFE];
	[sflag:s23] =	ssyncadd.s32 $0xFFFFFFFF  }
0xa5: {  	s26 =	simm.s32 $execute0_lowered;
	[smem:$0x3FD2] =	sst s25  }
0xa6: {  	s5 =	sshll.u32 s26, $0x1;
	_ =	strace $0x80000046;
	[dreg:$0x1] =	wrdreg $0xFFFFFFFF  }
0xa7: {  	s28 =	simm.s32 $_size_execute0_lowered;
	s3 =	sadd.s32 s3, s5;
	[dreg:$0x0] =	wrdreg $0x0  }
0xa8: {  	s5 =	sshll.u32 s28, $0x1;
	[dreg:$0x2] =	wrdreg s3  }
0xa9: {  	[dreg:$0x3] =	wrdreg s5  }
0xaa: {  	[dreg:$0x4] =	wrdreg $0xC0  }
0xab: {  	_ =	task [dreg:s7], $0x5FFFF  }
0xac: {  	[dreg:$0x1] =	wrdreg $0xFFFFFFFF  }
0xad: {  	[dreg:$0x0] =	wrdreg $0x60  }
0xae: {  	[dreg:$0x2] =	wrdreg s2  }
0xaf: {  	[dreg:$0x3] =	wrdreg s24  }
0xb0: {  	[dreg:$0x4] =	wrdreg $0xC2000  }
0xb1: {  	[dreg:$0x5] =	wrdreg $0xA  }
0xb2: {  	_ =	task.clear_ibuf [dreg:s7], $0x6FFFF;
	_ =	strace $0x90000046  }
0xb3: {  	s29 =	simm.s32 $0xA;
	_ =	strace $0x80000048  }
0xb4: {  	_ =	swait.ge [sflag:s29], $0x1  }
0xb5: {  	[sflag:s29] =	ssyncadd.s32 $0xFFFFFFFF  }
0xb6: {  	_ =	strace $0x90000048  }
0xb7: {  	_ =	sfence  }
0xb8: {  	s30 =	sld [smem:$0x0];
	_ =	sdelay $0x2  }
0xb9: {  	s31 =	sshll.u32 s1, $0xD;
	s1 =	sshrl.u32 s1, $0x2  }
0xba: {  	s3 =	sand.u32 $0x4000, s31;
	s1 =	sadd.s32 s1, s30  }
0xbb: {  	s0 =	sor.u32 s3, s0;
	s1 =	sshll.u32 s1, $0x11  }
0xbc: {  	s0 =	sor.u32 s1, s0  }
0xbd: {  	s0 =	sadd.s32 $0x8F2B, s0  }
0xbe: {  	[sflag:s0] =	ssyncadd.remote.s32 $0x1  }
0xbf: {  	_ =	sfence.sel $0xFFFF  }
0xc0: {  	[dreg:$0x0] =	wrdreg $0xFFFFFFFF;
	(pc) =	sbr.abs _section_cstart, $3  }
0xc1: {  	[dreg:$0x1] =	wrdreg $0xFFFFFFFF  }
0xc2: {  	_ =	task.clear_ibuf [dreg:s7], $0x2FFFF;
	_ =	strace $0x9FFFFFFF  }
0xc3: {  	(tm) =	ssettm $0x7FFFFFFF  }
tec
execute0_lowered:
.L_overlay_start_1:
0x0: {  	(tag) =	ssettag $0x1  }
0x1: {  	s2 =	rddreg [dreg:$0x0]  }
0x2: {  	s0 =	rddreg [dreg:$0x1]  }
0x3: {  	s3 =	rddreg [dreg:$0x2]  }
0x4: {  	s12 =	stileid.u32;
	s1 =	srdreg.scid;
	s4 =	simm.s32 $0x0  }
0x5: {  	s16 =	simm.s32 $0x7;
	s17 =	simm.s32 $0x100;
	s18 =	simm.s32 $0x1  }
0x6: {  	s19 =	simm.s32 $0x80;
	s20 =	simm.s32 $0x200;
	s21 =	simm.s32 $0x8200  }
0x7: {  	s28 =	simm.s32 $0x180;
	s29 =	simm.s32 $0x6;
	s7 =	smul.u32 $0x2780, s12  }
0x8: {  	s1 =	sand.u32 $0x1, s1;
	[smem:$0x7FF] =	sst s4;
	s9 =	smul.u32 $0x13C00, s12  }
0x9: {  	s5 =	sadd.s32 $0x9ECE00, s0;
	s6 =	sadd.s32 $0x5800, s0;
	s24 =	smul.u32 $0x4F000, s12  }
0xa: {  	s26 =	sshll.u32 s12, $0x6;
	s8 =	smul.u32 $0x13C000, s1;
	_ =	strace $0x80000047  }
0xb: {  	s23 =	sshll.u32 s1, $0x4;
	s1 =	ssub.s32 $0x2, s1;
	s10 =	sadd.s32 s7, s0  }
0xc: {  	s11 =	sshrl.u32 s1, $0x1;
	s22 =	sadd.s32 s9, s8;
	s8 =	sor.u32 s12, s23  }
0xd: {  	s9 =	sshrl.u32 s24, $0x2;
	s1 =	ssub.s32 s1, s11;
	s25 =	sadd.s32 $0x40600, s10  }
0xe: {  	s10 =	sor.u32 $0x1C07, s26;
	s23 =	simm.s32 $0x2;
	s7 =	sshrl.u32 s22, $0x3  }
0xf: {  	s24 =	simm.s32 $0x4;
	s0 =	sadd.s32 s7, s0;
	s7 =	smul.u32 $0x4F00, s8  }
0x10: {  	s26 =	simm.s32 $0x5;
	s15 =	sadd.s32 s9, s3;
	s8 =	smul.u32 $0x138800, s8  }
0x11: {  	[dreg:$0x4] =	wrdreg s25;
	s14 =	smax.u32 s1, $0x1;
	s22 =	simm.s32 $0x4200  }
0x12: {  	s25 =	simm.s32 $0x3;
	s30 =	sshrl.u32 s7, $0x3;
	s31 =	sshrl.u32 s8, $0x3  }
0x13: {  	s15 =	sshrl.u32 s15, $0x3;
	s11 =	sadd.s32 s6, s30;
	s12 =	sadd.s32 s5, s31  }
0x14: {  	s13 =	sadd.s32 $0x67E00, s0;
	s11 =	sadd.s32 $0x9C0, s11;
	s12 =	sadd.s32 $0x27000, s12  }
.LBB2_1:
0x15: {  	s0 =	rddreg [dreg:$0x4]  }
0x16: {  	[spmem:s15], [sflag:s10] =	dma.local [hbm:s0], $0x2780  }
0x17: {  	_ =	swait.ge [sflag:s16], $0x2780  }
0x18: {  	[sflag:s16] =	ssyncset.done $0x0  }
0x19: {  	[sflag:s16] =	ssyncadd.s32 $0xFFFFD880  }
0x1a: {  	s30 =	simm.s32 $0x0;
	[bflag:$0x0] =	sbarrier.arrive $0xFFFF  }
.LBB2_2:
0x1b: {  	s0 =	sshll.u32 s30, $0x9  }
0x1c: {  	s0 =	sadd.s32 s7, s0  }
0x1d: {  	s31 =	sshllo.u32 s30, $0x1;
	s0 =	sshrl.u32 s0, $0x3  }
0x1e: {  	s1 =	simm.s32 $0x0;
	s9 =	sshll.u32 s31, $0x8;
	s0 =	sadd.s32 s6, s0  }
0x1f: {  	[tilespmem:s1], [sflag:$0x1] =	stream.linear.gather [hbm4b:s0+s1], $0x100, $0x38;
	[tilespmem:$0x1FE00] =	vst v63  }
0x20: {  	s0 =	sadd.s32 s7, s9  }
0x21: {  	s0 =	sshrl.u32 s0, $0x3  }
0x22: {  	s0 =	sadd.s32 s6, s0  }
0x23: {  	[tilespmem:s17], [sflag:$0x1] =	stream.linear.gather [hbm4b:s0+s1], $0x100, $0x38;
	[tilespmem:$0x1FE00] =	vst v63  }
0x24: {  	s9 =	sshll.u32 s30, $0xF;
	_ =	swait.ge [sflag:s18], $0x100  }
0x25: {  	s0 =	sadd.s32 s8, s9;
	[sflag:s18] =	ssyncset.done $0x0  }
0x26: {  	s0 =	sshrl.u32 s0, $0x3;
	[sflag:s18] =	ssyncadd.s32 $0xFFFFFF00  }
0x27: {  	[tilespmem:s20], [sflag:$0x2] =	stream.indirect.gather [hbm4b:s2+s19], $0x80, s1, s19, $0xb8;
	[tilespmem:$0x1FE00] =	vst v63  }
0x28: {  	s0 =	sadd.s32 s5, s0  }
0x29: {  	[tilespmem:s21], [sflag:$0x4] =	stream.linear.gather [hbm4b:s0+s1], $0x4000, $0x38;
	[tilespmem:$0x1FE00] =	vst v63  }
0x2a: {  	_ =	swait.ge [sflag:s18], $0x100  }
0x2b: {  	[sflag:s18] =	ssyncset.done $0x0  }
0x2c: {  	[sflag:s18] =	ssyncadd.s32 $0xFFFFFF00  }
0x2d: {  	[tilespmem:s22], [sflag:$0x3] =	stream.indirect.gather [hbm4b:s2+s19], $0x80, s17, s19, $0xb8;
	[tilespmem:$0x1FE00] =	vst v63  }
0x2e: {  	_ =	swait.ge [sflag:s23], $0x4000  }
0x2f: {  	[sflag:s23] =	ssyncset.done $0x0  }
0x30: {  	[sflag:s23] =	ssyncadd.s32 $0xFFFFC000  }
0x31: {  	_ =	swait.ge [sflag:s24], $0x4000  }
0x32: {  	[sflag:s24] =	ssyncset.done $0x0  }
0x33: {  	s0 =	simm.s32 $0x0;
	[sflag:s24] =	ssyncadd.s32 $0xFFFFC000  }
0x34: {  	v6 =	vld [tilespmem:s0+$0x8200]  }
0x35: {  	v11 =	vld [tilespmem:s0+$0x8210]  }
0x36: {  	v5 =	vld [tilespmem:s0+$0x8220]  }
0x37: {  	v4 =	vld [tilespmem:s0+$0x8230]  }
0x38: {  	v3 =	vld [tilespmem:s0+$0x8240]  }
0x39: {  	v2 =	vld [tilespmem:s0+$0x8250]  }
0x3a: {  	v1 =	vld [tilespmem:s0+$0x8260]  }
0x3b: {  	v0 =	vld [tilespmem:s0+$0x8270]  }
0x3c: {  	v12 =	vld [tilespmem:s0+$0x200]  }
0x3d: {  	v13 =	vld [tilespmem:s0+$0x210]  }
0x3e: {  	v10 =	vld [tilespmem:s0+$0x220]  }
0x3f: {  	v9 =	vld [tilespmem:s0+$0x230]  }
0x40: {  	v8 =	vld [tilespmem:s0+$0x240]  }
0x41: {  	v7 =	vld [tilespmem:s0+$0x250];
	v12 =	vadd.f32 v6, v12  }
0x42: {  	s1 =	simm.s32 $0x200;
	v11 =	vadd.f32 v11, v13;
	v6 =	vld [tilespmem:s0+$0x260]  }
.LBB2_3:
0x43: {  	s9 =	sshra.s32 s1, $0x2;
	p0 =	sne.s32 s1, $0xFE00;
	v12 =	vmax.f32 v12, $0.0e+00;
	v5 =	vadd.f32 v5, v10;
	v10 =	vld [tilespmem:s0+$0x270]  }
0x44: {  	v13 =	vld [tilespmem:s9+$0x8200];
	[tilespmem:s0+$0x200] =	vst v12;
	v11 =	vmax.f32 v11, $0.0e+00;
	v4 =	vadd.f32 v4, v9  }
0x45: {  	v14 =	vld [tilespmem:s9+$0x8210];
	[tilespmem:s0+$0x210] =	vst v11;
	v9 =	vmax.f32 v5, $0.0e+00;
	v3 =	vadd.f32 v3, v8  }
0x46: {  	v5 =	vld [tilespmem:s9+$0x8220];
	[tilespmem:s0+$0x220] =	vst v9;
	v8 =	vmax.f32 v4, $0.0e+00;
	v2 =	vadd.f32 v2, v7  }
0x47: {  	v4 =	vld [tilespmem:s9+$0x8230];
	[tilespmem:s0+$0x230] =	vst v8;
	v7 =	vmax.f32 v3, $0.0e+00;
	v1 =	vadd.f32 v1, v6  }
0x48: {  	v3 =	vld [tilespmem:s9+$0x8240];
	[tilespmem:s0+$0x240] =	vst v7;
	v6 =	vmax.f32 v2, $0.0e+00;
	v0 =	vadd.f32 v0, v10  }
0x49: {  	v2 =	vld [tilespmem:s9+$0x8250];
	[tilespmem:s0+$0x250] =	vst v6;
	v6 =	vmax.f32 v1, $0.0e+00  }
0x4a: {  	v1 =	vld [tilespmem:s9+$0x8260];
	[tilespmem:s0+$0x260] =	vst v6;
	v6 =	vmax.f32 v0, $0.0e+00  }
0x4b: {  	v0 =	vld [tilespmem:s9+$0x8270];
	[tilespmem:s0+$0x270] =	vst v6;
	s0 =	smov.u32 s9  }
0x4c: {  	v6 =	vld [tilespmem:s0+$0x200]  }
0x4d: {  	v11 =	vld [tilespmem:s0+$0x210]  }
.Ltmp0:
0x4e: {  	v10 =	vld [tilespmem:s0+$0x220];
	(pc) =	sbr.rel @p0 .LBB2_3-.Ltmp0, $4  }
0x4f: {  	v9 =	vld [tilespmem:s0+$0x230]  }
0x50: {  	v8 =	vld [tilespmem:s0+$0x240]  }
0x51: {  	v12 =	vadd.f32 v13, v6;
	v7 =	vld [tilespmem:s0+$0x250]  }
0x52: {  	s1 =	sadd.s32 $0x200, s1;
	v11 =	vadd.f32 v14, v11;
	v6 =	vld [tilespmem:s0+$0x260]  }
0x53: {  	v12 =	vmax.f32 v12, $0.0e+00;
	v5 =	vadd.f32 v5, v10;
	v10 =	vld [tilespmem:s0+$0x270]  }
0x54: {  	[tilespmem:s0+$0x200] =	vst v12;
	v11 =	vmax.f32 v11, $0.0e+00;
	v4 =	vadd.f32 v4, v9  }
0x55: {  	[tilespmem:s0+$0x210] =	vst v11;
	v5 =	vmax.f32 v5, $0.0e+00;
	v3 =	vadd.f32 v3, v8  }
0x56: {  	[tilespmem:s0+$0x220] =	vst v5;
	v4 =	vmax.f32 v4, $0.0e+00;
	v2 =	vadd.f32 v2, v7  }
0x57: {  	[tilespmem:s0+$0x230] =	vst v4;
	v3 =	vmax.f32 v3, $0.0e+00;
	v1 =	vadd.f32 v1, v6  }
0x58: {  	[tilespmem:s0+$0x240] =	vst v3;
	v2 =	vmax.f32 v2, $0.0e+00;
	v0 =	vadd.f32 v0, v10  }
0x59: {  	[tilespmem:s0+$0x250] =	vst v2;
	v1 =	vmax.f32 v1, $0.0e+00  }
0x5a: {  	s31 =	sshll.u32 s31, $0xE;
	[tilespmem:s0+$0x260] =	vst v1;
	v0 =	vmax.f32 v0, $0.0e+00  }
0x5b: {  	[tilespmem:s0+$0x270] =	vst v0;
	s0 =	sadd.s32 s8, s31  }
0x5c: {  	[spmem:s3] =	stream.indirect.scatter.add.f32 [tilespmem:s20], [sflag:$0x5], $0x80, s19, s19, $0xb8;
	[tilespmem:$0x1FE00] =	vst v63  }
0x5d: {  	s0 =	sshrl.u32 s0, $0x3  }
0x5e: {  	s1 =	simm.s32 $0x0;
	s0 =	sadd.s32 s5, s0  }
0x5f: {  	[tilespmem:s21], [sflag:$0x4] =	stream.linear.gather [hbm4b:s0+s1], $0x4000, $0x38;
	[tilespmem:$0x1FE00] =	vst v63  }
0x60: {  	_ =	swait.ge [sflag:s25], $0x4000  }
0x61: {  	[sflag:s25] =	ssyncset.done $0x0  }
0x62: {  	[sflag:s25] =	ssyncadd.s32 $0xFFFFC000  }
0x63: {  	_ =	swait.ge [sflag:s24], $0x4000  }
0x64: {  	[sflag:s24] =	ssyncset.done $0x0  }
0x65: {  	s0 =	simm.s32 $0x0;
	[sflag:s24] =	ssyncadd.s32 $0xFFFFC000  }
0x66: {  	v6 =	vld [tilespmem:s0+$0x8200]  }
0x67: {  	v11 =	vld [tilespmem:s0+$0x8210]  }
0x68: {  	v5 =	vld [tilespmem:s0+$0x8220]  }
0x69: {  	v4 =	vld [tilespmem:s0+$0x8230]  }
0x6a: {  	v3 =	vld [tilespmem:s0+$0x8240]  }
0x6b: {  	v2 =	vld [tilespmem:s0+$0x8250]  }
0x6c: {  	v1 =	vld [tilespmem:s0+$0x8260]  }
0x6d: {  	v0 =	vld [tilespmem:s0+$0x8270]  }
0x6e: {  	v12 =	vld [tilespmem:s0+$0x4200]  }
0x6f: {  	v13 =	vld [tilespmem:s0+$0x4210]  }
0x70: {  	v10 =	vld [tilespmem:s0+$0x4220]  }
0x71: {  	v9 =	vld [tilespmem:s0+$0x4230]  }
0x72: {  	v8 =	vld [tilespmem:s0+$0x4240]  }
0x73: {  	v7 =	vld [tilespmem:s0+$0x4250];
	v12 =	vadd.f32 v6, v12  }
0x74: {  	s1 =	simm.s32 $0x200;
	v11 =	vadd.f32 v11, v13;
	v6 =	vld [tilespmem:s0+$0x4260]  }
.LBB2_5:
0x75: {  	s9 =	sshra.s32 s1, $0x2;
	p0 =	sne.s32 s1, $0xFE00;
	v12 =	vmax.f32 v12, $0.0e+00;
	v5 =	vadd.f32 v5, v10;
	v10 =	vld [tilespmem:s0+$0x4270]  }
0x76: {  	v13 =	vld [tilespmem:s9+$0x8200];
	[tilespmem:s0+$0x4200] =	vst v12;
	v11 =	vmax.f32 v11, $0.0e+00;
	v4 =	vadd.f32 v4, v9  }
0x77: {  	v14 =	vld [tilespmem:s9+$0x8210];
	[tilespmem:s0+$0x4210] =	vst v11;
	v9 =	vmax.f32 v5, $0.0e+00;
	v3 =	vadd.f32 v3, v8  }
0x78: {  	v5 =	vld [tilespmem:s9+$0x8220];
	[tilespmem:s0+$0x4220] =	vst v9;
	v8 =	vmax.f32 v4, $0.0e+00;
	v2 =	vadd.f32 v2, v7  }
0x79: {  	v4 =	vld [tilespmem:s9+$0x8230];
	[tilespmem:s0+$0x4230] =	vst v8;
	v7 =	vmax.f32 v3, $0.0e+00;
	v1 =	vadd.f32 v1, v6  }
0x7a: {  	v3 =	vld [tilespmem:s9+$0x8240];
	[tilespmem:s0+$0x4240] =	vst v7;
	v6 =	vmax.f32 v2, $0.0e+00;
	v0 =	vadd.f32 v0, v10  }
0x7b: {  	v2 =	vld [tilespmem:s9+$0x8250];
	[tilespmem:s0+$0x4250] =	vst v6;
	v6 =	vmax.f32 v1, $0.0e+00  }
0x7c: {  	v1 =	vld [tilespmem:s9+$0x8260];
	[tilespmem:s0+$0x4260] =	vst v6;
	v6 =	vmax.f32 v0, $0.0e+00  }
0x7d: {  	v0 =	vld [tilespmem:s9+$0x8270];
	[tilespmem:s0+$0x4270] =	vst v6;
	s0 =	smov.u32 s9  }
0x7e: {  	v6 =	vld [tilespmem:s0+$0x4200]  }
0x7f: {  	v11 =	vld [tilespmem:s0+$0x4210]  }
.Ltmp1:
0x80: {  	v10 =	vld [tilespmem:s0+$0x4220];
	(pc) =	sbr.rel @p0 .LBB2_5-.Ltmp1, $4  }
0x81: {  	v9 =	vld [tilespmem:s0+$0x4230]  }
0x82: {  	v8 =	vld [tilespmem:s0+$0x4240]  }
0x83: {  	v12 =	vadd.f32 v13, v6;
	v7 =	vld [tilespmem:s0+$0x4250]  }
0x84: {  	s1 =	sadd.s32 $0x200, s1;
	v11 =	vadd.f32 v14, v11;
	v6 =	vld [tilespmem:s0+$0x4260]  }
0x85: {  	v12 =	vmax.f32 v12, $0.0e+00;
	v5 =	vadd.f32 v5, v10;
	v63 =	vld [tilespmem:s0+$0x4270]  }
0x86: {  	[tilespmem:s0+$0x4200] =	vst v12;
	v11 =	vmax.f32 v11, $0.0e+00;
	v4 =	vadd.f32 v4, v9  }
0x87: {  	[tilespmem:s0+$0x4210] =	vst v11;
	v5 =	vmax.f32 v5, $0.0e+00;
	v3 =	vadd.f32 v3, v8  }
0x88: {  	[tilespmem:s0+$0x4220] =	vst v5;
	v4 =	vmax.f32 v4, $0.0e+00;
	v2 =	vadd.f32 v2, v7  }
0x89: {  	[tilespmem:s0+$0x4230] =	vst v4;
	v3 =	vmax.f32 v3, $0.0e+00;
	v1 =	vadd.f32 v1, v6  }
0x8a: {  	[tilespmem:s0+$0x4240] =	vst v3;
	v2 =	vmax.f32 v2, $0.0e+00;
	v0 =	vadd.f32 v0, v63  }
0x8b: {  	[tilespmem:s0+$0x4250] =	vst v2;
	v1 =	vmax.f32 v1, $0.0e+00  }
0x8c: {  	[tilespmem:s0+$0x4260] =	vst v1;
	v0 =	vmax.f32 v0, $0.0e+00  }
0x8d: {  	[tilespmem:s0+$0x4270] =	vst v0  }
0x8e: {  	s30 =	sadd.s32 $0x1, s30;
	_ =	swait.ge [sflag:s26], $0x4000  }
0x8f: {  	p0 =	sne.s32 s30, $0x27;
	[sflag:s26] =	ssyncset.done $0x0  }
.Ltmp2:
0x90: {  	[sflag:s26] =	ssyncadd.s32 $0xFFFFC000;
	(pc) =	sbr.rel @p0 .LBB2_2-.Ltmp2, $4  }
0x91: {  	[spmem:s3] =	stream.indirect.scatter.add.f32 [tilespmem:s22], [sflag:$0x6], $0x80, s28, s19, $0xb8;
	[tilespmem:$0x1FE00] =	vst v63  }
0x92: {  	_ =	swait.ge [sflag:s29], $0x4000  }
0x93: {  	[sflag:s29] =	ssyncset.done $0x0  }
0x94: {  	[sflag:s29] =	ssyncadd.s32 $0xFFFFC000  }
0x95: {  	s0 =	simm.s32 $0x0  }
0x96: {  	[tilespmem:s0], [sflag:$0x1] =	stream.linear.gather [hbm4b:s11+s0], $0x100, $0x38;
	[tilespmem:$0x1FE00] =	vst v63  }
0x97: {  	_ =	swait.ge [sflag:s18], $0x100  }
0x98: {  	[sflag:s18] =	ssyncset.done $0x0  }
0x99: {  	[sflag:s18] =	ssyncadd.s32 $0xFFFFFF00  }
0x9a: {  	[tilespmem:s20], [sflag:$0x2] =	stream.indirect.gather [hbm4b:s2+s19], $0x80, s0, s19, $0xb8;
	[tilespmem:$0x1FE00] =	vst v63  }
0x9b: {  	_ = 	snop  }
0x9c: {  	[tilespmem:s21], [sflag:$0x4] =	stream.linear.gather [hbm4b:s12+s0], $0x4000, $0x38;
	[tilespmem:$0x1FE00] =	vst v63  }
0x9d: {  	_ =	swait.ge [sflag:s23], $0x4000  }
0x9e: {  	[sflag:s23] =	ssyncset.done $0x0  }
0x9f: {  	[sflag:s23] =	ssyncadd.s32 $0xFFFFC000  }
0xa0: {  	_ =	swait.ge [sflag:s24], $0x4000  }
0xa1: {  	[sflag:s24] =	ssyncset.done $0x0  }
0xa2: {  	s0 =	simm.s32 $0x0;
	[sflag:s24] =	ssyncadd.s32 $0xFFFFC000  }
0xa3: {  	v6 =	vld [tilespmem:s0+$0x8200]  }
0xa4: {  	v11 =	vld [tilespmem:s0+$0x8210]  }
0xa5: {  	v5 =	vld [tilespmem:s0+$0x8220]  }
0xa6: {  	v4 =	vld [tilespmem:s0+$0x8230]  }
0xa7: {  	v3 =	vld [tilespmem:s0+$0x8240]  }
0xa8: {  	v2 =	vld [tilespmem:s0+$0x8250]  }
0xa9: {  	v1 =	vld [tilespmem:s0+$0x8260]  }
0xaa: {  	v0 =	vld [tilespmem:s0+$0x8270]  }
0xab: {  	v12 =	vld [tilespmem:s0+$0x200]  }
0xac: {  	v13 =	vld [tilespmem:s0+$0x210]  }
0xad: {  	v10 =	vld [tilespmem:s0+$0x220]  }
0xae: {  	v9 =	vld [tilespmem:s0+$0x230]  }
0xaf: {  	v8 =	vld [tilespmem:s0+$0x240]  }
0xb0: {  	v7 =	vld [tilespmem:s0+$0x250];
	v12 =	vadd.f32 v6, v12  }
0xb1: {  	s1 =	simm.s32 $0x200;
	v11 =	vadd.f32 v11, v13;
	v6 =	vld [tilespmem:s0+$0x260]  }
.LBB2_8:
0xb2: {  	s9 =	sshra.s32 s1, $0x2;
	p0 =	sne.s32 s1, $0xFE00;
	v12 =	vmax.f32 v12, $0.0e+00;
	v5 =	vadd.f32 v5, v10;
	v10 =	vld [tilespmem:s0+$0x270]  }
0xb3: {  	v13 =	vld [tilespmem:s9+$0x8200];
	[tilespmem:s0+$0x200] =	vst v12;
	v11 =	vmax.f32 v11, $0.0e+00;
	v4 =	vadd.f32 v4, v9  }
0xb4: {  	v14 =	vld [tilespmem:s9+$0x8210];
	[tilespmem:s0+$0x210] =	vst v11;
	v9 =	vmax.f32 v5, $0.0e+00;
	v3 =	vadd.f32 v3, v8  }
0xb5: {  	v5 =	vld [tilespmem:s9+$0x8220];
	[tilespmem:s0+$0x220] =	vst v9;
	v8 =	vmax.f32 v4, $0.0e+00;
	v2 =	vadd.f32 v2, v7  }
0xb6: {  	v4 =	vld [tilespmem:s9+$0x8230];
	[tilespmem:s0+$0x230] =	vst v8;
	v7 =	vmax.f32 v3, $0.0e+00;
	v1 =	vadd.f32 v1, v6  }
0xb7: {  	v3 =	vld [tilespmem:s9+$0x8240];
	[tilespmem:s0+$0x240] =	vst v7;
	v6 =	vmax.f32 v2, $0.0e+00;
	v0 =	vadd.f32 v0, v10  }
0xb8: {  	v2 =	vld [tilespmem:s9+$0x8250];
	[tilespmem:s0+$0x250] =	vst v6;
	v6 =	vmax.f32 v1, $0.0e+00  }
0xb9: {  	v1 =	vld [tilespmem:s9+$0x8260];
	[tilespmem:s0+$0x260] =	vst v6;
	v6 =	vmax.f32 v0, $0.0e+00  }
0xba: {  	v0 =	vld [tilespmem:s9+$0x8270];
	[tilespmem:s0+$0x270] =	vst v6;
	s0 =	smov.u32 s9  }
0xbb: {  	v6 =	vld [tilespmem:s0+$0x200]  }
0xbc: {  	v11 =	vld [tilespmem:s0+$0x210]  }
.Ltmp3:
0xbd: {  	v10 =	vld [tilespmem:s0+$0x220];
	(pc) =	sbr.rel @p0 .LBB2_8-.Ltmp3, $4  }
0xbe: {  	v9 =	vld [tilespmem:s0+$0x230]  }
0xbf: {  	v8 =	vld [tilespmem:s0+$0x240]  }
0xc0: {  	v12 =	vadd.f32 v13, v6;
	v7 =	vld [tilespmem:s0+$0x250]  }
0xc1: {  	s1 =	sadd.s32 $0x200, s1;
	v11 =	vadd.f32 v14, v11;
	v6 =	vld [tilespmem:s0+$0x260]  }
0xc2: {  	v12 =	vmax.f32 v12, $0.0e+00;
	v5 =	vadd.f32 v5, v10;
	v63 =	vld [tilespmem:s0+$0x270]  }
0xc3: {  	[tilespmem:s0+$0x200] =	vst v12;
	v11 =	vmax.f32 v11, $0.0e+00;
	v4 =	vadd.f32 v4, v9  }
0xc4: {  	[tilespmem:s0+$0x210] =	vst v11;
	v5 =	vmax.f32 v5, $0.0e+00;
	v3 =	vadd.f32 v3, v8  }
0xc5: {  	[tilespmem:s0+$0x220] =	vst v5;
	v4 =	vmax.f32 v4, $0.0e+00;
	v2 =	vadd.f32 v2, v7  }
0xc6: {  	[tilespmem:s0+$0x230] =	vst v4;
	v3 =	vmax.f32 v3, $0.0e+00;
	v1 =	vadd.f32 v1, v6  }
0xc7: {  	[tilespmem:s0+$0x240] =	vst v3;
	v2 =	vmax.f32 v2, $0.0e+00;
	v0 =	vadd.f32 v0, v63  }
0xc8: {  	[tilespmem:s0+$0x250] =	vst v2;
	v1 =	vmax.f32 v1, $0.0e+00  }
0xc9: {  	[tilespmem:s0+$0x260] =	vst v1;
	v0 =	vmax.f32 v0, $0.0e+00  }
0xca: {  	[tilespmem:s0+$0x270] =	vst v0  }
0xcb: {  	[spmem:s3] =	stream.indirect.scatter.add.f32 [tilespmem:s20], [sflag:$0x7], $0x80, s19, s19, $0xb8;
	[tilespmem:$0x1FE00] =	vst v63  }
0xcc: {  	_ =	swait.ge [sflag:s16], $0x4000  }
0xcd: {  	s4 =	sadd.s32 $0x1, s4;
	[sflag:s16] =	ssyncset.done $0x0  }
0xce: {  	p0 =	sne.s32 s4, s14;
	[sflag:s16] =	ssyncadd.s32 $0xFFFFC000  }
.Ltmp4:
0xcf: {  	[bflag:$0x0] =	sbarrier.arrive $0xFFFF;
	(pc) =	sbr.rel @p0 .LBB2_1-.Ltmp4, $4  }
0xd0: {  	[hbm:s13], [sflag:s10] =	dma.local [spmem:s15], $0x2780  }
0xd1: {  	_ =	swait.ge [sflag:s16], $0x2780  }
0xd2: {  	[sflag:s16] =	ssyncset.done $0x0  }
0xd3: {  	[sflag:s16] =	ssyncadd.s32 $0xFFFFD880  }
0xd4: {  	_ =	sfence.sel $0x180000  }
0xd5: {  	[bflag:$0x0] =	sbarrier.arrive $0xFFFF  }
0xd6: {  	_ =	strace $0x90000047  }
0xd7: {  	s0 =	stileid.u32;
	[bflag:$0x2] =	sbarrier.arrive $0xFFFF  }
0xd8: {  	p0 =	sne.s32 s0, $0x0;
	s0 =	rddreg [dreg:$0x3]  }
0xd9: {  	s0 =	sadd.s32 @!p0 $0x100000, s0  }
0xda: {  	[sflag:s0] =	ssyncadd.tile.s32 @!p0 $0x1;
	_ =	shalt  }
.Lfunc_end2:
_tile_overlayer_lowered:
.L_overlay_start_2:
0xdb: {  	(tag) =	ssettag $0x2  }
0xdc: {  	s0 =	rddreg [dreg:$0x0];
	s2 =	stileid.u32  }
0xdd: {  	s1 =	rddreg [dreg:$0x1];
	p0 =	sne.s32 s2, $0x0  }
0xde: {  	s3 =	rddreg [dreg:$0x2];
	[bflag:$0x3] =	sbarrier.arrive $0xFFFF;
	s2 =	simm.s32 @!p0 $0x1C07  }
0xdf: {  	[timem:s3], [sflag:s2] =	dma.local @!p0 [hbm:s0], s1  }
0xe0: {  	s0 =	simm.s32 @!p0 $0x7  }
0xe1: {  	_ =	swait.ge @!p0 [sflag:s0], s1  }
0xe2: {  	s1 =	ssub.s32 @!p0 $0x0, s1;
	[sflag:s0] =	ssyncset.done @!p0 $0x0  }
0xe3: {  	[sflag:s0] =	ssyncadd.s32 @!p0 s1  }
0xe4: {  	[bflag:$0x3] =	sbarrier.arrive $0xFFFF  }
0xe5: {  	_ =	shalt  }

// kernel: kernel.15.cloned.1.call-start
scs
__scs_entry_jumppad:
0x0: {  	(pc) =	sbr.rel $0x88, $3  }
0x1: {  	(tag) =	ssettag $0x0;
	lr =	simm.s32 $0x1  }
0x2: {  	[smem:$0x3F96] =	sst lr;
	_ =	strace $0xD0000000  }
0x3: {  	_ = 	snop  }
0x4: {  	_ = 	snop  }
0x5: {  	_ = 	snop  }
0x6: {  	_ = 	snop  }
0x7: {  	_ = 	snop  }
__scs_overlays_trampoline_lowered:
0x8: {  	[smem:$0x3FA5] =	sst s0  }
0x9: {  	[smem:$0x3FA6] =	sst s1  }
0xa: {  	[smem:$0x3FA7] =	sst s2  }
0xb: {  	[smem:$0x3FA8] =	sst s3  }
0xc: {  	[smem:$0x3FA9] =	sst s4  }
0xd: {  	[smem:$0x3FAA] =	sst s5  }
0xe: {  	[smem:$0x3FAB] =	sst s6  }
0xf: {  	[smem:$0x3FAC] =	sst s7  }
0x10: {  	[smem:$0x3FAD] =	sst s8  }
0x11: {  	[smem:$0x3FAE] =	sst s9;
	s0 =	simm.s32 @!p0 $0x0  }
0x12: {  	s1 =	sld [smem:$0x3F94];
	s0 =	simm.s32 @p0 $0x1  }
0x13: {  	[smem:$0x3FAF] =	sst s0;
	s0 =	simm.s32 @!p1 $0x0  }
0x14: {  	s2 =	sld [smem:$0x3F93];
	s0 =	simm.s32 @p1 $0x1  }
0x15: {  	[smem:$0x3FB0] =	sst s0;
	s0 =	simm.s32 @!p2 $0x0  }
0x16: {  	s3 =	sld [smem:$0x3FDB];
	s0 =	simm.s32 @p2 $0x1  }
0x17: {  	s4 =	simm.s32 $0x1BF5;
	[smem:$0x3FB2] =	sst s0  }
0x18: {  	s0 =	sld [smem:$0x3F95];
	_ =	swait.ge [sflag:s4], $0x0  }
0x19: {  	s7 =	sld [smem:$0x3F96]  }
0x1a: {  	s8 =	sadd.s32 $0xFFFFE003, lr  }
0x1b: {  	s9 =	sadd.s32 $0xFFFFFEF7, lr;
	s5 =	simm.s32 $0xFFFFFFFF;
	p2 =	slt.u32 s8, $0xFFFFF086  }
0x1c: {  	p1 =	slt.u32 s9, $0xF7A;
	s5 =	simm.s32 @!p2 $0x0  }
0x1d: {  	s5 =	simm.s32 @p1 $0x1;
	p0 =	seq.s32 s7, s2  }
0x1e: {  	s7 =	smul.u32 @!p0 $0xF7A, s2;
	p2 =	seq.s32 @!p0 s5, $0x0  }
0x1f: {  	s9 =	smul.u32 $0xF7A, s1;
	s8 =	simm.s32 @!p0 $0x1BF5;
	p2 =	por !p2, p0  }
0x20: {  	[sflag:s8] =	ssyncset.s32 @!p0 $0xFFFFF086;
	s6 =	sadd.s32 @!p0 s3, s7;
	s7 =	simm.s32 @!p0 $0x108  }
0x21: {  	s3 =	sadd.s32 s3, s9;
	s6 =	sadd.s32 @!p0 $0x88, s6;
	s7 =	simm.s32 @p2 $0x1082  }
0x22: {  	[simem:s7], [sflag:s8] =	dma.local @!p0 [hbm:s6], $0xF7A  }
0x23: {  	s9 =	sor.u32 $0xD0000000, s2;
	s6 =	simm.s32 $0x108;
	_ =	swait.ge @!p0 [sflag:s8], $0x0  }
0x24: {  	s3 =	sadd.s32 $0x88, s3;
	s6 =	simm.s32 @!p1 $0x1082;
	[sflag:s4] =	ssyncset.s32 $0xFFFFF086  }
0x25: {  	[simem:s6], [sflag:s4] =	dma.local [hbm:s3], $0xF7A  }
0x26: {  	[smem:$0x3F96] =	sst s1;
	(tag) =	ssettag s2;
	_ =	strace s9  }
0x27: {  	s1 =	sld [smem:$0x3FA6]  }
0x28: {  	s2 =	sld [smem:$0x3FA7]  }
0x29: {  	s4 =	sld [smem:$0x3FA9]  }
0x2a: {  	p0 =	seq.s32 s5, $0x0;
	s5 =	sld [smem:$0x3FAA]  }
0x2b: {  	s6 =	sld [smem:$0x3FAB]  }
0x2c: {  	s7 =	sld [smem:$0x3FAC]  }
0x2d: {  	s3 =	simm.s32 $0x108;
	s8 =	sld [smem:$0x3FAD]  }
0x2e: {  	s3 =	simm.s32 @!p0 $0x1082;
	s9 =	sld [smem:$0x3FAE]  }
0x2f: {  	lr =	sadd.s32 s0, s3;
	s0 =	sld [smem:$0x3FA5]  }
0x30: {  	s3 =	sld [smem:$0x3FA8]  }
0x31: {  	[smem:$0x3FB1] =	sst s10  }
0x32: {  	s10 =	sld [smem:$0x3FAF];
	_ =	sdelay $0x3  }
0x33: {  	p0 =	seq.s32 s10, $0x1;
	s10 =	sld [smem:$0x3FB1];
	_ =	sdelay $0x3  }
0x34: {  	[smem:$0x3FB1] =	sst s10  }
0x35: {  	s10 =	sld [smem:$0x3FB0];
	_ =	sdelay $0x3  }
0x36: {  	p1 =	seq.s32 s10, $0x1;
	s10 =	sld [smem:$0x3FB1];
	_ =	sdelay $0x3  }
0x37: {  	[smem:$0x3FB1] =	sst s10  }
0x38: {  	s10 =	sld [smem:$0x3FB2]  }
0x39: {  	_ = 	snop;
	(pc) =	sbr.ind lr, $3  }
0x3a: {  	_ = 	snop  }
0x3b: {  	_ = 	snop  }
0x3c: {  	p2 =	seq.s32 s10, $0x1;
	s10 =	sld [smem:$0x3FB1]  }
0x3d: {  	_ =	shalt  }
0x3e: {  	_ =	shalt  }
0x3f: {  	_ =	shalt  }
0x40: {  	_ =	shalt  }
0x41: {  	_ =	shalt  }
0x42: {  	_ =	shalt  }
0x43: {  	_ =	shalt  }
0x44: {  	_ =	shalt  }
0x45: {  	_ =	shalt  }
0x46: {  	_ =	shalt  }
0x47: {  	_ =	shalt  }
0x48: {  	_ =	shalt  }
0x49: {  	_ =	shalt  }
0x4a: {  	_ =	shalt  }
0x4b: {  	_ =	shalt  }
0x4c: {  	_ =	shalt  }
0x4d: {  	_ =	shalt  }
0x4e: {  	_ =	shalt  }
0x4f: {  	_ =	shalt  }
0x50: {  	_ =	shalt  }
0x51: {  	_ =	shalt  }
0x52: {  	_ =	shalt  }
0x53: {  	_ =	shalt  }
0x54: {  	_ =	shalt  }
0x55: {  	_ =	shalt  }
0x56: {  	_ =	shalt  }
0x57: {  	_ =	shalt  }
0x58: {  	_ =	shalt  }
0x59: {  	_ =	shalt  }
0x5a: {  	_ =	shalt  }
0x5b: {  	_ =	shalt  }
0x5c: {  	_ =	shalt  }
0x5d: {  	_ =	shalt  }
0x5e: {  	_ =	shalt  }
0x5f: {  	_ =	shalt  }
0x60: {  	_ =	shalt  }
0x61: {  	_ =	shalt  }
0x62: {  	_ =	shalt  }
0x63: {  	_ =	shalt  }
0x64: {  	_ =	shalt  }
0x65: {  	_ =	shalt  }
0x66: {  	_ =	shalt  }
0x67: {  	_ =	shalt  }
0x68: {  	_ =	shalt  }
0x69: {  	_ =	shalt  }
0x6a: {  	_ =	shalt  }
0x6b: {  	_ =	shalt  }
0x6c: {  	_ =	shalt  }
0x6d: {  	_ =	shalt  }
0x6e: {  	_ =	shalt  }
0x6f: {  	_ =	shalt  }
0x70: {  	_ =	shalt  }
0x71: {  	_ =	shalt  }
0x72: {  	_ =	shalt  }
0x73: {  	_ =	shalt  }
0x74: {  	_ =	shalt  }
0x75: {  	_ =	shalt  }
0x76: {  	_ =	shalt  }
0x77: {  	_ =	shalt  }
0x78: {  	_ =	shalt  }
0x79: {  	_ =	shalt  }
0x7a: {  	_ =	shalt  }
0x7b: {  	_ =	shalt  }
0x7c: {  	_ =	shalt  }
0x7d: {  	_ =	shalt  }
0x7e: {  	_ =	shalt  }
0x7f: {  	_ =	shalt  }
0x80: {  	_ =	shalt  }
0x81: {  	_ =	shalt  }
0x82: {  	_ =	shalt  }
0x83: {  	_ =	shalt  }
0x84: {  	_ =	shalt  }
0x85: {  	_ =	shalt  }
0x86: {  	_ =	shalt  }
0x87: {  	_ =	shalt  }
.Lfunc_end0:
.L_simem_size_0:
called_computation.2_lowered:
.L_overlay_start_0:
0x88: {  	s2 =	sld [smem:$0x3FD9]  }
0x89: {  	s3 =	sld [smem:$0x3FFE];
	_ =	sdelay $0x1  }
0x8a: {  	s1 =	srdreg.scid  }
0x8b: {  	s0 =	sand.u32 $0x1, s1  }
0x8c: {  	s17 =	sshll.u32 s0, $0xA;
	s2 =	sadd.s32 s3, s2  }
0x8d: {  	s2 =	sadd.s32 s2, s17  }
0x8e: {  	[smem:$0x3FBD] =	sst s2  }
0x8f: {  	_ = 	snop  }
0x90: {  	s2 =	sld [smem:$0x3FD0];
	(tm) =	ssettm $0x1  }
0x91: {  	s18 =	sld [smem:$0x3FFB];
	_ =	sdelay $0x3  }
0x92: {  	_ =	strace s18  }
0x93: {  	s3 =	sld [smem:$0x3FFC];
	_ =	sdelay $0x3  }
0x94: {  	_ =	strace s3  }
0x95: {  	s3 =	sld [smem:$0x3FFD];
	_ =	sdelay $0x3  }
0x96: {  	_ =	strace s3  }
0x97: {  	_ =	strace $0x8FFFFFFF  }
0x98: {  	s19 =	sld [smem:$0x3FDB];
	_ =	sdelay $0x1  }
0x99: {  	s4 =	simm.s32 $_scs_section_size  }
0x9a: {  	s5 =	simm.s32 $_size__tile_overlayer_lowered;
	s6 =	simm.s32 $_tile_overlayer_lowered  }
0x9b: {  	s22 =	simm.s32 $0x1BFF;
	s21 =	sshll.u32 s6, $0x1;
	s3 =	sadd.s32 s4, s19  }
0x9c: {  	s7 =	simm.s32 $0x0;
	s20 =	sshll.u32 s5, $0x1;
	s5 =	sadd.s32 s21, s3  }
0x9d: {  	[timem:s7], [sflag:s22] =	dma.local [hbm:s5], s20  }
0x9e: {  	_ =	swait.ge [sflag:s22], s20  }
0x9f: {  	s4 =	ssub.s32 $0x0, s20;
	[sflag:s22] =	ssyncset.done $0x0  }
0xa0: {  	[sflag:s22] =	ssyncadd.s32 s4;
	_ =	sdelay $0x1  }
0xa1: {  	s23 =	simm.s32 $0x1B8B  }
0xa2: {  	_ =	swait.ge [sflag:s23], $0x1  }
0xa3: {  	[sflag:s23] =	ssyncset.done $0x0  }
0xa4: {  	s25 =	simm.s32 $0x1B8E;
	s24 =	sld [smem:$0x3FFE];
	[sflag:s23] =	ssyncadd.s32 $0xFFFFFFFF  }
0xa5: {  	s26 =	simm.s32 $execute0_lowered;
	[smem:$0x3FD2] =	sst s25  }
0xa6: {  	s5 =	sshll.u32 s26, $0x1;
	_ =	strace $0x8000004C;
	[dreg:$0x1] =	wrdreg $0xFFFFFFFF  }
0xa7: {  	s28 =	simm.s32 $_size_execute0_lowered;
	s3 =	sadd.s32 s3, s5;
	[dreg:$0x0] =	wrdreg $0x0  }
0xa8: {  	s5 =	sshll.u32 s28, $0x1;
	[dreg:$0x2] =	wrdreg s3  }
0xa9: {  	[dreg:$0x3] =	wrdreg s5  }
0xaa: {  	[dreg:$0x4] =	wrdreg $0xC0  }
0xab: {  	_ =	task [dreg:s7], $0x5FFFF  }
0xac: {  	[dreg:$0x1] =	wrdreg $0xFFFFFFFF  }
0xad: {  	[dreg:$0x0] =	wrdreg $0x60  }
0xae: {  	[dreg:$0x2] =	wrdreg s2  }
0xaf: {  	[dreg:$0x3] =	wrdreg s24  }
0xb0: {  	[dreg:$0x4] =	wrdreg $0xC2000  }
0xb1: {  	[dreg:$0x5] =	wrdreg $0x9  }
0xb2: {  	_ =	task.clear_ibuf [dreg:s7], $0x6FFFF;
	_ =	strace $0x9000004C  }
0xb3: {  	s29 =	simm.s32 $0x9;
	_ =	strace $0x8000004E  }
0xb4: {  	_ =	swait.ge [sflag:s29], $0x1  }
0xb5: {  	[sflag:s29] =	ssyncadd.s32 $0xFFFFFFFF  }
0xb6: {  	_ =	strace $0x9000004E  }
0xb7: {  	_ =	sfence  }
0xb8: {  	s30 =	sld [smem:$0x0];
	_ =	sdelay $0x2  }
0xb9: {  	s31 =	sshll.u32 s1, $0xD;
	s1 =	sshrl.u32 s1, $0x2  }
0xba: {  	s3 =	sand.u32 $0x4000, s31;
	s1 =	sadd.s32 s1, s30  }
0xbb: {  	s0 =	sor.u32 s3, s0;
	s1 =	sshll.u32 s1, $0x11  }
0xbc: {  	s0 =	sor.u32 s1, s0  }
0xbd: {  	s0 =	sadd.s32 $0x8F2B, s0  }
0xbe: {  	[sflag:s0] =	ssyncadd.remote.s32 $0x1  }
0xbf: {  	_ =	sfence.sel $0xFFFF  }
0xc0: {  	[dreg:$0x0] =	wrdreg $0xFFFFFFFF;
	(pc) =	sbr.abs _section_cstart, $3  }
0xc1: {  	[dreg:$0x1] =	wrdreg $0xFFFFFFFF  }
0xc2: {  	_ =	task.clear_ibuf [dreg:s7], $0x2FFFF;
	_ =	strace $0x9FFFFFFF  }
0xc3: {  	(tm) =	ssettm $0x7FFFFFFF  }
tec
execute0_lowered:
.L_overlay_start_1:
0x0: {  	(tag) =	ssettag $0x1  }
0x1: {  	s2 =	rddreg [dreg:$0x0]  }
0x2: {  	s0 =	rddreg [dreg:$0x1]  }
0x3: {  	s3 =	rddreg [dreg:$0x2]  }
0x4: {  	s12 =	stileid.u32;
	s1 =	srdreg.scid;
	s4 =	simm.s32 $0x0  }
0x5: {  	s16 =	simm.s32 $0x7;
	s17 =	simm.s32 $0x100;
	s18 =	simm.s32 $0x1  }
0x6: {  	s19 =	simm.s32 $0x80;
	s20 =	simm.s32 $0x200;
	s21 =	simm.s32 $0x8200  }
0x7: {  	s28 =	simm.s32 $0x180;
	s29 =	simm.s32 $0x6;
	s7 =	smul.u32 $0x2780, s12  }
0x8: {  	s1 =	sand.u32 $0x1, s1;
	[smem:$0x7FF] =	sst s4;
	s9 =	smul.u32 $0x13C00, s12  }
0x9: {  	s5 =	sadd.s32 $0x9ECE00, s0;
	s6 =	sadd.s32 $0x5800, s0;
	s24 =	smul.u32 $0x4F000, s12  }
0xa: {  	s26 =	sshll.u32 s12, $0x6;
	s8 =	smul.u32 $0x13C000, s1;
	_ =	strace $0x8000004D  }
0xb: {  	s23 =	sshll.u32 s1, $0x4;
	s1 =	ssub.s32 $0x2, s1;
	s10 =	sadd.s32 s7, s0  }
0xc: {  	s11 =	sshrl.u32 s1, $0x1;
	s22 =	sadd.s32 s9, s8;
	s8 =	sor.u32 s12, s23  }
0xd: {  	s9 =	sshrl.u32 s24, $0x2;
	s1 =	ssub.s32 s1, s11;
	s25 =	sadd.s32 $0x40600, s10  }
0xe: {  	s10 =	sor.u32 $0x1C07, s26;
	s23 =	simm.s32 $0x2;
	s7 =	sshrl.u32 s22, $0x3  }
0xf: {  	s24 =	simm.s32 $0x4;
	s0 =	sadd.s32 s7, s0;
	s7 =	smul.u32 $0x4F00, s8  }
0x10: {  	s26 =	simm.s32 $0x5;
	s15 =	sadd.s32 s9, s3;
	s8 =	smul.u32 $0x138800, s8  }
0x11: {  	[dreg:$0x4] =	wrdreg s25;
	s14 =	smax.u32 s1, $0x1;
	s22 =	simm.s32 $0x4200  }
0x12: {  	s25 =	simm.s32 $0x3;
	s30 =	sshrl.u32 s7, $0x3;
	s31 =	sshrl.u32 s8, $0x3  }
0x13: {  	s15 =	sshrl.u32 s15, $0x3;
	s11 =	sadd.s32 s6, s30;
	s12 =	sadd.s32 s5, s31  }
0x14: {  	s13 =	sadd.s32 $0x67E00, s0;
	s11 =	sadd.s32 $0x9C0, s11;
	s12 =	sadd.s32 $0x27000, s12  }
.LBB2_1:
0x15: {  	s0 =	rddreg [dreg:$0x4]  }
0x16: {  	[spmem:s15], [sflag:s10] =	dma.local [hbm:s0], $0x2780  }
0x17: {  	_ =	swait.ge [sflag:s16], $0x2780  }
0x18: {  	[sflag:s16] =	ssyncset.done $0x0  }
0x19: {  	[sflag:s16] =	ssyncadd.s32 $0xFFFFD880  }
0x1a: {  	s30 =	simm.s32 $0x0;
	[bflag:$0x0] =	sbarrier.arrive $0xFFFF  }
.LBB2_2:
0x1b: {  	s0 =	sshll.u32 s30, $0x9  }
0x1c: {  	s0 =	sadd.s32 s7, s0  }
0x1d: {  	s31 =	sshllo.u32 s30, $0x1;
	s0 =	sshrl.u32 s0, $0x3  }
0x1e: {  	s1 =	simm.s32 $0x0;
	s9 =	sshll.u32 s31, $0x8;
	s0 =	sadd.s32 s6, s0  }
0x1f: {  	[tilespmem:s1], [sflag:$0x1] =	stream.linear.gather [hbm4b:s0+s1], $0x100, $0x38;
	[tilespmem:$0x1FE00] =	vst v63  }
0x20: {  	s0 =	sadd.s32 s7, s9  }
0x21: {  	s0 =	sshrl.u32 s0, $0x3  }
0x22: {  	s0 =	sadd.s32 s6, s0  }
0x23: {  	[tilespmem:s17], [sflag:$0x1] =	stream.linear.gather [hbm4b:s0+s1], $0x100, $0x38;
	[tilespmem:$0x1FE00] =	vst v63  }
0x24: {  	s9 =	sshll.u32 s30, $0xF;
	_ =	swait.ge [sflag:s18], $0x100  }
0x25: {  	s0 =	sadd.s32 s8, s9;
	[sflag:s18] =	ssyncset.done $0x0  }
0x26: {  	s0 =	sshrl.u32 s0, $0x3;
	[sflag:s18] =	ssyncadd.s32 $0xFFFFFF00  }
0x27: {  	[tilespmem:s20], [sflag:$0x2] =	stream.indirect.gather [hbm4b:s2+s19], $0x80, s1, s19, $0xb8;
	[tilespmem:$0x1FE00] =	vst v63  }
0x28: {  	s0 =	sadd.s32 s5, s0  }
0x29: {  	[tilespmem:s21], [sflag:$0x4] =	stream.linear.gather [hbm4b:s0+s1], $0x4000, $0x38;
	[tilespmem:$0x1FE00] =	vst v63  }
0x2a: {  	_ =	swait.ge [sflag:s18], $0x100  }
0x2b: {  	[sflag:s18] =	ssyncset.done $0x0  }
0x2c: {  	[sflag:s18] =	ssyncadd.s32 $0xFFFFFF00  }
0x2d: {  	[tilespmem:s22], [sflag:$0x3] =	stream.indirect.gather [hbm4b:s2+s19], $0x80, s17, s19, $0xb8;
	[tilespmem:$0x1FE00] =	vst v63  }
0x2e: {  	_ =	swait.ge [sflag:s23], $0x4000  }
0x2f: {  	[sflag:s23] =	ssyncset.done $0x0  }
0x30: {  	[sflag:s23] =	ssyncadd.s32 $0xFFFFC000  }
0x31: {  	_ =	swait.ge [sflag:s24], $0x4000  }
0x32: {  	[sflag:s24] =	ssyncset.done $0x0  }
0x33: {  	s0 =	simm.s32 $0x0;
	[sflag:s24] =	ssyncadd.s32 $0xFFFFC000  }
0x34: {  	v6 =	vld [tilespmem:s0+$0x8200]  }
0x35: {  	v11 =	vld [tilespmem:s0+$0x8210]  }
0x36: {  	v5 =	vld [tilespmem:s0+$0x8220]  }
0x37: {  	v4 =	vld [tilespmem:s0+$0x8230]  }
0x38: {  	v3 =	vld [tilespmem:s0+$0x8240]  }
0x39: {  	v2 =	vld [tilespmem:s0+$0x8250]  }
0x3a: {  	v1 =	vld [tilespmem:s0+$0x8260]  }
0x3b: {  	v0 =	vld [tilespmem:s0+$0x8270]  }
0x3c: {  	v12 =	vld [tilespmem:s0+$0x200]  }
0x3d: {  	v13 =	vld [tilespmem:s0+$0x210]  }
0x3e: {  	v10 =	vld [tilespmem:s0+$0x220]  }
0x3f: {  	v9 =	vld [tilespmem:s0+$0x230]  }
0x40: {  	v8 =	vld [tilespmem:s0+$0x240]  }
0x41: {  	v7 =	vld [tilespmem:s0+$0x250];
	v12 =	vadd.f32 v6, v12  }
0x42: {  	s1 =	simm.s32 $0x200;
	v11 =	vadd.f32 v11, v13;
	v6 =	vld [tilespmem:s0+$0x260]  }
.LBB2_3:
0x43: {  	s9 =	sshra.s32 s1, $0x2;
	p0 =	sne.s32 s1, $0xFE00;
	v12 =	vmax.f32 v12, $0.0e+00;
	v5 =	vadd.f32 v5, v10;
	v10 =	vld [tilespmem:s0+$0x270]  }
0x44: {  	v13 =	vld [tilespmem:s9+$0x8200];
	[tilespmem:s0+$0x200] =	vst v12;
	v11 =	vmax.f32 v11, $0.0e+00;
	v4 =	vadd.f32 v4, v9  }
0x45: {  	v14 =	vld [tilespmem:s9+$0x8210];
	[tilespmem:s0+$0x210] =	vst v11;
	v9 =	vmax.f32 v5, $0.0e+00;
	v3 =	vadd.f32 v3, v8  }
0x46: {  	v5 =	vld [tilespmem:s9+$0x8220];
	[tilespmem:s0+$0x220] =	vst v9;
	v8 =	vmax.f32 v4, $0.0e+00;
	v2 =	vadd.f32 v2, v7  }
0x47: {  	v4 =	vld [tilespmem:s9+$0x8230];
	[tilespmem:s0+$0x230] =	vst v8;
	v7 =	vmax.f32 v3, $0.0e+00;
	v1 =	vadd.f32 v1, v6  }
0x48: {  	v3 =	vld [tilespmem:s9+$0x8240];
	[tilespmem:s0+$0x240] =	vst v7;
	v6 =	vmax.f32 v2, $0.0e+00;
	v0 =	vadd.f32 v0, v10  }
0x49: {  	v2 =	vld [tilespmem:s9+$0x8250];
	[tilespmem:s0+$0x250] =	vst v6;
	v6 =	vmax.f32 v1, $0.0e+00  }
0x4a: {  	v1 =	vld [tilespmem:s9+$0x8260];
	[tilespmem:s0+$0x260] =	vst v6;
	v6 =	vmax.f32 v0, $0.0e+00  }
0x4b: {  	v0 =	vld [tilespmem:s9+$0x8270];
	[tilespmem:s0+$0x270] =	vst v6;
	s0 =	smov.u32 s9  }
0x4c: {  	v6 =	vld [tilespmem:s0+$0x200]  }
0x4d: {  	v11 =	vld [tilespmem:s0+$0x210]  }
.Ltmp0:
0x4e: {  	v10 =	vld [tilespmem:s0+$0x220];
	(pc) =	sbr.rel @p0 .LBB2_3-.Ltmp0, $4  }
0x4f: {  	v9 =	vld [tilespmem:s0+$0x230]  }
0x50: {  	v8 =	vld [tilespmem:s0+$0x240]  }
0x51: {  	v12 =	vadd.f32 v13, v6;
	v7 =	vld [tilespmem:s0+$0x250]  }
0x52: {  	s1 =	sadd.s32 $0x200, s1;
	v11 =	vadd.f32 v14, v11;
	v6 =	vld [tilespmem:s0+$0x260]  }
0x53: {  	v12 =	vmax.f32 v12, $0.0e+00;
	v5 =	vadd.f32 v5, v10;
	v10 =	vld [tilespmem:s0+$0x270]  }
0x54: {  	[tilespmem:s0+$0x200] =	vst v12;
	v11 =	vmax.f32 v11, $0.0e+00;
	v4 =	vadd.f32 v4, v9  }
0x55: {  	[tilespmem:s0+$0x210] =	vst v11;
	v5 =	vmax.f32 v5, $0.0e+00;
	v3 =	vadd.f32 v3, v8  }
0x56: {  	[tilespmem:s0+$0x220] =	vst v5;
	v4 =	vmax.f32 v4, $0.0e+00;
	v2 =	vadd.f32 v2, v7  }
0x57: {  	[tilespmem:s0+$0x230] =	vst v4;
	v3 =	vmax.f32 v3, $0.0e+00;
	v1 =	vadd.f32 v1, v6  }
0x58: {  	[tilespmem:s0+$0x240] =	vst v3;
	v2 =	vmax.f32 v2, $0.0e+00;
	v0 =	vadd.f32 v0, v10  }
0x59: {  	[tilespmem:s0+$0x250] =	vst v2;
	v1 =	vmax.f32 v1, $0.0e+00  }
0x5a: {  	s31 =	sshll.u32 s31, $0xE;
	[tilespmem:s0+$0x260] =	vst v1;
	v0 =	vmax.f32 v0, $0.0e+00  }
0x5b: {  	[tilespmem:s0+$0x270] =	vst v0;
	s0 =	sadd.s32 s8, s31  }
0x5c: {  	[spmem:s3] =	stream.indirect.scatter.add.f32 [tilespmem:s20], [sflag:$0x5], $0x80, s19, s19, $0xb8;
	[tilespmem:$0x1FE00] =	vst v63  }
0x5d: {  	s0 =	sshrl.u32 s0, $0x3  }
0x5e: {  	s1 =	simm.s32 $0x0;
	s0 =	sadd.s32 s5, s0  }
0x5f: {  	[tilespmem:s21], [sflag:$0x4] =	stream.linear.gather [hbm4b:s0+s1], $0x4000, $0x38;
	[tilespmem:$0x1FE00] =	vst v63  }
0x60: {  	_ =	swait.ge [sflag:s25], $0x4000  }
0x61: {  	[sflag:s25] =	ssyncset.done $0x0  }
0x62: {  	[sflag:s25] =	ssyncadd.s32 $0xFFFFC000  }
0x63: {  	_ =	swait.ge [sflag:s24], $0x4000  }
0x64: {  	[sflag:s24] =	ssyncset.done $0x0  }
0x65: {  	s0 =	simm.s32 $0x0;
	[sflag:s24] =	ssyncadd.s32 $0xFFFFC000  }
0x66: {  	v6 =	vld [tilespmem:s0+$0x8200]  }
0x67: {  	v11 =	vld [tilespmem:s0+$0x8210]  }
0x68: {  	v5 =	vld [tilespmem:s0+$0x8220]  }
0x69: {  	v4 =	vld [tilespmem:s0+$0x8230]  }
0x6a: {  	v3 =	vld [tilespmem:s0+$0x8240]  }
0x6b: {  	v2 =	vld [tilespmem:s0+$0x8250]  }
0x6c: {  	v1 =	vld [tilespmem:s0+$0x8260]  }
0x6d: {  	v0 =	vld [tilespmem:s0+$0x8270]  }
0x6e: {  	v12 =	vld [tilespmem:s0+$0x4200]  }
0x6f: {  	v13 =	vld [tilespmem:s0+$0x4210]  }
0x70: {  	v10 =	vld [tilespmem:s0+$0x4220]  }
0x71: {  	v9 =	vld [tilespmem:s0+$0x4230]  }
0x72: {  	v8 =	vld [tilespmem:s0+$0x4240]  }
0x73: {  	v7 =	vld [tilespmem:s0+$0x4250];
	v12 =	vadd.f32 v6, v12  }
0x74: {  	s1 =	simm.s32 $0x200;
	v11 =	vadd.f32 v11, v13;
	v6 =	vld [tilespmem:s0+$0x4260]  }
.LBB2_5:
0x75: {  	s9 =	sshra.s32 s1, $0x2;
	p0 =	sne.s32 s1, $0xFE00;
	v12 =	vmax.f32 v12, $0.0e+00;
	v5 =	vadd.f32 v5, v10;
	v10 =	vld [tilespmem:s0+$0x4270]  }
0x76: {  	v13 =	vld [tilespmem:s9+$0x8200];
	[tilespmem:s0+$0x4200] =	vst v12;
	v11 =	vmax.f32 v11, $0.0e+00;
	v4 =	vadd.f32 v4, v9  }
0x77: {  	v14 =	vld [tilespmem:s9+$0x8210];
	[tilespmem:s0+$0x4210] =	vst v11;
	v9 =	vmax.f32 v5, $0.0e+00;
	v3 =	vadd.f32 v3, v8  }
0x78: {  	v5 =	vld [tilespmem:s9+$0x8220];
	[tilespmem:s0+$0x4220] =	vst v9;
	v8 =	vmax.f32 v4, $0.0e+00;
	v2 =	vadd.f32 v2, v7  }
0x79: {  	v4 =	vld [tilespmem:s9+$0x8230];
	[tilespmem:s0+$0x4230] =	vst v8;
	v7 =	vmax.f32 v3, $0.0e+00;
	v1 =	vadd.f32 v1, v6  }
0x7a: {  	v3 =	vld [tilespmem:s9+$0x8240];
	[tilespmem:s0+$0x4240] =	vst v7;
	v6 =	vmax.f32 v2, $0.0e+00;
	v0 =	vadd.f32 v0, v10  }
0x7b: {  	v2 =	vld [tilespmem:s9+$0x8250];
	[tilespmem:s0+$0x4250] =	vst v6;
	v6 =	vmax.f32 v1, $0.0e+00  }
0x7c: {  	v1 =	vld [tilespmem:s9+$0x8260];
	[tilespmem:s0+$0x4260] =	vst v6;
	v6 =	vmax.f32 v0, $0.0e+00  }
0x7d: {  	v0 =	vld [tilespmem:s9+$0x8270];
	[tilespmem:s0+$0x4270] =	vst v6;
	s0 =	smov.u32 s9  }
0x7e: {  	v6 =	vld [tilespmem:s0+$0x4200]  }
0x7f: {  	v11 =	vld [tilespmem:s0+$0x4210]  }
.Ltmp1:
0x80: {  	v10 =	vld [tilespmem:s0+$0x4220];
	(pc) =	sbr.rel @p0 .LBB2_5-.Ltmp1, $4  }
0x81: {  	v9 =	vld [tilespmem:s0+$0x4230]  }
0x82: {  	v8 =	vld [tilespmem:s0+$0x4240]  }
0x83: {  	v12 =	vadd.f32 v13, v6;
	v7 =	vld [tilespmem:s0+$0x4250]  }
0x84: {  	s1 =	sadd.s32 $0x200, s1;
	v11 =	vadd.f32 v14, v11;
	v6 =	vld [tilespmem:s0+$0x4260]  }
0x85: {  	v12 =	vmax.f32 v12, $0.0e+00;
	v5 =	vadd.f32 v5, v10;
	v63 =	vld [tilespmem:s0+$0x4270]  }
0x86: {  	[tilespmem:s0+$0x4200] =	vst v12;
	v11 =	vmax.f32 v11, $0.0e+00;
	v4 =	vadd.f32 v4, v9  }
0x87: {  	[tilespmem:s0+$0x4210] =	vst v11;
	v5 =	vmax.f32 v5, $0.0e+00;
	v3 =	vadd.f32 v3, v8  }
0x88: {  	[tilespmem:s0+$0x4220] =	vst v5;
	v4 =	vmax.f32 v4, $0.0e+00;
	v2 =	vadd.f32 v2, v7  }
0x89: {  	[tilespmem:s0+$0x4230] =	vst v4;
	v3 =	vmax.f32 v3, $0.0e+00;
	v1 =	vadd.f32 v1, v6  }
0x8a: {  	[tilespmem:s0+$0x4240] =	vst v3;
	v2 =	vmax.f32 v2, $0.0e+00;
	v0 =	vadd.f32 v0, v63  }
0x8b: {  	[tilespmem:s0+$0x4250] =	vst v2;
	v1 =	vmax.f32 v1, $0.0e+00  }
0x8c: {  	[tilespmem:s0+$0x4260] =	vst v1;
	v0 =	vmax.f32 v0, $0.0e+00  }
0x8d: {  	[tilespmem:s0+$0x4270] =	vst v0  }
0x8e: {  	s30 =	sadd.s32 $0x1, s30;
	_ =	swait.ge [sflag:s26], $0x4000  }
0x8f: {  	p0 =	sne.s32 s30, $0x27;
	[sflag:s26] =	ssyncset.done $0x0  }
.Ltmp2:
0x90: {  	[sflag:s26] =	ssyncadd.s32 $0xFFFFC000;
	(pc) =	sbr.rel @p0 .LBB2_2-.Ltmp2, $4  }
0x91: {  	[spmem:s3] =	stream.indirect.scatter.add.f32 [tilespmem:s22], [sflag:$0x6], $0x80, s28, s19, $0xb8;
	[tilespmem:$0x1FE00] =	vst v63  }
0x92: {  	_ =	swait.ge [sflag:s29], $0x4000  }
0x93: {  	[sflag:s29] =	ssyncset.done $0x0  }
0x94: {  	[sflag:s29] =	ssyncadd.s32 $0xFFFFC000  }
0x95: {  	s0 =	simm.s32 $0x0  }
0x96: {  	[tilespmem:s0], [sflag:$0x1] =	stream.linear.gather [hbm4b:s11+s0], $0x100, $0x38;
	[tilespmem:$0x1FE00] =	vst v63  }
0x97: {  	_ =	swait.ge [sflag:s18], $0x100  }
0x98: {  	[sflag:s18] =	ssyncset.done $0x0  }
0x99: {  	[sflag:s18] =	ssyncadd.s32 $0xFFFFFF00  }
0x9a: {  	[tilespmem:s20], [sflag:$0x2] =	stream.indirect.gather [hbm4b:s2+s19], $0x80, s0, s19, $0xb8;
	[tilespmem:$0x1FE00] =	vst v63  }
0x9b: {  	_ = 	snop  }
0x9c: {  	[tilespmem:s21], [sflag:$0x4] =	stream.linear.gather [hbm4b:s12+s0], $0x4000, $0x38;
	[tilespmem:$0x1FE00] =	vst v63  }
0x9d: {  	_ =	swait.ge [sflag:s23], $0x4000  }
0x9e: {  	[sflag:s23] =	ssyncset.done $0x0  }
0x9f: {  	[sflag:s23] =	ssyncadd.s32 $0xFFFFC000  }
0xa0: {  	_ =	swait.ge [sflag:s24], $0x4000  }
0xa1: {  	[sflag:s24] =	ssyncset.done $0x0  }
0xa2: {  	s0 =	simm.s32 $0x0;
	[sflag:s24] =	ssyncadd.s32 $0xFFFFC000  }
0xa3: {  	v6 =	vld [tilespmem:s0+$0x8200]  }
0xa4: {  	v11 =	vld [tilespmem:s0+$0x8210]  }
0xa5: {  	v5 =	vld [tilespmem:s0+$0x8220]  }
0xa6: {  	v4 =	vld [tilespmem:s0+$0x8230]  }
0xa7: {  	v3 =	vld [tilespmem:s0+$0x8240]  }
0xa8: {  	v2 =	vld [tilespmem:s0+$0x8250]  }
0xa9: {  	v1 =	vld [tilespmem:s0+$0x8260]  }
0xaa: {  	v0 =	vld [tilespmem:s0+$0x8270]  }
0xab: {  	v12 =	vld [tilespmem:s0+$0x200]  }
0xac: {  	v13 =	vld [tilespmem:s0+$0x210]  }
0xad: {  	v10 =	vld [tilespmem:s0+$0x220]  }
0xae: {  	v9 =	vld [tilespmem:s0+$0x230]  }
0xaf: {  	v8 =	vld [tilespmem:s0+$0x240]  }
0xb0: {  	v7 =	vld [tilespmem:s0+$0x250];
	v12 =	vadd.f32 v6, v12  }
0xb1: {  	s1 =	simm.s32 $0x200;
	v11 =	vadd.f32 v11, v13;
	v6 =	vld [tilespmem:s0+$0x260]  }
.LBB2_8:
0xb2: {  	s9 =	sshra.s32 s1, $0x2;
	p0 =	sne.s32 s1, $0xFE00;
	v12 =	vmax.f32 v12, $0.0e+00;
	v5 =	vadd.f32 v5, v10;
	v10 =	vld [tilespmem:s0+$0x270]  }
0xb3: {  	v13 =	vld [tilespmem:s9+$0x8200];
	[tilespmem:s0+$0x200] =	vst v12;
	v11 =	vmax.f32 v11, $0.0e+00;
	v4 =	vadd.f32 v4, v9  }
0xb4: {  	v14 =	vld [tilespmem:s9+$0x8210];
	[tilespmem:s0+$0x210] =	vst v11;
	v9 =	vmax.f32 v5, $0.0e+00;
	v3 =	vadd.f32 v3, v8  }
0xb5: {  	v5 =	vld [tilespmem:s9+$0x8220];
	[tilespmem:s0+$0x220] =	vst v9;
	v8 =	vmax.f32 v4, $0.0e+00;
	v2 =	vadd.f32 v2, v7  }
0xb6: {  	v4 =	vld [tilespmem:s9+$0x8230];
	[tilespmem:s0+$0x230] =	vst v8;
	v7 =	vmax.f32 v3, $0.0e+00;
	v1 =	vadd.f32 v1, v6  }
0xb7: {  	v3 =	vld [tilespmem:s9+$0x8240];
	[tilespmem:s0+$0x240] =	vst v7;
	v6 =	vmax.f32 v2, $0.0e+00;
	v0 =	vadd.f32 v0, v10  }
0xb8: {  	v2 =	vld [tilespmem:s9+$0x8250];
	[tilespmem:s0+$0x250] =	vst v6;
	v6 =	vmax.f32 v1, $0.0e+00  }
0xb9: {  	v1 =	vld [tilespmem:s9+$0x8260];
	[tilespmem:s0+$0x260] =	vst v6;
	v6 =	vmax.f32 v0, $0.0e+00  }
0xba: {  	v0 =	vld [tilespmem:s9+$0x8270];
	[tilespmem:s0+$0x270] =	vst v6;
	s0 =	smov.u32 s9  }
0xbb: {  	v6 =	vld [tilespmem:s0+$0x200]  }
0xbc: {  	v11 =	vld [tilespmem:s0+$0x210]  }
.Ltmp3:
0xbd: {  	v10 =	vld [tilespmem:s0+$0x220];
	(pc) =	sbr.rel @p0 .LBB2_8-.Ltmp3, $4  }
0xbe: {  	v9 =	vld [tilespmem:s0+$0x230]  }
0xbf: {  	v8 =	vld [tilespmem:s0+$0x240]  }
0xc0: {  	v12 =	vadd.f32 v13, v6;
	v7 =	vld [tilespmem:s0+$0x250]  }
0xc1: {  	s1 =	sadd.s32 $0x200, s1;
	v11 =	vadd.f32 v14, v11;
	v6 =	vld [tilespmem:s0+$0x260]  }
0xc2: {  	v12 =	vmax.f32 v12, $0.0e+00;
	v5 =	vadd.f32 v5, v10;
	v63 =	vld [tilespmem:s0+$0x270]  }
0xc3: {  	[tilespmem:s0+$0x200] =	vst v12;
	v11 =	vmax.f32 v11, $0.0e+00;
	v4 =	vadd.f32 v4, v9  }
0xc4: {  	[tilespmem:s0+$0x210] =	vst v11;
	v5 =	vmax.f32 v5, $0.0e+00;
	v3 =	vadd.f32 v3, v8  }
0xc5: {  	[tilespmem:s0+$0x220] =	vst v5;
	v4 =	vmax.f32 v4, $0.0e+00;
	v2 =	vadd.f32 v2, v7  }
0xc6: {  	[tilespmem:s0+$0x230] =	vst v4;
	v3 =	vmax.f32 v3, $0.0e+00;
	v1 =	vadd.f32 v1, v6  }
0xc7: {  	[tilespmem:s0+$0x240] =	vst v3;
	v2 =	vmax.f32 v2, $0.0e+00;
	v0 =	vadd.f32 v0, v63  }
0xc8: {  	[tilespmem:s0+$0x250] =	vst v2;
	v1 =	vmax.f32 v1, $0.0e+00  }
0xc9: {  	[tilespmem:s0+$0x260] =	vst v1;
	v0 =	vmax.f32 v0, $0.0e+00  }
0xca: {  	[tilespmem:s0+$0x270] =	vst v0  }
0xcb: {  	[spmem:s3] =	stream.indirect.scatter.add.f32 [tilespmem:s20], [sflag:$0x7], $0x80, s19, s19, $0xb8;
	[tilespmem:$0x1FE00] =	vst v63  }
0xcc: {  	_ =	swait.ge [sflag:s16], $0x4000  }
0xcd: {  	s4 =	sadd.s32 $0x1, s4;
	[sflag:s16] =	ssyncset.done $0x0  }
0xce: {  	p0 =	sne.s32 s4, s14;
	[sflag:s16] =	ssyncadd.s32 $0xFFFFC000  }
.Ltmp4:
0xcf: {  	[bflag:$0x0] =	sbarrier.arrive $0xFFFF;
	(pc) =	sbr.rel @p0 .LBB2_1-.Ltmp4, $4  }
0xd0: {  	[hbm:s13], [sflag:s10] =	dma.local [spmem:s15], $0x2780  }
0xd1: {  	_ =	swait.ge [sflag:s16], $0x2780  }
0xd2: {  	[sflag:s16] =	ssyncset.done $0x0  }
0xd3: {  	[sflag:s16] =	ssyncadd.s32 $0xFFFFD880  }
0xd4: {  	_ =	sfence.sel $0x180000  }
0xd5: {  	[bflag:$0x0] =	sbarrier.arrive $0xFFFF  }
0xd6: {  	_ =	strace $0x9000004D  }
0xd7: {  	s0 =	stileid.u32;
	[bflag:$0x2] =	sbarrier.arrive $0xFFFF  }
0xd8: {  	p0 =	sne.s32 s0, $0x0;
	s0 =	rddreg [dreg:$0x3]  }
0xd9: {  	s0 =	sadd.s32 @!p0 $0x100000, s0  }
0xda: {  	[sflag:s0] =	ssyncadd.tile.s32 @!p0 $0x1;
	_ =	shalt  }
.Lfunc_end2:
_tile_overlayer_lowered:
.L_overlay_start_2:
0xdb: {  	(tag) =	ssettag $0x2  }
0xdc: {  	s0 =	rddreg [dreg:$0x0];
	s2 =	stileid.u32  }
0xdd: {  	s1 =	rddreg [dreg:$0x1];
	p0 =	sne.s32 s2, $0x0  }
0xde: {  	s3 =	rddreg [dreg:$0x2];
	[bflag:$0x3] =	sbarrier.arrive $0xFFFF;
	s2 =	simm.s32 @!p0 $0x1C07  }
0xdf: {  	[timem:s3], [sflag:s2] =	dma.local @!p0 [hbm:s0], s1  }
0xe0: {  	s0 =	simm.s32 @!p0 $0x7  }
0xe1: {  	_ =	swait.ge @!p0 [sflag:s0], s1  }
0xe2: {  	s1 =	ssub.s32 @!p0 $0x0, s1;
	[sflag:s0] =	ssyncset.done @!p0 $0x0  }
0xe3: {  	[sflag:s0] =	ssyncadd.s32 @!p0 s1  }
0xe4: {  	[bflag:$0x3] =	sbarrier.arrive $0xFFFF  }
0xe5: {  	_ =	shalt  }

// kernel: kernel.9.cloned.1.call-start
scs
__scs_entry_jumppad:
0x0: {  	(pc) =	sbr.rel $0x88, $3  }
0x1: {  	(tag) =	ssettag $0x0;
	lr =	simm.s32 $0x1  }
0x2: {  	[smem:$0x3F96] =	sst lr;
	_ =	strace $0xD0000000  }
0x3: {  	_ = 	snop  }
0x4: {  	_ = 	snop  }
0x5: {  	_ = 	snop  }
0x6: {  	_ = 	snop  }
0x7: {  	_ = 	snop  }
__scs_overlays_trampoline_lowered:
0x8: {  	[smem:$0x3FA5] =	sst s0  }
0x9: {  	[smem:$0x3FA6] =	sst s1  }
0xa: {  	[smem:$0x3FA7] =	sst s2  }
0xb: {  	[smem:$0x3FA8] =	sst s3  }
0xc: {  	[smem:$0x3FA9] =	sst s4  }
0xd: {  	[smem:$0x3FAA] =	sst s5  }
0xe: {  	[smem:$0x3FAB] =	sst s6  }
0xf: {  	[smem:$0x3FAC] =	sst s7  }
0x10: {  	[smem:$0x3FAD] =	sst s8  }
0x11: {  	[smem:$0x3FAE] =	sst s9;
	s0 =	simm.s32 @!p0 $0x0  }
0x12: {  	s1 =	sld [smem:$0x3F94];
	s0 =	simm.s32 @p0 $0x1  }
0x13: {  	[smem:$0x3FAF] =	sst s0;
	s0 =	simm.s32 @!p1 $0x0  }
0x14: {  	s2 =	sld [smem:$0x3F93];
	s0 =	simm.s32 @p1 $0x1  }
0x15: {  	[smem:$0x3FB0] =	sst s0;
	s0 =	simm.s32 @!p2 $0x0  }
0x16: {  	s3 =	sld [smem:$0x3FDB];
	s0 =	simm.s32 @p2 $0x1  }
0x17: {  	s4 =	simm.s32 $0x1BF5;
	[smem:$0x3FB2] =	sst s0  }
0x18: {  	s0 =	sld [smem:$0x3F95];
	_ =	swait.ge [sflag:s4], $0x0  }
0x19: {  	s7 =	sld [smem:$0x3F96]  }
0x1a: {  	s8 =	sadd.s32 $0xFFFFE003, lr  }
0x1b: {  	s9 =	sadd.s32 $0xFFFFFEF7, lr;
	s5 =	simm.s32 $0xFFFFFFFF;
	p2 =	slt.u32 s8, $0xFFFFF086  }
0x1c: {  	p1 =	slt.u32 s9, $0xF7A;
	s5 =	simm.s32 @!p2 $0x0  }
0x1d: {  	s5 =	simm.s32 @p1 $0x1;
	p0 =	seq.s32 s7, s2  }
0x1e: {  	s7 =	smul.u32 @!p0 $0xF7A, s2;
	p2 =	seq.s32 @!p0 s5, $0x0  }
0x1f: {  	s9 =	smul.u32 $0xF7A, s1;
	s8 =	simm.s32 @!p0 $0x1BF5;
	p2 =	por !p2, p0  }
0x20: {  	[sflag:s8] =	ssyncset.s32 @!p0 $0xFFFFF086;
	s6 =	sadd.s32 @!p0 s3, s7;
	s7 =	simm.s32 @!p0 $0x108  }
0x21: {  	s3 =	sadd.s32 s3, s9;
	s6 =	sadd.s32 @!p0 $0x88, s6;
	s7 =	simm.s32 @p2 $0x1082  }
0x22: {  	[simem:s7], [sflag:s8] =	dma.local @!p0 [hbm:s6], $0xF7A  }
0x23: {  	s9 =	sor.u32 $0xD0000000, s2;
	s6 =	simm.s32 $0x108;
	_ =	swait.ge @!p0 [sflag:s8], $0x0  }
0x24: {  	s3 =	sadd.s32 $0x88, s3;
	s6 =	simm.s32 @!p1 $0x1082;
	[sflag:s4] =	ssyncset.s32 $0xFFFFF086  }
0x25: {  	[simem:s6], [sflag:s4] =	dma.local [hbm:s3], $0xF7A  }
0x26: {  	[smem:$0x3F96] =	sst s1;
	(tag) =	ssettag s2;
	_ =	strace s9  }
0x27: {  	s1 =	sld [smem:$0x3FA6]  }
0x28: {  	s2 =	sld [smem:$0x3FA7]  }
0x29: {  	s4 =	sld [smem:$0x3FA9]  }
0x2a: {  	p0 =	seq.s32 s5, $0x0;
	s5 =	sld [smem:$0x3FAA]  }
0x2b: {  	s6 =	sld [smem:$0x3FAB]  }
0x2c: {  	s7 =	sld [smem:$0x3FAC]  }
0x2d: {  	s3 =	simm.s32 $0x108;
	s8 =	sld [smem:$0x3FAD]  }
0x2e: {  	s3 =	simm.s32 @!p0 $0x1082;
	s9 =	sld [smem:$0x3FAE]  }
0x2f: {  	lr =	sadd.s32 s0, s3;
	s0 =	sld [smem:$0x3FA5]  }
0x30: {  	s3 =	sld [smem:$0x3FA8]  }
0x31: {  	[smem:$0x3FB1] =	sst s10  }
0x32: {  	s10 =	sld [smem:$0x3FAF];
	_ =	sdelay $0x3  }
0x33: {  	p0 =	seq.s32 s10, $0x1;
	s10 =	sld [smem:$0x3FB1];
	_ =	sdelay $0x3  }
0x34: {  	[smem:$0x3FB1] =	sst s10  }
0x35: {  	s10 =	sld [smem:$0x3FB0];
	_ =	sdelay $0x3  }
0x36: {  	p1 =	seq.s32 s10, $0x1;
	s10 =	sld [smem:$0x3FB1];
	_ =	sdelay $0x3  }
0x37: {  	[smem:$0x3FB1] =	sst s10  }
0x38: {  	s10 =	sld [smem:$0x3FB2]  }
0x39: {  	_ = 	snop;
	(pc) =	sbr.ind lr, $3  }
0x3a: {  	_ = 	snop  }
0x3b: {  	_ = 	snop  }
0x3c: {  	p2 =	seq.s32 s10, $0x1;
	s10 =	sld [smem:$0x3FB1]  }
0x3d: {  	_ =	shalt  }
0x3e: {  	_ =	shalt  }
0x3f: {  	_ =	shalt  }
0x40: {  	_ =	shalt  }
0x41: {  	_ =	shalt  }
0x42: {  	_ =	shalt  }
0x43: {  	_ =	shalt  }
0x44: {  	_ =	shalt  }
0x45: {  	_ =	shalt  }
0x46: {  	_ =	shalt  }
0x47: {  	_ =	shalt  }
0x48: {  	_ =	shalt  }
0x49: {  	_ =	shalt  }
0x4a: {  	_ =	shalt  }
0x4b: {  	_ =	shalt  }
0x4c: {  	_ =	shalt  }
0x4d: {  	_ =	shalt  }
0x4e: {  	_ =	shalt  }
0x4f: {  	_ =	shalt  }
0x50: {  	_ =	shalt  }
0x51: {  	_ =	shalt  }
0x52: {  	_ =	shalt  }
0x53: {  	_ =	shalt  }
0x54: {  	_ =	shalt  }
0x55: {  	_ =	shalt  }
0x56: {  	_ =	shalt  }
0x57: {  	_ =	shalt  }
0x58: {  	_ =	shalt  }
0x59: {  	_ =	shalt  }
0x5a: {  	_ =	shalt  }
0x5b: {  	_ =	shalt  }
0x5c: {  	_ =	shalt  }
0x5d: {  	_ =	shalt  }
0x5e: {  	_ =	shalt  }
0x5f: {  	_ =	shalt  }
0x60: {  	_ =	shalt  }
0x61: {  	_ =	shalt  }
0x62: {  	_ =	shalt  }
0x63: {  	_ =	shalt  }
0x64: {  	_ =	shalt  }
0x65: {  	_ =	shalt  }
0x66: {  	_ =	shalt  }
0x67: {  	_ =	shalt  }
0x68: {  	_ =	shalt  }
0x69: {  	_ =	shalt  }
0x6a: {  	_ =	shalt  }
0x6b: {  	_ =	shalt  }
0x6c: {  	_ =	shalt  }
0x6d: {  	_ =	shalt  }
0x6e: {  	_ =	shalt  }
0x6f: {  	_ =	shalt  }
0x70: {  	_ =	shalt  }
0x71: {  	_ =	shalt  }
0x72: {  	_ =	shalt  }
0x73: {  	_ =	shalt  }
0x74: {  	_ =	shalt  }
0x75: {  	_ =	shalt  }
0x76: {  	_ =	shalt  }
0x77: {  	_ =	shalt  }
0x78: {  	_ =	shalt  }
0x79: {  	_ =	shalt  }
0x7a: {  	_ =	shalt  }
0x7b: {  	_ =	shalt  }
0x7c: {  	_ =	shalt  }
0x7d: {  	_ =	shalt  }
0x7e: {  	_ =	shalt  }
0x7f: {  	_ =	shalt  }
0x80: {  	_ =	shalt  }
0x81: {  	_ =	shalt  }
0x82: {  	_ =	shalt  }
0x83: {  	_ =	shalt  }
0x84: {  	_ =	shalt  }
0x85: {  	_ =	shalt  }
0x86: {  	_ =	shalt  }
0x87: {  	_ =	shalt  }
.Lfunc_end0:
.L_simem_size_0:
called_computation_lowered:
.L_overlay_start_0:
0x88: {  	s2 =	sld [smem:$0x3FD9]  }
0x89: {  	s3 =	sld [smem:$0x3FFE];
	_ =	sdelay $0x1  }
0x8a: {  	s1 =	srdreg.scid  }
0x8b: {  	s0 =	sand.u32 $0x1, s1  }
0x8c: {  	s17 =	sshll.u32 s0, $0xA;
	s2 =	sadd.s32 s3, s2  }
0x8d: {  	s2 =	sadd.s32 s2, s17  }
0x8e: {  	[smem:$0x3FBD] =	sst s2  }
0x8f: {  	_ = 	snop  }
0x90: {  	(tm) =	ssettm $0x1  }
0x91: {  	s18 =	sld [smem:$0x3FFB];
	_ =	sdelay $0x3  }
0x92: {  	_ =	strace s18  }
0x93: {  	s2 =	sld [smem:$0x3FFC];
	_ =	sdelay $0x3  }
0x94: {  	_ =	strace s2  }
0x95: {  	s2 =	sld [smem:$0x3FFD];
	_ =	sdelay $0x3  }
0x96: {  	_ =	strace s2  }
0x97: {  	_ =	strace $0x8FFFFFFF  }
0x98: {  	s19 =	sld [smem:$0x3FDB];
	_ =	sdelay $0x1  }
0x99: {  	s20 =	simm.s32 $_scs_section_size  }
0x9a: {  	s4 =	simm.s32 $_size__tile_overlayer_lowered;
	s5 =	simm.s32 $_tile_overlayer_lowered  }
0x9b: {  	s6 =	simm.s32 $0x1BFF;
	s21 =	sshll.u32 s5, $0x1;
	s3 =	sadd.s32 s20, s19  }
0x9c: {  	s22 =	simm.s32 $0x0;
	s4 =	sshll.u32 s4, $0x1;
	s5 =	sadd.s32 s21, s3  }
0x9d: {  	[timem:s22], [sflag:s6] =	dma.local [hbm:s5], s4  }
0x9e: {  	_ =	swait.ge [sflag:s6], s4  }
0x9f: {  	s4 =	ssub.s32 $0x0, s4;
	[sflag:s6] =	ssyncset.done $0x0  }
0xa0: {  	[sflag:s6] =	ssyncadd.s32 s4;
	_ =	sdelay $0x1  }
0xa1: {  	s23 =	simm.s32 $0x1B8B  }
0xa2: {  	_ =	swait.ge [sflag:s23], $0x1  }
0xa3: {  	[sflag:s23] =	ssyncset.done $0x0  }
0xa4: {  	[sflag:s23] =	ssyncadd.s32 $0xFFFFFFFF  }
0xa5: {  	s4 =	sld [smem:$0x0]  }
0xa6: {  	s5 =	sand.u32 $0xFFFFFFFE, s1  }
0xa7: {  	p0 =	sne.s32 s1, s5  }
0xa8: {  	s5 =	sshll.u32 @p0 s5, $0xE  }
0xa9: {  	s5 =	sadd.s32 @p0 $0x11B8D, s5;
	s6 =	sshll.u32 @p0 s4, $0x11  }
0xaa: {  	s5 =	sor.u32 @p0 s6, s5  }
0xab: {  	[sflag:s5] =	ssyncadd.remote.s32 @p0 $0x1;
	_ =	sdelay $0x1  }
0xac: {  	s5 =	simm.s32 @p0 $0x1B8D  }
0xad: {  	_ =	swait.eq @p0 [sflag:s5], $0x1  }
0xae: {  	[sflag:s5] =	ssyncadd.s32 @p0 $0xFFFFFFFF  }
0xaf: {  	s6 =	sshll.u32 @!p0 s1, $0xE  }
0xb0: {  	s6 =	sor.u32 @!p0 $0x4000, s6;
	s5 =	simm.s32 @!p0 $0x1B8D  }
0xb1: {  	s4 =	sshll.u32 @!p0 s4, $0x11;
	s6 =	sadd.s32 @!p0 $0x11B8D, s6;
	_ =	swait.eq @!p0 [sflag:s5], $0x1  }
0xb2: {  	s4 =	sor.u32 @!p0 s4, s6;
	[sflag:s5] =	ssyncadd.s32 @!p0 $0xFFFFFFFF  }
0xb3: {  	s25 =	simm.s32 $0x1B8E;
	s24 =	sld [smem:$0x3FFE];
	[sflag:s4] =	ssyncadd.remote.s32 @!p0 $0x1  }
0xb4: {  	s26 =	simm.s32 $execute0_lowered;
	[smem:$0x3FD2] =	sst s25  }
0xb5: {  	s5 =	sshll.u32 s26, $0x1;
	_ =	strace $0x80000049;
	[dreg:$0x1] =	wrdreg $0xFFFFFFFF  }
0xb6: {  	s28 =	simm.s32 $_size_execute0_lowered;
	s3 =	sadd.s32 s3, s5;
	[dreg:$0x0] =	wrdreg $0x0  }
0xb7: {  	s5 =	sshll.u32 s28, $0x1;
	[dreg:$0x2] =	wrdreg s3  }
0xb8: {  	[dreg:$0x3] =	wrdreg s5  }
0xb9: {  	[dreg:$0x4] =	wrdreg $0xC0  }
0xba: {  	_ =	task [dreg:s22], $0x5FFFF  }
0xbb: {  	[dreg:$0x1] =	wrdreg $0xFFFFFFFF  }
0xbc: {  	[dreg:$0x0] =	wrdreg $0x60  }
0xbd: {  	[dreg:$0x2] =	wrdreg s24  }
0xbe: {  	[dreg:$0x3] =	wrdreg $0x40800  }
0xbf: {  	[dreg:$0x4] =	wrdreg $0x9  }
0xc0: {  	_ =	task.clear_ibuf [dreg:s22], $0x5FFFF;
	_ =	strace $0x90000049  }
0xc1: {  	s29 =	simm.s32 $0x9;
	_ =	strace $0x8000004B  }
0xc2: {  	_ =	swait.ge [sflag:s29], $0x1  }
0xc3: {  	[sflag:s29] =	ssyncadd.s32 $0xFFFFFFFF  }
0xc4: {  	_ =	strace $0x9000004B  }
0xc5: {  	_ =	sfence  }
0xc6: {  	s30 =	sld [smem:$0x0];
	_ =	sdelay $0x2  }
0xc7: {  	s31 =	sshll.u32 s1, $0xD;
	s1 =	sshrl.u32 s1, $0x2  }
0xc8: {  	s4 =	sand.u32 $0x4000, s31;
	s1 =	sadd.s32 s1, s30  }
0xc9: {  	s0 =	sor.u32 s4, s0;
	s1 =	sshll.u32 s1, $0x11  }
0xca: {  	s0 =	sor.u32 s1, s0  }
0xcb: {  	s0 =	sadd.s32 $0x8F2B, s0  }
0xcc: {  	[sflag:s0] =	ssyncadd.remote.s32 $0x1  }
0xcd: {  	_ =	sfence.sel $0xFFFF  }
0xce: {  	[dreg:$0x0] =	wrdreg $0xFFFFFFFF;
	(pc) =	sbr.abs _section_cstart, $3  }
0xcf: {  	[dreg:$0x1] =	wrdreg $0xFFFFFFFF  }
0xd0: {  	_ =	task.clear_ibuf [dreg:s22], $0x2FFFF;
	_ =	strace $0x9FFFFFFF  }
0xd1: {  	(tm) =	ssettm $0x7FFFFFFF  }
tec
execute0_lowered:
.L_overlay_start_1:
0x0: {  	(tag) =	ssettag $0x1  }
0x1: {  	s5 =	rddreg [dreg:$0x0]  }
0x2: {  	s1 =	srdreg.scid;
	s0 =	stileid.u32  }
0x3: {  	s2 =	rddreg [dreg:$0x1];
	s3 =	simm.s32 $0x0;
	s4 =	smul.u32 $0x2780, s0  }
0x4: {  	s6 =	sand.u32 $0x1, s1;
	s1 =	rddreg [dreg:$0x2];
	s9 =	smul.u32 $0x13C00, s0  }
0x5: {  	s14 =	simm.s32 $0x0;
	[smem:$0x7FF] =	sst s3;
	s11 =	smul.u32 $0x4F000, s0  }
0x6: {  	s30 =	sshll.u32 s0, $0x6;
	s13 =	sshll.u32 s0, $0x4;
	s7 =	smul.u32 $0x13C000, s6  }
0x7: {  	s8 =	sshll.u32 s6, $0x8;
	_ =	strace $0x8000004A;
	s25 =	ssub.s32 $0x2, s6  }
0x8: {  	s28 =	sshll.u32 s6, $0x4;
	s6 =	sor.u32 $0x1C01, s30;
	s10 =	sadd.s32 s8, s5  }
0x9: {  	s24 =	sadd.s32 s4, s5;
	s4 =	sadd.s32 $0x4800, s5;
	s12 =	sshrl.u32 s25, $0x1  }
0xa: {  	s26 =	sshrl.u32 s11, $0x2;
	s7 =	sadd.s32 s9, s7;
	s9 =	ssub.s32 s25, s12  }
0xb: {  	s29 =	sadd.s32 s26, s2;
	s31 =	sadd.s32 s13, s10;
	s10 =	sor.u32 s28, s0  }
0xc: {  	s12 =	simm.s32 $0x1;
	s13 =	simm.s32 $0x80;
	s7 =	sshrl.u32 s7, $0x3  }
0xd: {  	s8 =	smax.u32 s9, $0x1;
	s9 =	sadd.s32 $0x4E7800, s31;
	s7 =	sadd.s32 s7, s5  }
0xe: {  	s11 =	sshrl.u32 s29, $0x3;
	s5 =	sadd.s32 $0x40600, s24;
	s7 =	sadd.s32 $0xB6E00, s7  }
.LBB2_1:
0xf: {  	[spmem:s11], [sflag:s6] =	dma.local [hbm:s5], $0x2780  }
0x10: {  	_ =	swait.ge [sflag:s12], $0x2780  }
0x11: {  	[sflag:s12] =	ssyncset.done $0x0  }
0x12: {  	[sflag:s12] =	ssyncadd.s32 $0xFFFFD880  }
0x13: {  	[tilespmem:s13], [sflag:$0x1] =	stream.linear.gather [hbm4b:s4+s3], $0x4000, $0x38;
	[tilespmem:$0x17C80] =	vst v63  }
0x14: {  	_ =	swait.ge [sflag:s12], $0x4000  }
0x15: {  	s15 =	sadd.s32 $0x0, s10;
	[sflag:s12] =	ssyncset.done $0x0  }
0x16: {  	p0 =	sgt.u32 s15, $0x9C3;
	[sflag:s12] =	ssyncadd.s32 $0xFFFFC000  }
0x17: {  	s16 =	simm.s32 @!p0 $0x0;
	s17 =	simm.s32 @!p0 $0x2;
	[bflag:$0x0] =	sbarrier.arrive $0xFFFF  }
0x18: {  	[tilespmem:s16], [sflag:$0x2] =	stream.linear.gather @!p0 [hbm4b:s9+s16], $0x80, $0x38;
	[tilespmem:$0x17C80] =	vst v63  }
0x19: {  	_ =	swait.ge @!p0 [sflag:s17], $0x80  }
0x1a: {  	s31 =	sadd.s32 $0x20, s10;
	[sflag:s17] =	ssyncset.done @!p0 $0x0  }
0x1b: {  	s18 =	simm.s32 @!p0 $0x80;
	[sflag:s17] =	ssyncadd.s32 @!p0 $0xFFFFFF80;
	s17 =	simm.s32 @!p0 $0x1  }
0x1c: {  	[spmem:s2] =	stream.indirect.scatter.add.f32 @!p0 [tilespmem:s18], [sflag:$0x1], $0x80, s16, s18, $0xb8;
	[tilespmem:$0x17C80] =	vst v63  }
0x1d: {  	s15 =	simm.s32 $0x40;
	p1 =	por p0, p0;
	_ =	swait.ge @!p0 [sflag:s17], $0x4000  }
0x1e: {  	s16 =	sadd.s32 $0x200, s9;
	p0 =	sgt.u32 s31, $0x9C3;
	[sflag:s17] =	ssyncset.done @!p1 $0x0  }
.LBB2_2:
0x1f: {  	s18 =	simm.s32 @!p0 $0x0;
	s19 =	simm.s32 @!p0 $0x2  }
0x20: {  	[sflag:s17] =	ssyncadd.s32 @!p1 $0xFFFFC000;
	s20 =	smov.u32 s15;
	s15 =	sadd.s32 $0x20, s15  }
0x21: {  	[tilespmem:s18], [sflag:$0x2] =	stream.linear.gather @!p0 [hbm4b:s16+s18], $0x80, $0x38;
	[tilespmem:$0x17C80] =	vst v63  }
0x22: {  	p2 =	sne.s32 s15, $0x9E0;
	_ =	swait.ge @!p0 [sflag:s19], $0x80  }
.Ltmp0:
0x23: {  	[sflag:s19] =	ssyncset.done @!p0 $0x0;
	(pc) =	sbr.rel @p2 .LBB2_2-.Ltmp0, $4  }
0x24: {  	s17 =	simm.s32 @!p0 $0x1;
	[sflag:s19] =	ssyncadd.s32 @!p0 $0xFFFFFF80;
	s19 =	simm.s32 @!p0 $0x80  }
0x25: {  	[spmem:s2] =	stream.indirect.scatter.add.f32 @!p0 [tilespmem:s19], [sflag:$0x1], $0x80, s18, s19, $0xb8;
	[tilespmem:$0x17C80] =	vst v63  }
0x26: {  	p1 =	por p0, p0;
	s18 =	sadd.s32 s20, s10;
	_ =	swait.ge @!p0 [sflag:s17], $0x4000  }
0x27: {  	s16 =	sadd.s32 $0x200, s16;
	p0 =	sgt.u32 s18, $0x9C3;
	[sflag:s17] =	ssyncset.done @!p1 $0x0  }
0x28: {  	s15 =	simm.s32 @!p0 $0x0;
	s18 =	simm.s32 @!p0 $0x2;
	[sflag:s17] =	ssyncadd.s32 @!p1 $0xFFFFC000  }
0x29: {  	[tilespmem:s15], [sflag:$0x2] =	stream.linear.gather @!p0 [hbm4b:s16+s15], $0x80, $0x38;
	[tilespmem:$0x17C80] =	vst v63  }
0x2a: {  	_ =	swait.ge @!p0 [sflag:s18], $0x80  }
0x2b: {  	[sflag:s18] =	ssyncset.done @!p0 $0x0  }
0x2c: {  	s17 =	simm.s32 @!p0 $0x1;
	s16 =	simm.s32 @!p0 $0x80;
	[sflag:s18] =	ssyncadd.s32 @!p0 $0xFFFFFF80  }
0x2d: {  	[spmem:s2] =	stream.indirect.scatter.add.f32 @!p0 [tilespmem:s16], [sflag:$0x1], $0x80, s15, s16, $0xb8;
	[tilespmem:$0x17C80] =	vst v63  }
0x2e: {  	_ =	swait.ge @!p0 [sflag:s17], $0x4000;
	p0 =	por p0, p0  }
0x2f: {  	s14 =	sadd.s32 $0x1, s14;
	[sflag:s17] =	ssyncset.done @!p0 $0x0  }
0x30: {  	[sflag:s17] =	ssyncadd.s32 @!p0 $0xFFFFC000;
	p0 =	sne.s32 s14, s8  }
.Ltmp1:
0x31: {  	[bflag:$0x0] =	sbarrier.arrive $0xFFFF;
	(pc) =	sbr.rel @p0 .LBB2_1-.Ltmp1, $4  }
0x32: {  	[hbm:s7], [sflag:s6] =	dma.local [spmem:s11], $0x2780  }
0x33: {  	_ =	swait.ge [sflag:s12], $0x2780  }
0x34: {  	[sflag:s12] =	ssyncset.done $0x0  }
0x35: {  	[sflag:s12] =	ssyncadd.s32 $0xFFFFD880  }
0x36: {  	_ =	sfence.sel $0x180000  }
0x37: {  	[bflag:$0x0] =	sbarrier.arrive $0xFFFF  }
0x38: {  	p0 =	sne.s32 s0, $0x0;
	_ =	strace $0x9000004A  }
0x39: {  	s0 =	sadd.s32 @!p0 $0x100000, s1;
	[bflag:$0x2] =	sbarrier.arrive $0xFFFF  }
0x3a: {  	[sflag:s0] =	ssyncadd.tile.s32 @!p0 $0x1;
	_ =	shalt  }
.Lfunc_end2:
_tile_overlayer_lowered:
.L_overlay_start_2:
0x3b: {  	(tag) =	ssettag $0x2  }
0x3c: {  	s0 =	rddreg [dreg:$0x0];
	s2 =	stileid.u32  }
0x3d: {  	s1 =	rddreg [dreg:$0x1];
	p0 =	sne.s32 s2, $0x0  }
0x3e: {  	s3 =	rddreg [dreg:$0x2];
	[bflag:$0x3] =	sbarrier.arrive $0xFFFF;
	s2 =	simm.s32 @!p0 $0x1C01  }
0x3f: {  	[timem:s3], [sflag:s2] =	dma.local @!p0 [hbm:s0], s1  }
0x40: {  	s0 =	simm.s32 @!p0 $0x1  }
0x41: {  	_ =	swait.ge @!p0 [sflag:s0], s1  }
0x42: {  	s1 =	ssub.s32 @!p0 $0x0, s1;
	[sflag:s0] =	ssyncset.done @!p0 $0x0  }
0x43: {  	[sflag:s0] =	ssyncadd.s32 @!p0 s1  }
0x44: {  	[bflag:$0x3] =	sbarrier.arrive $0xFFFF  }
0x45: {  	_ =	shalt  }

</sc_bundles>
